<compile_context>
chip_gen: v7x
topology: tpu7x:2x2x1
jax: 0.10.2.dev20260603
libtpu: 0.0.44.dev20260713+nightly
codegen_flags: <defaults>
</compile_context>

<pallas_src>
import functools

import jax
import jax.numpy as jnp
from jax import lax
from jax.experimental import pallas as pl
from jax.experimental.pallas import tpu as pltpu
from jax.experimental.pallas import tpu_sc as plsc

N = 10000
E = 320000
D = 128

NC = 2
NS = 16
NW = NC * NS
EPW = E // NW
EPT = 10240
BATCH = 80
NBATCH = EPT // BATCH
PAIRS = NBATCH // 2
ADDS = BATCH // 16
NP = 10112
RPT = NP // NS

_mesh = plsc.VectorSubcoreMesh(core_axis_name="c", subcore_axis_name="s")
_sc_params = pltpu.CompilerParams(needs_layout_passes=False)


@functools.partial(
    pl.kernel,
    mesh=_mesh,
    out_type=jax.ShapeDtypeStruct((NW, 2, N), jnp.float32),
    name="gcn_degrees",
    compiler_params=_sc_params,
    scratch_types=[
        pltpu.VMEM((EPT,), jnp.int32),
        pltpu.VMEM((EPT,), jnp.int32),
        pltpu.VMEM((2, N), jnp.float32),
    ],
)
def _deg_kernel(src_hbm, dst_hbm, out_hbm, sidx, didx, deg2):
    c = lax.axis_index("c")
    s = lax.axis_index("s")
    wid = c * NS + s
    base = wid * EPT
    pltpu.sync_copy(src_hbm.at[pl.ds(base, EPT)], sidx)
    pltpu.sync_copy(dst_hbm.at[pl.ds(base, EPT)], didx)

    zeros16 = jnp.zeros((16,), jnp.float32)

    def zero_body(i, _):
        deg2[0, pl.ds(i * 16, 16)] = zeros16
        deg2[1, pl.ds(i * 16, 16)] = zeros16
        return 0

    lax.fori_loop(0, N // 16, zero_body, 0)

    ones16 = jnp.ones((16,), jnp.float32)
    zi16 = jnp.zeros((16,), jnp.int32)
    oi16 = jnp.ones((16,), jnp.int32)

    def count_body(j, _):
        s16 = sidx[pl.ds(j * 16, 16)]
        d16 = didx[pl.ds(j * 16, 16)]
        plsc.addupdate_scatter(deg2, [zi16, s16], ones16)
        plsc.addupdate_scatter(deg2, [oi16, d16], ones16)
        return 0

    lax.fori_loop(0, EPW // 16, count_body, 0)

    pltpu.sync_copy(deg2, out_hbm.at[wid])


@functools.partial(
    pl.kernel,
    mesh=_mesh,
    out_type=jax.ShapeDtypeStruct((NC, NP, D), jnp.float32),
    name="gcn_aggregate",
    compiler_params=_sc_params,
    scratch_types=[
        pltpu.VMEM((EPT,), jnp.int32),
        pltpu.VMEM((EPT,), jnp.int32),
        pltpu.VMEM((BATCH, D), jnp.float32),
        pltpu.VMEM((BATCH, D), jnp.float32),
        pltpu.VMEM_SHARED((NP, D), jnp.float32),
        pltpu.SemaphoreType.DMA,
        pltpu.SemaphoreType.DMA,
        pltpu.SemaphoreType.DMA,
        pltpu.SemaphoreType.DMA,
    ],
)
def _agg_kernel(h_hbm, src_hbm, dst_hbm, zeros_hbm, out_hbm,
                sidx, didx, rows0, rows1, acc, sem0, sem1, semA0, semA1):
    c = lax.axis_index("c")
    s = lax.axis_index("s")
    wid = c * NS + s
    base = wid * EPT

    pltpu.sync_copy(src_hbm.at[pl.ds(base, EPT)], sidx)
    pltpu.sync_copy(dst_hbm.at[pl.ds(base, EPT)], didx)
    pltpu.sync_copy(zeros_hbm, acc.at[pl.ds(s * RPT, RPT)])
    plsc.subcore_barrier()

    def gather_desc(j, buf, sem):
        return pltpu.make_async_copy(
            h_hbm.at[sidx.at[pl.ds(j * BATCH, BATCH)]], buf, sem)

    def fire_adds(j, buf, sem):
        for o in range(ADDS):
            d16 = didx[pl.ds(j * BATCH + o * 16, 16)]
            pltpu.async_copy(buf.at[pl.ds(o * 16, 16)], acc.at[d16],
                             sem, add=True)

    def drain_adds(buf, sem):
        pltpu.make_async_copy(zeros_hbm.at[pl.ds(0, BATCH)], buf, sem).wait()

    gather_desc(0, rows0, sem0).start()

    def body(g, _):
        j0 = 2 * g
        j1 = j0 + 1
        gather_desc(j0, rows0, sem0).wait()

        gather_desc(j1, rows1, sem1).start()
        gather_desc(j1, rows1, sem1).wait()

        @pl.when(g < PAIRS - 1)
        def _():
            gather_desc(j0 + 2, rows0, sem0).start()

        return 0

    lax.fori_loop(0, PAIRS, body, 0)

    plsc.subcore_barrier()
    pltpu.sync_copy(acc.at[pl.ds(s * RPT, RPT)],
                    out_hbm.at[c, pl.ds(s * RPT, RPT)])


_BN = 128
_GRID = NP // _BN


def _prep_body(degs_ref, x_ref, h0s_ref, nin_ref, nout_ref):
    degs = degs_ref[...]
    dego = jnp.sum(degs[:, 0, :], axis=0)
    degi = jnp.sum(degs[:, 1, :], axis=0)
    nout = lax.rsqrt(jnp.maximum(dego, 1.0))
    nin = lax.rsqrt(jnp.maximum(degi, 1.0))
    h0s_ref[...] = x_ref[...] * nout[:, None]
    nin_ref[...] = nin[:, None]
    nout_ref[...] = nout[:, None]


_prep_call = pl.pallas_call(
    _prep_body,
    grid=(_GRID,),
    in_specs=[
        pl.BlockSpec((NW, 2, _BN), lambda i: (0, 0, i)),
        pl.BlockSpec((_BN, D), lambda i: (i, 0)),
    ],
    out_specs=[
        pl.BlockSpec((_BN, D), lambda i: (i, 0)),
        pl.BlockSpec((_BN, 1), lambda i: (i, 0)),
        pl.BlockSpec((_BN, 1), lambda i: (i, 0)),
    ],
    out_shape=[
        jax.ShapeDtypeStruct((NP, D), jnp.float32),
        jax.ShapeDtypeStruct((N, 1), jnp.float32),
        jax.ShapeDtypeStruct((N, 1), jnp.float32),
    ],
)


def _layer_body_mid(agg_ref, nin_ref, nout_ref, w_ref, b_ref, h_ref, hs_ref):
    a = (agg_ref[0] + agg_ref[1]) * nin_ref[...]
    z = jnp.dot(a, w_ref[...], preferred_element_type=jnp.float32) + b_ref[...]
    h = jnp.maximum(z, 0.0)
    h_ref[...] = h
    hs_ref[...] = h * nout_ref[...]


def _layer_body_last(agg_ref, nin_ref, nout_ref, w_ref, b_ref, h_ref):
    a = (agg_ref[0] + agg_ref[1]) * nin_ref[...]
    z = jnp.dot(a, w_ref[...], preferred_element_type=jnp.float32) + b_ref[...]
    h_ref[...] = z


_layer_in_specs = [
    pl.BlockSpec((NC, _BN, D), lambda i: (0, i, 0)),
    pl.BlockSpec((_BN, 1), lambda i: (i, 0)),
    pl.BlockSpec((_BN, 1), lambda i: (i, 0)),
    pl.BlockSpec((D, D), lambda i: (0, 0)),
    pl.BlockSpec((1, D), lambda i: (0, 0)),
]

_layer_call_mid = pl.pallas_call(
    _layer_body_mid,
    grid=(_GRID,),
    in_specs=_layer_in_specs,
    out_specs=[
        pl.BlockSpec((_BN, D), lambda i: (i, 0)),
        pl.BlockSpec((_BN, D), lambda i: (i, 0)),
    ],
    out_shape=[
        jax.ShapeDtypeStruct((N, D), jnp.float32),
        jax.ShapeDtypeStruct((NP, D), jnp.float32),
    ],
)

_layer_call_last = pl.pallas_call(
    _layer_body_last,
    grid=(_GRID,),
    in_specs=_layer_in_specs,
    out_specs=pl.BlockSpec((_BN, D), lambda i: (i, 0)),
    out_shape=jax.ShapeDtypeStruct((N, D), jnp.float32),
)


@jax.jit
def _run(inputs, edge_index, ws, bs):
    ei = edge_index.astype(jnp.int32).reshape(2, NW, EPW)
    ei = jnp.pad(ei, ((0, 0), (0, 0), (0, EPT - EPW)), constant_values=N)
    src = ei[0].reshape(NW * EPT)
    dst = ei[1].reshape(NW * EPT)

    degs = _deg_kernel(src, dst)
    h_scaled, nin, nout = _prep_call(degs, inputs)
    zeros = jnp.zeros((RPT, D), jnp.float32)

    hs = []
    for i in range(6):
        agg = _agg_kernel(h_scaled, src, dst, zeros)
        b2 = bs[i].reshape(1, D)
        if i < 5:
            h, h_scaled = _layer_call_mid(agg, nin, nout, ws[i], b2)
        else:
            h = _layer_call_last(agg, nin, nout, ws[i], b2)
        hs.append(h)
    return (hs[5], hs[4], hs[3], hs[2], hs[1], hs[0])


def kernel(inputs, edge_index, W1, b1, W2, b2, W3, b3, W4, b4, W5, b5, W6, b6):
    return _run(inputs, edge_index,
                (W1, W2, W3, W4, W5, W6), (b1, b2, b3, b4, b5, b6))

# --- scband reference (transcript-rebuilt; emitter-appended) ---
"""Pipeline reference for scband-gcn-6-layers-10574209483127 (READ-ONLY COPY).

The authoritative reference and input builder live on the scoring server;
editing this copy changes nothing except your own understanding.
"""

import jax, jax.numpy as jnp
import numpy as np

N = 10000
E = 320000
D = 128


def setup_inputs(seed: int = 0) -> dict:
    key = jax.random.key(seed)
    ks = jax.random.split(key, 16)
    inp = {}
    inp["inputs"] = jax.random.normal(ks[0], (N, D), dtype=jnp.float32)
    inp["edge_index"] = jax.random.randint(ks[1], (2, E), 0, N).astype(jnp.int64)
    scale = 1.0 / np.sqrt(D)
    for i in range(6):
        inp[f"W{i+1}"] = jax.random.normal(ks[2 + i], (D, D), dtype=jnp.float32) * scale
        inp[f"b{i+1}"] = jnp.zeros((D,), dtype=jnp.float32)
    return inp


def _gcn_conv(x, src, dst, W, b):
    # DGL GraphConv with norm='both':
    # h = D_in^{-1/2} A D_out^{-1/2} x W + b, degrees clamped to min 1
    ones = jnp.ones((src.shape[0],), dtype=x.dtype)
    deg_out = jax.ops.segment_sum(ones, src, num_segments=N)
    deg_in = jax.ops.segment_sum(ones, dst, num_segments=N)
    norm_out = jnp.power(jnp.maximum(deg_out, 1.0), -0.5)
    norm_in = jnp.power(jnp.maximum(deg_in, 1.0), -0.5)
    h = x * norm_out[:, None]
    msg = jnp.take(h, src, axis=0)
    agg = jax.ops.segment_sum(msg, dst, num_segments=N)
    agg = agg * norm_in[:, None]
    return agg @ W + b


def reference(inputs, edge_index, W1, b1, W2, b2, W3, b3, W4, b4, W5, b5, W6, b6):
    src = edge_index[0]
    dst = edge_index[1]
    h1 = jax.nn.relu(_gcn_conv(inputs, src, dst, W1, b1))
    h2 = jax.nn.relu(_gcn_conv(h1, src, dst, W2, b2))
    h3 = jax.nn.relu(_gcn_conv(h2, src, dst, W3, b3))
    h4 = jax.nn.relu(_gcn_conv(h3, src, dst, W4, b4))
    h5 = jax.nn.relu(_gcn_conv(h4, src, dst, W5, b5))
    h6 = _gcn_conv(h5, src, dst, W6, b6)
    return (h6, h5, h4, h3, h2, h1)

if __name__ == "__main__":
    import jax
    _d = setup_inputs()
    print(jax.jit(kernel)(*tuple(_d.values())))

</pallas_src>

<mosaic_0001>
#map = affine_map<(d0, d1) -> (0)>
#map1 = affine_map<(d0, d1) -> (0, 0, 0)>
module attributes {stable_mosaic.version = 14 : i64} {
  func.func @gcn_degrees(%arg0: i32, %arg1: i32, %arg2: memref<327680xi32, #tpu.memory_space<hbm>>, %arg3: memref<327680xi32, #tpu.memory_space<hbm>>, %arg4: memref<32x2x10000xf32, #tpu.memory_space<hbm>>, %arg5: memref<10240xi32, #tpu.memory_space<vmem>>, %arg6: memref<10240xi32, #tpu.memory_space<vmem>>, %arg7: memref<2x10000xf32, #tpu.memory_space<vmem>>) attributes {dimension_semantics = [#tpu.dimension_semantics<core_parallel>, #tpu.dimension_semantics<subcore_parallel>], iteration_bounds = array<i64: 2, 16>, scalar_prefetch = 0 : i64, scratch_operands = 3 : i64, tpu.core_type = #tpu.core_type<sc_vector_subcore>, window_params = [{transform_indices = #map}, {transform_indices = #map}, {transform_indices = #map1}]} {
    %mul3A = arith.constant 16 : i32
    %mul3A_0 = arith.muli %arg0, %mul3A : i32
    %add3A = arith.addi %mul3A_0, %arg1 : i32
    %mul3A_1 = arith.constant 10240 : i32
    %mul3A_2 = arith.muli %add3A, %mul3A_1 : i32
    "tpu.region"() ({
      %run_scoped3A = tpu.sem_alloc : memref<!tpu.dma_semaphore, #tpu.memory_space<semaphore_mem>>
      %dma_start3A = tpu.memref_slice %arg2[%mul3A_2] : memref<327680xi32, #tpu.memory_space<hbm>> -> memref<10240xi32, #tpu.memory_space<hbm>>
      %dma_start3A_23 = tpu.memref_slice %arg2[%mul3A_2] : memref<327680xi32, #tpu.memory_space<hbm>> -> memref<10240xi32, #tpu.memory_space<hbm>>
      tpu.enqueue_dma source(%dma_start3A_23 : memref<10240xi32, #tpu.memory_space<hbm>>) target(%arg5 : memref<10240xi32, #tpu.memory_space<vmem>>) target_semaphore(%run_scoped3A : memref<!tpu.dma_semaphore, #tpu.memory_space<semaphore_mem>>)
      %dma_wait3A = tpu.memref_slice %arg2[%mul3A_2] : memref<327680xi32, #tpu.memory_space<hbm>> -> memref<10240xi32, #tpu.memory_space<hbm>>
      %dma_wait3A_24 = tpu.memref_slice %arg2[%mul3A_2] : memref<327680xi32, #tpu.memory_space<hbm>> -> memref<10240xi32, #tpu.memory_space<hbm>>
      tpu.wait_dma2 semaphore(%run_scoped3A : memref<!tpu.dma_semaphore, #tpu.memory_space<semaphore_mem>>) src(%dma_wait3A_24 : memref<10240xi32, #tpu.memory_space<hbm>>) dst(%arg5 : memref<10240xi32, #tpu.memory_space<vmem>>)
      tpu.yield
    }) : () -> ()
    "tpu.region"() ({
      %run_scoped3A = tpu.sem_alloc : memref<!tpu.dma_semaphore, #tpu.memory_space<semaphore_mem>>
      %dma_start3A = tpu.memref_slice %arg3[%mul3A_2] : memref<327680xi32, #tpu.memory_space<hbm>> -> memref<10240xi32, #tpu.memory_space<hbm>>
      %dma_start3A_23 = tpu.memref_slice %arg3[%mul3A_2] : memref<327680xi32, #tpu.memory_space<hbm>> -> memref<10240xi32, #tpu.memory_space<hbm>>
      tpu.enqueue_dma source(%dma_start3A_23 : memref<10240xi32, #tpu.memory_space<hbm>>) target(%arg6 : memref<10240xi32, #tpu.memory_space<vmem>>) target_semaphore(%run_scoped3A : memref<!tpu.dma_semaphore, #tpu.memory_space<semaphore_mem>>)
      %dma_wait3A = tpu.memref_slice %arg3[%mul3A_2] : memref<327680xi32, #tpu.memory_space<hbm>> -> memref<10240xi32, #tpu.memory_space<hbm>>
      %dma_wait3A_24 = tpu.memref_slice %arg3[%mul3A_2] : memref<327680xi32, #tpu.memory_space<hbm>> -> memref<10240xi32, #tpu.memory_space<hbm>>
      tpu.wait_dma2 semaphore(%run_scoped3A : memref<!tpu.dma_semaphore, #tpu.memory_space<semaphore_mem>>) src(%dma_wait3A_24 : memref<10240xi32, #tpu.memory_space<hbm>>) dst(%arg6 : memref<10240xi32, #tpu.memory_space<vmem>>)
      tpu.yield
    }) : () -> ()
    %broadcast_in_dim3A = arith.constant 0.000000e+00 : f32
    %broadcast_in_dim3A_3 = vector.broadcast %broadcast_in_dim3A : f32 to vector<16xf32>
    %scan3A = arith.constant 0 : i32
    %scan3A_4 = arith.constant 0 : i32
    %scan3A_5 = arith.constant 625 : i32
    %scan3A_6 = arith.addi %scan3A_4, %scan3A_5 : i32
    %scan3A_7 = arith.constant 1 : i32
    %scan3A_8 = scf.for %scan3A_23 = %scan3A_4 to %scan3A_6 step %scan3A_7 iter_args(%scan3A_24 = %scan3A) -> (i32)  : i32 {
      %mul3A_25 = arith.constant 16 : i32
      %mul3A_26 = arith.muli %scan3A_23, %mul3A_25 : i32
      %swap3A = arith.constant 0 : i32
      %swap3A_27 = arith.index_cast %swap3A : i32 to index
      %swap3A_28 = arith.index_cast %mul3A_26 : i32 to index
      %swap3A_29 = tpu.vector_load %arg7[%swap3A_27, %swap3A_28] {strides = array<i32>} : memref<2x10000xf32, #tpu.memory_space<vmem>>, vector<16xf32>,
      tpu.vector_store %arg7[%swap3A_27, %swap3A_28], %broadcast_in_dim3A_3 {strides = array<i32>} : memref<2x10000xf32, #tpu.memory_space<vmem>>, vector<16xf32>,
      %mul3A_30 = arith.constant 16 : i32
      %mul3A_31 = arith.muli %scan3A_23, %mul3A_30 : i32
      %swap3A_32 = arith.constant 1 : i32
      %swap3A_33 = arith.index_cast %swap3A_32 : i32 to index
      %swap3A_34 = arith.index_cast %mul3A_31 : i32 to index
      %swap3A_35 = tpu.vector_load %arg7[%swap3A_33, %swap3A_34] {strides = array<i32>} : memref<2x10000xf32, #tpu.memory_space<vmem>>, vector<16xf32>,
      tpu.vector_store %arg7[%swap3A_33, %swap3A_34], %broadcast_in_dim3A_3 {strides = array<i32>} : memref<2x10000xf32, #tpu.memory_space<vmem>>, vector<16xf32>,
      %scan3A_36 = arith.constant 0 : i32
      scf.yield %scan3A_36 : i32
    }
    %scan3A_9 = arith.constant 625 : i32
    %broadcast_in_dim3A_10 = arith.constant 1.000000e+00 : f32
    %broadcast_in_dim3A_11 = vector.broadcast %broadcast_in_dim3A_10 : f32 to vector<16xf32>
    %broadcast_in_dim3A_12 = arith.constant 0 : i32
    %broadcast_in_dim3A_13 = vector.broadcast %broadcast_in_dim3A_12 : i32 to vector<16xi32>
    %broadcast_in_dim3A_14 = arith.constant 1 : i32
    %broadcast_in_dim3A_15 = vector.broadcast %broadcast_in_dim3A_14 : i32 to vector<16xi32>
    %scan3A_16 = arith.constant 0 : i32
    %scan3A_17 = arith.constant 0 : i32
    %scan3A_18 = arith.constant 625 : i32
    %scan3A_19 = arith.addi %scan3A_17, %scan3A_18 : i32
    %scan3A_20 = arith.constant 1 : i32
    %scan3A_21 = scf.for %scan3A_23 = %scan3A_17 to %scan3A_19 step %scan3A_20 iter_args(%scan3A_24 = %scan3A_16) -> (i32)  : i32 {
      %mul3A_25 = arith.constant 16 : i32
      %mul3A_26 = arith.muli %scan3A_23, %mul3A_25 : i32
      %get3A = arith.index_cast %mul3A_26 : i32 to index
      %get3A_27 = tpu.vector_load %arg5[%get3A] {strides = array<i32>} : memref<10240xi32, #tpu.memory_space<vmem>>, vector<16xi32>,
      %mul3A_28 = arith.constant 16 : i32
      %mul3A_29 = arith.muli %scan3A_23, %mul3A_28 : i32
      %get3A_30 = arith.index_cast %mul3A_29 : i32 to index
      %get3A_31 = tpu.vector_load %arg6[%get3A_30] {strides = array<i32>} : memref<10240xi32, #tpu.memory_space<vmem>>, vector<16xi32>,
      tpu.vector_store_idx %arg7[%broadcast_in_dim3A_13, %get3A_27], %broadcast_in_dim3A_11 {add = true} : memref<2x10000xf32, #tpu.memory_space<vmem>>[vector<16xi32>, vector<16xi32>], vector<16xf32>,
      tpu.vector_store_idx %arg7[%broadcast_in_dim3A_15, %get3A_31], %broadcast_in_dim3A_11 {add = true} : memref<2x10000xf32, #tpu.memory_space<vmem>>[vector<16xi32>, vector<16xi32>], vector<16xf32>,
      %scan3A_32 = arith.constant 0 : i32
      scf.yield %scan3A_32 : i32
    }
    %scan3A_22 = arith.constant 625 : i32
    "tpu.region"() ({
      %run_scoped3A = tpu.sem_alloc : memref<!tpu.dma_semaphore, #tpu.memory_space<semaphore_mem>>
      %dma_start3A = arith.constant 0 : i32
      %dma_start3A_23 = arith.constant 0 : i32
      %dma_start3A_24 = tpu.memref_slice %arg4[%add3A, %dma_start3A, %dma_start3A_23] : memref<32x2x10000xf32, #tpu.memory_space<hbm>> -> memref<1x2x10000xf32, #tpu.memory_space<hbm>>
      %dma_start3A_25 = tpu.memref_squeeze %dma_start3A_24 : memref<1x2x10000xf32, #tpu.memory_space<hbm>> -> memref<2x10000xf32, #tpu.memory_space<hbm>>
      %dma_start3A_26 = arith.constant 0 : i32
      %dma_start3A_27 = arith.constant 0 : i32
      %dma_start3A_28 = tpu.memref_slice %arg4[%add3A, %dma_start3A_26, %dma_start3A_27] : memref<32x2x10000xf32, #tpu.memory_space<hbm>> -> memref<1x2x10000xf32, #tpu.memory_space<hbm>>
      %dma_start3A_29 = tpu.memref_squeeze %dma_start3A_28 : memref<1x2x10000xf32, #tpu.memory_space<hbm>> -> memref<2x10000xf32, #tpu.memory_space<hbm>>
      tpu.enqueue_dma source(%arg7 : memref<2x10000xf32, #tpu.memory_space<vmem>>) target(%dma_start3A_29 : memref<2x10000xf32, #tpu.memory_space<hbm>>) target_semaphore(%run_scoped3A : memref<!tpu.dma_semaphore, #tpu.memory_space<semaphore_mem>>)
      %dma_wait3A = arith.constant 0 : i32
      %dma_wait3A_30 = arith.constant 0 : i32
      %dma_wait3A_31 = tpu.memref_slice %arg4[%add3A, %dma_wait3A, %dma_wait3A_30] : memref<32x2x10000xf32, #tpu.memory_space<hbm>> -> memref<1x2x10000xf32, #tpu.memory_space<hbm>>
      %dma_wait3A_32 = tpu.memref_squeeze %dma_wait3A_31 : memref<1x2x10000xf32, #tpu.memory_space<hbm>> -> memref<2x10000xf32, #tpu.memory_space<hbm>>
      %dma_wait3A_33 = arith.constant 0 : i32
      %dma_wait3A_34 = arith.constant 0 : i32
      %dma_wait3A_35 = tpu.memref_slice %arg4[%add3A, %dma_wait3A_33, %dma_wait3A_34] : memref<32x2x10000xf32, #tpu.memory_space<hbm>> -> memref<1x2x10000xf32, #tpu.memory_space<hbm>>
      %dma_wait3A_36 = tpu.memref_squeeze %dma_wait3A_35 : memref<1x2x10000xf32, #tpu.memory_space<hbm>> -> memref<2x10000xf32, #tpu.memory_space<hbm>>
      tpu.wait_dma2 semaphore(%run_scoped3A : memref<!tpu.dma_semaphore, #tpu.memory_space<semaphore_mem>>) src(%arg7 : memref<2x10000xf32, #tpu.memory_space<vmem>>) dst(%dma_wait3A_36 : memref<2x10000xf32, #tpu.memory_space<hbm>>)
      tpu.yield
    }) : () -> ()
    return
  }
}

#map = affine_map<(d0, d1) -> (0, 0)>
#map1 = affine_map<(d0, d1) -> (0)>
#map2 = affine_map<(d0, d1) -> (0, 0, 0)>
module attributes {stable_mosaic.version = 14 : i64} {
  func.func @gcn_aggregate(%arg0: i32, %arg1: i32, %arg2: memref<10112x128xf32, #tpu.memory_space<hbm>>, %arg3: memref<327680xi32, #tpu.memory_space<hbm>>, %arg4: memref<327680xi32, #tpu.memory_space<hbm>>, %arg5: memref<632x128xf32, #tpu.memory_space<hbm>>, %arg6: memref<2x10112x128xf32, #tpu.memory_space<hbm>>, %arg7: memref<10240xi32, #tpu.memory_space<vmem>>, %arg8: memref<10240xi32, #tpu.memory_space<vmem>>, %arg9: memref<80x128xf32, #tpu.memory_space<vmem>>, %arg10: memref<80x128xf32, #tpu.memory_space<vmem>>, %arg11: memref<10112x128xf32, #tpu.memory_space<vmem_shared>>, %arg12: memref<!tpu.dma_semaphore, #tpu.memory_space<semaphore_mem>>, %arg13: memref<!tpu.dma_semaphore, #tpu.memory_space<semaphore_mem>>, %arg14: memref<!tpu.dma_semaphore, #tpu.memory_space<semaphore_mem>>, %arg15: memref<!tpu.dma_semaphore, #tpu.memory_space<semaphore_mem>>) attributes {dimension_semantics = [#tpu.dimension_semantics<core_parallel>, #tpu.dimension_semantics<subcore_parallel>], iteration_bounds = array<i64: 2, 16>, scalar_prefetch = 0 : i64, scratch_operands = 9 : i64, tpu.core_type = #tpu.core_type<sc_vector_subcore>, window_params = [{transform_indices = #map}, {transform_indices = #map1}, {transform_indices = #map1}, {transform_indices = #map}, {transform_indices = #map2}]} {
    %mul3A = arith.constant 16 : i32
    %mul3A_0 = arith.muli %arg0, %mul3A : i32
    %add3A = arith.addi %mul3A_0, %arg1 : i32
    %mul3A_1 = arith.constant 10240 : i32
    %mul3A_2 = arith.muli %add3A, %mul3A_1 : i32
    "tpu.region"() ({
      %run_scoped3A = tpu.sem_alloc : memref<!tpu.dma_semaphore, #tpu.memory_space<semaphore_mem>>
      %dma_start3A_20 = tpu.memref_slice %arg3[%mul3A_2] : memref<327680xi32, #tpu.memory_space<hbm>> -> memref<10240xi32, #tpu.memory_space<hbm>>
      %dma_start3A_21 = tpu.memref_slice %arg3[%mul3A_2] : memref<327680xi32, #tpu.memory_space<hbm>> -> memref<10240xi32, #tpu.memory_space<hbm>>
      tpu.enqueue_dma source(%dma_start3A_21 : memref<10240xi32, #tpu.memory_space<hbm>>) target(%arg7 : memref<10240xi32, #tpu.memory_space<vmem>>) target_semaphore(%run_scoped3A : memref<!tpu.dma_semaphore, #tpu.memory_space<semaphore_mem>>)
      %dma_wait3A = tpu.memref_slice %arg3[%mul3A_2] : memref<327680xi32, #tpu.memory_space<hbm>> -> memref<10240xi32, #tpu.memory_space<hbm>>
      %dma_wait3A_22 = tpu.memref_slice %arg3[%mul3A_2] : memref<327680xi32, #tpu.memory_space<hbm>> -> memref<10240xi32, #tpu.memory_space<hbm>>
      tpu.wait_dma2 semaphore(%run_scoped3A : memref<!tpu.dma_semaphore, #tpu.memory_space<semaphore_mem>>) src(%dma_wait3A_22 : memref<10240xi32, #tpu.memory_space<hbm>>) dst(%arg7 : memref<10240xi32, #tpu.memory_space<vmem>>)
      tpu.yield
    }) : () -> ()
    "tpu.region"() ({
      %run_scoped3A = tpu.sem_alloc : memref<!tpu.dma_semaphore, #tpu.memory_space<semaphore_mem>>
      %dma_start3A_20 = tpu.memref_slice %arg4[%mul3A_2] : memref<327680xi32, #tpu.memory_space<hbm>> -> memref<10240xi32, #tpu.memory_space<hbm>>
      %dma_start3A_21 = tpu.memref_slice %arg4[%mul3A_2] : memref<327680xi32, #tpu.memory_space<hbm>> -> memref<10240xi32, #tpu.memory_space<hbm>>
      tpu.enqueue_dma source(%dma_start3A_21 : memref<10240xi32, #tpu.memory_space<hbm>>) target(%arg8 : memref<10240xi32, #tpu.memory_space<vmem>>) target_semaphore(%run_scoped3A : memref<!tpu.dma_semaphore, #tpu.memory_space<semaphore_mem>>)
      %dma_wait3A = tpu.memref_slice %arg4[%mul3A_2] : memref<327680xi32, #tpu.memory_space<hbm>> -> memref<10240xi32, #tpu.memory_space<hbm>>
      %dma_wait3A_22 = tpu.memref_slice %arg4[%mul3A_2] : memref<327680xi32, #tpu.memory_space<hbm>> -> memref<10240xi32, #tpu.memory_space<hbm>>
      tpu.wait_dma2 semaphore(%run_scoped3A : memref<!tpu.dma_semaphore, #tpu.memory_space<semaphore_mem>>) src(%dma_wait3A_22 : memref<10240xi32, #tpu.memory_space<hbm>>) dst(%arg8 : memref<10240xi32, #tpu.memory_space<vmem>>)
      tpu.yield
    }) : () -> ()
    %mul3A_3 = arith.constant 632 : i32
    %mul3A_4 = arith.muli %arg1, %mul3A_3 : i32
    "tpu.region"() ({
      %run_scoped3A = tpu.sem_alloc : memref<!tpu.dma_semaphore, #tpu.memory_space<semaphore_mem>>
      %dma_start3A_20 = arith.constant 0 : i32
      %dma_start3A_21 = tpu.memref_slice %arg11[%mul3A_4, %dma_start3A_20] : memref<10112x128xf32, #tpu.memory_space<vmem_shared>> -> memref<632x128xf32, #tpu.memory_space<vmem_shared>>
      tpu.enqueue_dma source(%arg5 : memref<632x128xf32, #tpu.memory_space<hbm>>) target(%dma_start3A_21 : memref<632x128xf32, #tpu.memory_space<vmem_shared>>) target_semaphore(%run_scoped3A : memref<!tpu.dma_semaphore, #tpu.memory_space<semaphore_mem>>)
      %dma_wait3A = arith.constant 0 : i32
      %dma_wait3A_22 = tpu.memref_slice %arg11[%mul3A_4, %dma_wait3A] : memref<10112x128xf32, #tpu.memory_space<vmem_shared>> -> memref<632x128xf32, #tpu.memory_space<vmem_shared>>
      tpu.wait_dma2 semaphore(%run_scoped3A : memref<!tpu.dma_semaphore, #tpu.memory_space<semaphore_mem>>) src(%arg5 : memref<632x128xf32, #tpu.memory_space<hbm>>) dst(%dma_wait3A_22 : memref<632x128xf32, #tpu.memory_space<vmem_shared>>)
      tpu.yield
    }) : () -> ()
    %barrier3A = arith.constant 0 : index
    tpu.barrier barrier_id(%barrier3A)
    %dma_start3A = arith.constant 0 : i32
    %dma_start3A_5 = tpu.memref_slice %arg7[%dma_start3A] : memref<10240xi32, #tpu.memory_space<vmem>> -> memref<80xi32, #tpu.memory_space<vmem>>
    %dma_start3A_6 = arith.constant 0 : i32
    %dma_start3A_7 = arith.constant 0 : i32
    %dma_start3A_8 = tpu.memref_slice %arg2[%dma_start3A_6, %dma_start3A_7] : memref<10112x128xf32, #tpu.memory_space<hbm>> -> memref<10112x128xf32, #tpu.memory_space<hbm>>
    tpu.enqueue_indirect_dma source(%dma_start3A_8 : memref<10112x128xf32, #tpu.memory_space<hbm>>) target(%arg9 : memref<80x128xf32, #tpu.memory_space<vmem>>) offsets(%dma_start3A_5 : memref<80xi32, #tpu.memory_space<vmem>>) semaphore(%arg12 : memref<!tpu.dma_semaphore, #tpu.memory_space<semaphore_mem>>)
    %scan3A = arith.constant 0 : i32
    %scan3A_9 = arith.constant 0 : i32
    %scan3A_10 = arith.constant 64 : i32
    %scan3A_11 = arith.addi %scan3A_9, %scan3A_10 : i32
    %scan3A_12 = arith.constant 1 : i32
    %scan3A_13 = scf.for %scan3A_20 = %scan3A_9 to %scan3A_11 step %scan3A_12 iter_args(%scan3A_21 = %scan3A) -> (i32)  : i32 {
      %mul3A_22 = arith.constant 2 : i32
      %mul3A_23 = arith.muli %mul3A_22, %scan3A_20 : i32
      %add3A_24 = arith.constant 1 : i32
      %add3A_25 = arith.addi %mul3A_23, %add3A_24 : i32
      %mul3A_26 = arith.constant 80 : i32
      %mul3A_27 = arith.muli %mul3A_23, %mul3A_26 : i32
      %dma_wait3A = tpu.memref_slice %arg7[%mul3A_27] : memref<10240xi32, #tpu.memory_space<vmem>> -> memref<80xi32, #tpu.memory_space<vmem>>
      %dma_wait3A_28 = arith.constant 0 : i32
      %dma_wait3A_29 = arith.constant 0 : i32
      %dma_wait3A_30 = tpu.memref_slice %arg2[%dma_wait3A_28, %dma_wait3A_29] : memref<10112x128xf32, #tpu.memory_space<hbm>> -> memref<10112x128xf32, #tpu.memory_space<hbm>>
      tpu.wait_indirect_dma semaphore(%arg12 : memref<!tpu.dma_semaphore, #tpu.memory_space<semaphore_mem>>) src(%dma_wait3A_30 : memref<10112x128xf32, #tpu.memory_space<hbm>>) dst(%arg9 : memref<80x128xf32, #tpu.memory_space<vmem>>)
      %mul3A_31 = arith.constant 80 : i32
      %mul3A_32 = arith.muli %add3A_25, %mul3A_31 : i32
      %dma_start3A_33 = tpu.memref_slice %arg7[%mul3A_32] : memref<10240xi32, #tpu.memory_space<vmem>> -> memref<80xi32, #tpu.memory_space<vmem>>
      %dma_start3A_34 = arith.constant 0 : i32
      %dma_start3A_35 = arith.constant 0 : i32
      %dma_start3A_36 = tpu.memref_slice %arg2[%dma_start3A_34, %dma_start3A_35] : memref<10112x128xf32, #tpu.memory_space<hbm>> -> memref<10112x128xf32, #tpu.memory_space<hbm>>
      tpu.enqueue_indirect_dma source(%dma_start3A_36 : memref<10112x128xf32, #tpu.memory_space<hbm>>) target(%arg10 : memref<80x128xf32, #tpu.memory_space<vmem>>) offsets(%dma_start3A_33 : memref<80xi32, #tpu.memory_space<vmem>>) semaphore(%arg13 : memref<!tpu.dma_semaphore, #tpu.memory_space<semaphore_mem>>)
      %mul3A_37 = arith.constant 80 : i32
      %mul3A_38 = arith.muli %add3A_25, %mul3A_37 : i32
      %dma_wait3A_39 = tpu.memref_slice %arg7[%mul3A_38] : memref<10240xi32, #tpu.memory_space<vmem>> -> memref<80xi32, #tpu.memory_space<vmem>>
      %dma_wait3A_40 = arith.constant 0 : i32
      %dma_wait3A_41 = arith.constant 0 : i32
      %dma_wait3A_42 = tpu.memref_slice %arg2[%dma_wait3A_40, %dma_wait3A_41] : memref<10112x128xf32, #tpu.memory_space<hbm>> -> memref<10112x128xf32, #tpu.memory_space<hbm>>
      tpu.wait_indirect_dma semaphore(%arg13 : memref<!tpu.dma_semaphore, #tpu.memory_space<semaphore_mem>>) src(%dma_wait3A_42 : memref<10112x128xf32, #tpu.memory_space<hbm>>) dst(%arg10 : memref<80x128xf32, #tpu.memory_space<vmem>>)
      %lt3A = arith.constant 63 : i32
      %lt3A_43 = arith.cmpi slt, %scan3A_20, %lt3A : i32
      %convert_element_type3A = arith.extui %lt3A_43 : i1 to i32
      %cond3A = arith.constant 0 : i32
      %cond3A_44 = arith.cmpi ne, %convert_element_type3A, %cond3A : i32
      scf.if %cond3A_44 {
        %add3A_46 = arith.constant 2 : i32
        %add3A_47 = arith.addi %mul3A_23, %add3A_46 : i32
        %mul3A_48 = arith.constant 80 : i32
        %mul3A_49 = arith.muli %add3A_47, %mul3A_48 : i32
        %dma_start3A_50 = tpu.memref_slice %arg7[%mul3A_49] : memref<10240xi32, #tpu.memory_space<vmem>> -> memref<80xi32, #tpu.memory_space<vmem>>
        %dma_start3A_51 = arith.constant 0 : i32
        %dma_start3A_52 = arith.constant 0 : i32
        %dma_start3A_53 = tpu.memref_slice %arg2[%dma_start3A_51, %dma_start3A_52] : memref<10112x128xf32, #tpu.memory_space<hbm>> -> memref<10112x128xf32, #tpu.memory_space<hbm>>
        tpu.enqueue_indirect_dma source(%dma_start3A_53 : memref<10112x128xf32, #tpu.memory_space<hbm>>) target(%arg9 : memref<80x128xf32, #tpu.memory_space<vmem>>) offsets(%dma_start3A_50 : memref<80xi32, #tpu.memory_space<vmem>>) semaphore(%arg12 : memref<!tpu.dma_semaphore, #tpu.memory_space<semaphore_mem>>)
      } else {
      }
      %scan3A_45 = arith.constant 0 : i32
      scf.yield %scan3A_45 : i32
    }
    %scan3A_14 = arith.constant 64 : i32
    %barrier3A_15 = arith.constant 0 : index
    tpu.barrier barrier_id(%barrier3A_15)
    %mul3A_16 = arith.constant 632 : i32
    %mul3A_17 = arith.muli %arg1, %mul3A_16 : i32
    %mul3A_18 = arith.constant 632 : i32
    %mul3A_19 = arith.muli %arg1, %mul3A_18 : i32
    "tpu.region"() ({
      %run_scoped3A = tpu.sem_alloc : memref<!tpu.dma_semaphore, #tpu.memory_space<semaphore_mem>>
      %dma_start3A_20 = arith.constant 0 : i32
      %dma_start3A_21 = tpu.memref_slice %arg6[%arg0, %mul3A_19, %dma_start3A_20] : memref<2x10112x128xf32, #tpu.memory_space<hbm>> -> memref<1x632x128xf32, #tpu.memory_space<hbm>>
      %dma_start3A_22 = tpu.memref_squeeze %dma_start3A_21 : memref<1x632x128xf32, #tpu.memory_space<hbm>> -> memref<632x128xf32, #tpu.memory_space<hbm>>
      %dma_start3A_23 = arith.constant 0 : i32
      %dma_start3A_24 = tpu.memref_slice %arg11[%mul3A_17, %dma_start3A_23] : memref<10112x128xf32, #tpu.memory_space<vmem_shared>> -> memref<632x128xf32, #tpu.memory_space<vmem_shared>>
      tpu.enqueue_dma source(%dma_start3A_24 : memref<632x128xf32, #tpu.memory_space<vmem_shared>>) target(%dma_start3A_22 : memref<632x128xf32, #tpu.memory_space<hbm>>) target_semaphore(%run_scoped3A : memref<!tpu.dma_semaphore, #tpu.memory_space<semaphore_mem>>)
      %dma_wait3A = arith.constant 0 : i32
      %dma_wait3A_25 = tpu.memref_slice %arg6[%arg0, %mul3A_19, %dma_wait3A] : memref<2x10112x128xf32, #tpu.memory_space<hbm>> -> memref<1x632x128xf32, #tpu.memory_space<hbm>>
      %dma_wait3A_26 = tpu.memref_squeeze %dma_wait3A_25 : memref<1x632x128xf32, #tpu.memory_space<hbm>> -> memref<632x128xf32, #tpu.memory_space<hbm>>
      %dma_wait3A_27 = arith.constant 0 : i32
      %dma_wait3A_28 = tpu.memref_slice %arg11[%mul3A_17, %dma_wait3A_27] : memref<10112x128xf32, #tpu.memory_space<vmem_shared>> -> memref<632x128xf32, #tpu.memory_space<vmem_shared>>
      tpu.wait_dma2 semaphore(%run_scoped3A : memref<!tpu.dma_semaphore, #tpu.memory_space<semaphore_mem>>) src(%dma_wait3A_28 : memref<632x128xf32, #tpu.memory_space<vmem_shared>>) dst(%dma_wait3A_26 : memref<632x128xf32, #tpu.memory_space<hbm>>)
      tpu.yield
    }) : () -> ()
    return
  }
}

#map = affine_map<(d0, d1) -> (0, 0)>
#map1 = affine_map<(d0, d1) -> (0)>
#map2 = affine_map<(d0, d1) -> (0, 0, 0)>
module attributes {stable_mosaic.version = 14 : i64} {
  func.func @gcn_aggregate(%arg0: i32, %arg1: i32, %arg2: memref<10112x128xf32, #tpu.memory_space<hbm>>, %arg3: memref<327680xi32, #tpu.memory_space<hbm>>, %arg4: memref<327680xi32, #tpu.memory_space<hbm>>, %arg5: memref<632x128xf32, #tpu.memory_space<hbm>>, %arg6: memref<2x10112x128xf32, #tpu.memory_space<hbm>>, %arg7: memref<10240xi32, #tpu.memory_space<vmem>>, %arg8: memref<10240xi32, #tpu.memory_space<vmem>>, %arg9: memref<80x128xf32, #tpu.memory_space<vmem>>, %arg10: memref<80x128xf32, #tpu.memory_space<vmem>>, %arg11: memref<10112x128xf32, #tpu.memory_space<vmem_shared>>, %arg12: memref<!tpu.dma_semaphore, #tpu.memory_space<semaphore_mem>>, %arg13: memref<!tpu.dma_semaphore, #tpu.memory_space<semaphore_mem>>, %arg14: memref<!tpu.dma_semaphore, #tpu.memory_space<semaphore_mem>>, %arg15: memref<!tpu.dma_semaphore, #tpu.memory_space<semaphore_mem>>) attributes {dimension_semantics = [#tpu.dimension_semantics<core_parallel>, #tpu.dimension_semantics<subcore_parallel>], iteration_bounds = array<i64: 2, 16>, scalar_prefetch = 0 : i64, scratch_operands = 9 : i64, tpu.core_type = #tpu.core_type<sc_vector_subcore>, window_params = [{transform_indices = #map}, {transform_indices = #map1}, {transform_indices = #map1}, {transform_indices = #map}, {transform_indices = #map2}]} {
    %mul3A = arith.constant 16 : i32
    %mul3A_0 = arith.muli %arg0, %mul3A : i32
    %add3A = arith.addi %mul3A_0, %arg1 : i32
    %mul3A_1 = arith.constant 10240 : i32
    %mul3A_2 = arith.muli %add3A, %mul3A_1 : i32
    "tpu.region"() ({
      %run_scoped3A = tpu.sem_alloc : memref<!tpu.dma_semaphore, #tpu.memory_space<semaphore_mem>>
      %dma_start3A_20 = tpu.memref_slice %arg3[%mul3A_2] : memref<327680xi32, #tpu.memory_space<hbm>> -> memref<10240xi32, #tpu.memory_space<hbm>>
      %dma_start3A_21 = tpu.memref_slice %arg3[%mul3A_2] : memref<327680xi32, #tpu.memory_space<hbm>> -> memref<10240xi32, #tpu.memory_space<hbm>>
      tpu.enqueue_dma source(%dma_start3A_21 : memref<10240xi32, #tpu.memory_space<hbm>>) target(%arg7 : memref<10240xi32, #tpu.memory_space<vmem>>) target_semaphore(%run_scoped3A : memref<!tpu.dma_semaphore, #tpu.memory_space<semaphore_mem>>)
      %dma_wait3A = tpu.memref_slice %arg3[%mul3A_2] : memref<327680xi32, #tpu.memory_space<hbm>> -> memref<10240xi32, #tpu.memory_space<hbm>>
      %dma_wait3A_22 = tpu.memref_slice %arg3[%mul3A_2] : memref<327680xi32, #tpu.memory_space<hbm>> -> memref<10240xi32, #tpu.memory_space<hbm>>
      tpu.wait_dma2 semaphore(%run_scoped3A : memref<!tpu.dma_semaphore, #tpu.memory_space<semaphore_mem>>) src(%dma_wait3A_22 : memref<10240xi32, #tpu.memory_space<hbm>>) dst(%arg7 : memref<10240xi32, #tpu.memory_space<vmem>>)
      tpu.yield
    }) : () -> ()
    "tpu.region"() ({
      %run_scoped3A = tpu.sem_alloc : memref<!tpu.dma_semaphore, #tpu.memory_space<semaphore_mem>>
      %dma_start3A_20 = tpu.memref_slice %arg4[%mul3A_2] : memref<327680xi32, #tpu.memory_space<hbm>> -> memref<10240xi32, #tpu.memory_space<hbm>>
      %dma_start3A_21 = tpu.memref_slice %arg4[%mul3A_2] : memref<327680xi32, #tpu.memory_space<hbm>> -> memref<10240xi32, #tpu.memory_space<hbm>>
      tpu.enqueue_dma source(%dma_start3A_21 : memref<10240xi32, #tpu.memory_space<hbm>>) target(%arg8 : memref<10240xi32, #tpu.memory_space<vmem>>) target_semaphore(%run_scoped3A : memref<!tpu.dma_semaphore, #tpu.memory_space<semaphore_mem>>)
      %dma_wait3A = tpu.memref_slice %arg4[%mul3A_2] : memref<327680xi32, #tpu.memory_space<hbm>> -> memref<10240xi32, #tpu.memory_space<hbm>>
      %dma_wait3A_22 = tpu.memref_slice %arg4[%mul3A_2] : memref<327680xi32, #tpu.memory_space<hbm>> -> memref<10240xi32, #tpu.memory_space<hbm>>
      tpu.wait_dma2 semaphore(%run_scoped3A : memref<!tpu.dma_semaphore, #tpu.memory_space<semaphore_mem>>) src(%dma_wait3A_22 : memref<10240xi32, #tpu.memory_space<hbm>>) dst(%arg8 : memref<10240xi32, #tpu.memory_space<vmem>>)
      tpu.yield
    }) : () -> ()
    %mul3A_3 = arith.constant 632 : i32
    %mul3A_4 = arith.muli %arg1, %mul3A_3 : i32
    "tpu.region"() ({
      %run_scoped3A = tpu.sem_alloc : memref<!tpu.dma_semaphore, #tpu.memory_space<semaphore_mem>>
      %dma_start3A_20 = arith.constant 0 : i32
      %dma_start3A_21 = tpu.memref_slice %arg11[%mul3A_4, %dma_start3A_20] : memref<10112x128xf32, #tpu.memory_space<vmem_shared>> -> memref<632x128xf32, #tpu.memory_space<vmem_shared>>
      tpu.enqueue_dma source(%arg5 : memref<632x128xf32, #tpu.memory_space<hbm>>) target(%dma_start3A_21 : memref<632x128xf32, #tpu.memory_space<vmem_shared>>) target_semaphore(%run_scoped3A : memref<!tpu.dma_semaphore, #tpu.memory_space<semaphore_mem>>)
      %dma_wait3A = arith.constant 0 : i32
      %dma_wait3A_22 = tpu.memref_slice %arg11[%mul3A_4, %dma_wait3A] : memref<10112x128xf32, #tpu.memory_space<vmem_shared>> -> memref<632x128xf32, #tpu.memory_space<vmem_shared>>
      tpu.wait_dma2 semaphore(%run_scoped3A : memref<!tpu.dma_semaphore, #tpu.memory_space<semaphore_mem>>) src(%arg5 : memref<632x128xf32, #tpu.memory_space<hbm>>) dst(%dma_wait3A_22 : memref<632x128xf32, #tpu.memory_space<vmem_shared>>)
      tpu.yield
    }) : () -> ()
    %barrier3A = arith.constant 0 : index
    tpu.barrier barrier_id(%barrier3A)
    %dma_start3A = arith.constant 0 : i32
    %dma_start3A_5 = tpu.memref_slice %arg7[%dma_start3A] : memref<10240xi32, #tpu.memory_space<vmem>> -> memref<80xi32, #tpu.memory_space<vmem>>
    %dma_start3A_6 = arith.constant 0 : i32
    %dma_start3A_7 = arith.constant 0 : i32
    %dma_start3A_8 = tpu.memref_slice %arg2[%dma_start3A_6, %dma_start3A_7] : memref<10112x128xf32, #tpu.memory_space<hbm>> -> memref<10112x128xf32, #tpu.memory_space<hbm>>
    tpu.enqueue_indirect_dma source(%dma_start3A_8 : memref<10112x128xf32, #tpu.memory_space<hbm>>) target(%arg9 : memref<80x128xf32, #tpu.memory_space<vmem>>) offsets(%dma_start3A_5 : memref<80xi32, #tpu.memory_space<vmem>>) semaphore(%arg12 : memref<!tpu.dma_semaphore, #tpu.memory_space<semaphore_mem>>)
    %scan3A = arith.constant 0 : i32
    %scan3A_9 = arith.constant 0 : i32
    %scan3A_10 = arith.constant 64 : i32
    %scan3A_11 = arith.addi %scan3A_9, %scan3A_10 : i32
    %scan3A_12 = arith.constant 1 : i32
    %scan3A_13 = scf.for %scan3A_20 = %scan3A_9 to %scan3A_11 step %scan3A_12 iter_args(%scan3A_21 = %scan3A) -> (i32)  : i32 {
      %mul3A_22 = arith.constant 2 : i32
      %mul3A_23 = arith.muli %mul3A_22, %scan3A_20 : i32
      %add3A_24 = arith.constant 1 : i32
      %add3A_25 = arith.addi %mul3A_23, %add3A_24 : i32
      %mul3A_26 = arith.constant 80 : i32
      %mul3A_27 = arith.muli %mul3A_23, %mul3A_26 : i32
      %dma_wait3A = tpu.memref_slice %arg7[%mul3A_27] : memref<10240xi32, #tpu.memory_space<vmem>> -> memref<80xi32, #tpu.memory_space<vmem>>
      %dma_wait3A_28 = arith.constant 0 : i32
      %dma_wait3A_29 = arith.constant 0 : i32
      %dma_wait3A_30 = tpu.memref_slice %arg2[%dma_wait3A_28, %dma_wait3A_29] : memref<10112x128xf32, #tpu.memory_space<hbm>> -> memref<10112x128xf32, #tpu.memory_space<hbm>>
      tpu.wait_indirect_dma semaphore(%arg12 : memref<!tpu.dma_semaphore, #tpu.memory_space<semaphore_mem>>) src(%dma_wait3A_30 : memref<10112x128xf32, #tpu.memory_space<hbm>>) dst(%arg9 : memref<80x128xf32, #tpu.memory_space<vmem>>)
      %mul3A_31 = arith.constant 80 : i32
      %mul3A_32 = arith.muli %add3A_25, %mul3A_31 : i32
      %dma_start3A_33 = tpu.memref_slice %arg7[%mul3A_32] : memref<10240xi32, #tpu.memory_space<vmem>> -> memref<80xi32, #tpu.memory_space<vmem>>
      %dma_start3A_34 = arith.constant 0 : i32
      %dma_start3A_35 = arith.constant 0 : i32
      %dma_start3A_36 = tpu.memref_slice %arg2[%dma_start3A_34, %dma_start3A_35] : memref<10112x128xf32, #tpu.memory_space<hbm>> -> memref<10112x128xf32, #tpu.memory_space<hbm>>
      tpu.enqueue_indirect_dma source(%dma_start3A_36 : memref<10112x128xf32, #tpu.memory_space<hbm>>) target(%arg10 : memref<80x128xf32, #tpu.memory_space<vmem>>) offsets(%dma_start3A_33 : memref<80xi32, #tpu.memory_space<vmem>>) semaphore(%arg13 : memref<!tpu.dma_semaphore, #tpu.memory_space<semaphore_mem>>)
      %mul3A_37 = arith.constant 80 : i32
      %mul3A_38 = arith.muli %add3A_25, %mul3A_37 : i32
      %dma_wait3A_39 = tpu.memref_slice %arg7[%mul3A_38] : memref<10240xi32, #tpu.memory_space<vmem>> -> memref<80xi32, #tpu.memory_space<vmem>>
      %dma_wait3A_40 = arith.constant 0 : i32
      %dma_wait3A_41 = arith.constant 0 : i32
      %dma_wait3A_42 = tpu.memref_slice %arg2[%dma_wait3A_40, %dma_wait3A_41] : memref<10112x128xf32, #tpu.memory_space<hbm>> -> memref<10112x128xf32, #tpu.memory_space<hbm>>
      tpu.wait_indirect_dma semaphore(%arg13 : memref<!tpu.dma_semaphore, #tpu.memory_space<semaphore_mem>>) src(%dma_wait3A_42 : memref<10112x128xf32, #tpu.memory_space<hbm>>) dst(%arg10 : memref<80x128xf32, #tpu.memory_space<vmem>>)
      %lt3A = arith.constant 63 : i32
      %lt3A_43 = arith.cmpi slt, %scan3A_20, %lt3A : i32
      %convert_element_type3A = arith.extui %lt3A_43 : i1 to i32
      %cond3A = arith.constant 0 : i32
      %cond3A_44 = arith.cmpi ne, %convert_element_type3A, %cond3A : i32
      scf.if %cond3A_44 {
        %add3A_46 = arith.constant 2 : i32
        %add3A_47 = arith.addi %mul3A_23, %add3A_46 : i32
        %mul3A_48 = arith.constant 80 : i32
        %mul3A_49 = arith.muli %add3A_47, %mul3A_48 : i32
        %dma_start3A_50 = tpu.memref_slice %arg7[%mul3A_49] : memref<10240xi32, #tpu.memory_space<vmem>> -> memref<80xi32, #tpu.memory_space<vmem>>
        %dma_start3A_51 = arith.constant 0 : i32
        %dma_start3A_52 = arith.constant 0 : i32
        %dma_start3A_53 = tpu.memref_slice %arg2[%dma_start3A_51, %dma_start3A_52] : memref<10112x128xf32, #tpu.memory_space<hbm>> -> memref<10112x128xf32, #tpu.memory_space<hbm>>
        tpu.enqueue_indirect_dma source(%dma_start3A_53 : memref<10112x128xf32, #tpu.memory_space<hbm>>) target(%arg9 : memref<80x128xf32, #tpu.memory_space<vmem>>) offsets(%dma_start3A_50 : memref<80xi32, #tpu.memory_space<vmem>>) semaphore(%arg12 : memref<!tpu.dma_semaphore, #tpu.memory_space<semaphore_mem>>)
      } else {
      }
      %scan3A_45 = arith.constant 0 : i32
      scf.yield %scan3A_45 : i32
    }
    %scan3A_14 = arith.constant 64 : i32
    %barrier3A_15 = arith.constant 0 : index
    tpu.barrier barrier_id(%barrier3A_15)
    %mul3A_16 = arith.constant 632 : i32
    %mul3A_17 = arith.muli %arg1, %mul3A_16 : i32
    %mul3A_18 = arith.constant 632 : i32
    %mul3A_19 = arith.muli %arg1, %mul3A_18 : i32
    "tpu.region"() ({
      %run_scoped3A = tpu.sem_alloc : memref<!tpu.dma_semaphore, #tpu.memory_space<semaphore_mem>>
      %dma_start3A_20 = arith.constant 0 : i32
      %dma_start3A_21 = tpu.memref_slice %arg6[%arg0, %mul3A_19, %dma_start3A_20] : memref<2x10112x128xf32, #tpu.memory_space<hbm>> -> memref<1x632x128xf32, #tpu.memory_space<hbm>>
      %dma_start3A_22 = tpu.memref_squeeze %dma_start3A_21 : memref<1x632x128xf32, #tpu.memory_space<hbm>> -> memref<632x128xf32, #tpu.memory_space<hbm>>
      %dma_start3A_23 = arith.constant 0 : i32
      %dma_start3A_24 = tpu.memref_slice %arg11[%mul3A_17, %dma_start3A_23] : memref<10112x128xf32, #tpu.memory_space<vmem_shared>> -> memref<632x128xf32, #tpu.memory_space<vmem_shared>>
      tpu.enqueue_dma source(%dma_start3A_24 : memref<632x128xf32, #tpu.memory_space<vmem_shared>>) target(%dma_start3A_22 : memref<632x128xf32, #tpu.memory_space<hbm>>) target_semaphore(%run_scoped3A : memref<!tpu.dma_semaphore, #tpu.memory_space<semaphore_mem>>)
      %dma_wait3A = arith.constant 0 : i32
      %dma_wait3A_25 = tpu.memref_slice %arg6[%arg0, %mul3A_19, %dma_wait3A] : memref<2x10112x128xf32, #tpu.memory_space<hbm>> -> memref<1x632x128xf32, #tpu.memory_space<hbm>>
      %dma_wait3A_26 = tpu.memref_squeeze %dma_wait3A_25 : memref<1x632x128xf32, #tpu.memory_space<hbm>> -> memref<632x128xf32, #tpu.memory_space<hbm>>
      %dma_wait3A_27 = arith.constant 0 : i32
      %dma_wait3A_28 = tpu.memref_slice %arg11[%mul3A_17, %dma_wait3A_27] : memref<10112x128xf32, #tpu.memory_space<vmem_shared>> -> memref<632x128xf32, #tpu.memory_space<vmem_shared>>
      tpu.wait_dma2 semaphore(%run_scoped3A : memref<!tpu.dma_semaphore, #tpu.memory_space<semaphore_mem>>) src(%dma_wait3A_28 : memref<632x128xf32, #tpu.memory_space<vmem_shared>>) dst(%dma_wait3A_26 : memref<632x128xf32, #tpu.memory_space<hbm>>)
      tpu.yield
    }) : () -> ()
    return
  }
}

#map = affine_map<(d0, d1) -> (0, 0)>
#map1 = affine_map<(d0, d1) -> (0)>
#map2 = affine_map<(d0, d1) -> (0, 0, 0)>
module attributes {stable_mosaic.version = 14 : i64} {
  func.func @gcn_aggregate(%arg0: i32, %arg1: i32, %arg2: memref<10112x128xf32, #tpu.memory_space<hbm>>, %arg3: memref<327680xi32, #tpu.memory_space<hbm>>, %arg4: memref<327680xi32, #tpu.memory_space<hbm>>, %arg5: memref<632x128xf32, #tpu.memory_space<hbm>>, %arg6: memref<2x10112x128xf32, #tpu.memory_space<hbm>>, %arg7: memref<10240xi32, #tpu.memory_space<vmem>>, %arg8: memref<10240xi32, #tpu.memory_space<vmem>>, %arg9: memref<80x128xf32, #tpu.memory_space<vmem>>, %arg10: memref<80x128xf32, #tpu.memory_space<vmem>>, %arg11: memref<10112x128xf32, #tpu.memory_space<vmem_shared>>, %arg12: memref<!tpu.dma_semaphore, #tpu.memory_space<semaphore_mem>>, %arg13: memref<!tpu.dma_semaphore, #tpu.memory_space<semaphore_mem>>, %arg14: memref<!tpu.dma_semaphore, #tpu.memory_space<semaphore_mem>>, %arg15: memref<!tpu.dma_semaphore, #tpu.memory_space<semaphore_mem>>) attributes {dimension_semantics = [#tpu.dimension_semantics<core_parallel>, #tpu.dimension_semantics<subcore_parallel>], iteration_bounds = array<i64: 2, 16>, scalar_prefetch = 0 : i64, scratch_operands = 9 : i64, tpu.core_type = #tpu.core_type<sc_vector_subcore>, window_params = [{transform_indices = #map}, {transform_indices = #map1}, {transform_indices = #map1}, {transform_indices = #map}, {transform_indices = #map2}]} {
    %mul3A = arith.constant 16 : i32
    %mul3A_0 = arith.muli %arg0, %mul3A : i32
    %add3A = arith.addi %mul3A_0, %arg1 : i32
    %mul3A_1 = arith.constant 10240 : i32
    %mul3A_2 = arith.muli %add3A, %mul3A_1 : i32
    "tpu.region"() ({
      %run_scoped3A = tpu.sem_alloc : memref<!tpu.dma_semaphore, #tpu.memory_space<semaphore_mem>>
      %dma_start3A_20 = tpu.memref_slice %arg3[%mul3A_2] : memref<327680xi32, #tpu.memory_space<hbm>> -> memref<10240xi32, #tpu.memory_space<hbm>>
      %dma_start3A_21 = tpu.memref_slice %arg3[%mul3A_2] : memref<327680xi32, #tpu.memory_space<hbm>> -> memref<10240xi32, #tpu.memory_space<hbm>>
      tpu.enqueue_dma source(%dma_start3A_21 : memref<10240xi32, #tpu.memory_space<hbm>>) target(%arg7 : memref<10240xi32, #tpu.memory_space<vmem>>) target_semaphore(%run_scoped3A : memref<!tpu.dma_semaphore, #tpu.memory_space<semaphore_mem>>)
      %dma_wait3A = tpu.memref_slice %arg3[%mul3A_2] : memref<327680xi32, #tpu.memory_space<hbm>> -> memref<10240xi32, #tpu.memory_space<hbm>>
      %dma_wait3A_22 = tpu.memref_slice %arg3[%mul3A_2] : memref<327680xi32, #tpu.memory_space<hbm>> -> memref<10240xi32, #tpu.memory_space<hbm>>
      tpu.wait_dma2 semaphore(%run_scoped3A : memref<!tpu.dma_semaphore, #tpu.memory_space<semaphore_mem>>) src(%dma_wait3A_22 : memref<10240xi32, #tpu.memory_space<hbm>>) dst(%arg7 : memref<10240xi32, #tpu.memory_space<vmem>>)
      tpu.yield
    }) : () -> ()
    "tpu.region"() ({
      %run_scoped3A = tpu.sem_alloc : memref<!tpu.dma_semaphore, #tpu.memory_space<semaphore_mem>>
      %dma_start3A_20 = tpu.memref_slice %arg4[%mul3A_2] : memref<327680xi32, #tpu.memory_space<hbm>> -> memref<10240xi32, #tpu.memory_space<hbm>>
      %dma_start3A_21 = tpu.memref_slice %arg4[%mul3A_2] : memref<327680xi32, #tpu.memory_space<hbm>> -> memref<10240xi32, #tpu.memory_space<hbm>>
      tpu.enqueue_dma source(%dma_start3A_21 : memref<10240xi32, #tpu.memory_space<hbm>>) target(%arg8 : memref<10240xi32, #tpu.memory_space<vmem>>) target_semaphore(%run_scoped3A : memref<!tpu.dma_semaphore, #tpu.memory_space<semaphore_mem>>)
      %dma_wait3A = tpu.memref_slice %arg4[%mul3A_2] : memref<327680xi32, #tpu.memory_space<hbm>> -> memref<10240xi32, #tpu.memory_space<hbm>>
      %dma_wait3A_22 = tpu.memref_slice %arg4[%mul3A_2] : memref<327680xi32, #tpu.memory_space<hbm>> -> memref<10240xi32, #tpu.memory_space<hbm>>
      tpu.wait_dma2 semaphore(%run_scoped3A : memref<!tpu.dma_semaphore, #tpu.memory_space<semaphore_mem>>) src(%dma_wait3A_22 : memref<10240xi32, #tpu.memory_space<hbm>>) dst(%arg8 : memref<10240xi32, #tpu.memory_space<vmem>>)
      tpu.yield
    }) : () -> ()
    %mul3A_3 = arith.constant 632 : i32
    %mul3A_4 = arith.muli %arg1, %mul3A_3 : i32
    "tpu.region"() ({
      %run_scoped3A = tpu.sem_alloc : memref<!tpu.dma_semaphore, #tpu.memory_space<semaphore_mem>>
      %dma_start3A_20 = arith.constant 0 : i32
      %dma_start3A_21 = tpu.memref_slice %arg11[%mul3A_4, %dma_start3A_20] : memref<10112x128xf32, #tpu.memory_space<vmem_shared>> -> memref<632x128xf32, #tpu.memory_space<vmem_shared>>
      tpu.enqueue_dma source(%arg5 : memref<632x128xf32, #tpu.memory_space<hbm>>) target(%dma_start3A_21 : memref<632x128xf32, #tpu.memory_space<vmem_shared>>) target_semaphore(%run_scoped3A : memref<!tpu.dma_semaphore, #tpu.memory_space<semaphore_mem>>)
      %dma_wait3A = arith.constant 0 : i32
      %dma_wait3A_22 = tpu.memref_slice %arg11[%mul3A_4, %dma_wait3A] : memref<10112x128xf32, #tpu.memory_space<vmem_shared>> -> memref<632x128xf32, #tpu.memory_space<vmem_shared>>
      tpu.wait_dma2 semaphore(%run_scoped3A : memref<!tpu.dma_semaphore, #tpu.memory_space<semaphore_mem>>) src(%arg5 : memref<632x128xf32, #tpu.memory_space<hbm>>) dst(%dma_wait3A_22 : memref<632x128xf32, #tpu.memory_space<vmem_shared>>)
      tpu.yield
    }) : () -> ()
    %barrier3A = arith.constant 0 : index
    tpu.barrier barrier_id(%barrier3A)
    %dma_start3A = arith.constant 0 : i32
    %dma_start3A_5 = tpu.memref_slice %arg7[%dma_start3A] : memref<10240xi32, #tpu.memory_space<vmem>> -> memref<80xi32, #tpu.memory_space<vmem>>
    %dma_start3A_6 = arith.constant 0 : i32
    %dma_start3A_7 = arith.constant 0 : i32
    %dma_start3A_8 = tpu.memref_slice %arg2[%dma_start3A_6, %dma_start3A_7] : memref<10112x128xf32, #tpu.memory_space<hbm>> -> memref<10112x128xf32, #tpu.memory_space<hbm>>
    tpu.enqueue_indirect_dma source(%dma_start3A_8 : memref<10112x128xf32, #tpu.memory_space<hbm>>) target(%arg9 : memref<80x128xf32, #tpu.memory_space<vmem>>) offsets(%dma_start3A_5 : memref<80xi32, #tpu.memory_space<vmem>>) semaphore(%arg12 : memref<!tpu.dma_semaphore, #tpu.memory_space<semaphore_mem>>)
    %scan3A = arith.constant 0 : i32
    %scan3A_9 = arith.constant 0 : i32
    %scan3A_10 = arith.constant 64 : i32
    %scan3A_11 = arith.addi %scan3A_9, %scan3A_10 : i32
    %scan3A_12 = arith.constant 1 : i32
    %scan3A_13 = scf.for %scan3A_20 = %scan3A_9 to %scan3A_11 step %scan3A_12 iter_args(%scan3A_21 = %scan3A) -> (i32)  : i32 {
      %mul3A_22 = arith.constant 2 : i32
      %mul3A_23 = arith.muli %mul3A_22, %scan3A_20 : i32
      %add3A_24 = arith.constant 1 : i32
      %add3A_25 = arith.addi %mul3A_23, %add3A_24 : i32
      %mul3A_26 = arith.constant 80 : i32
      %mul3A_27 = arith.muli %mul3A_23, %mul3A_26 : i32
      %dma_wait3A = tpu.memref_slice %arg7[%mul3A_27] : memref<10240xi32, #tpu.memory_space<vmem>> -> memref<80xi32, #tpu.memory_space<vmem>>
      %dma_wait3A_28 = arith.constant 0 : i32
      %dma_wait3A_29 = arith.constant 0 : i32
      %dma_wait3A_30 = tpu.memref_slice %arg2[%dma_wait3A_28, %dma_wait3A_29] : memref<10112x128xf32, #tpu.memory_space<hbm>> -> memref<10112x128xf32, #tpu.memory_space<hbm>>
      tpu.wait_indirect_dma semaphore(%arg12 : memref<!tpu.dma_semaphore, #tpu.memory_space<semaphore_mem>>) src(%dma_wait3A_30 : memref<10112x128xf32, #tpu.memory_space<hbm>>) dst(%arg9 : memref<80x128xf32, #tpu.memory_space<vmem>>)
      %mul3A_31 = arith.constant 80 : i32
      %mul3A_32 = arith.muli %add3A_25, %mul3A_31 : i32
      %dma_start3A_33 = tpu.memref_slice %arg7[%mul3A_32] : memref<10240xi32, #tpu.memory_space<vmem>> -> memref<80xi32, #tpu.memory_space<vmem>>
      %dma_start3A_34 = arith.constant 0 : i32
      %dma_start3A_35 = arith.constant 0 : i32
      %dma_start3A_36 = tpu.memref_slice %arg2[%dma_start3A_34, %dma_start3A_35] : memref<10112x128xf32, #tpu.memory_space<hbm>> -> memref<10112x128xf32, #tpu.memory_space<hbm>>
      tpu.enqueue_indirect_dma source(%dma_start3A_36 : memref<10112x128xf32, #tpu.memory_space<hbm>>) target(%arg10 : memref<80x128xf32, #tpu.memory_space<vmem>>) offsets(%dma_start3A_33 : memref<80xi32, #tpu.memory_space<vmem>>) semaphore(%arg13 : memref<!tpu.dma_semaphore, #tpu.memory_space<semaphore_mem>>)
      %mul3A_37 = arith.constant 80 : i32
      %mul3A_38 = arith.muli %add3A_25, %mul3A_37 : i32
      %dma_wait3A_39 = tpu.memref_slice %arg7[%mul3A_38] : memref<10240xi32, #tpu.memory_space<vmem>> -> memref<80xi32, #tpu.memory_space<vmem>>
      %dma_wait3A_40 = arith.constant 0 : i32
      %dma_wait3A_41 = arith.constant 0 : i32
      %dma_wait3A_42 = tpu.memref_slice %arg2[%dma_wait3A_40, %dma_wait3A_41] : memref<10112x128xf32, #tpu.memory_space<hbm>> -> memref<10112x128xf32, #tpu.memory_space<hbm>>
      tpu.wait_indirect_dma semaphore(%arg13 : memref<!tpu.dma_semaphore, #tpu.memory_space<semaphore_mem>>) src(%dma_wait3A_42 : memref<10112x128xf32, #tpu.memory_space<hbm>>) dst(%arg10 : memref<80x128xf32, #tpu.memory_space<vmem>>)
      %lt3A = arith.constant 63 : i32
      %lt3A_43 = arith.cmpi slt, %scan3A_20, %lt3A : i32
      %convert_element_type3A = arith.extui %lt3A_43 : i1 to i32
      %cond3A = arith.constant 0 : i32
      %cond3A_44 = arith.cmpi ne, %convert_element_type3A, %cond3A : i32
      scf.if %cond3A_44 {
        %add3A_46 = arith.constant 2 : i32
        %add3A_47 = arith.addi %mul3A_23, %add3A_46 : i32
        %mul3A_48 = arith.constant 80 : i32
        %mul3A_49 = arith.muli %add3A_47, %mul3A_48 : i32
        %dma_start3A_50 = tpu.memref_slice %arg7[%mul3A_49] : memref<10240xi32, #tpu.memory_space<vmem>> -> memref<80xi32, #tpu.memory_space<vmem>>
        %dma_start3A_51 = arith.constant 0 : i32
        %dma_start3A_52 = arith.constant 0 : i32
        %dma_start3A_53 = tpu.memref_slice %arg2[%dma_start3A_51, %dma_start3A_52] : memref<10112x128xf32, #tpu.memory_space<hbm>> -> memref<10112x128xf32, #tpu.memory_space<hbm>>
        tpu.enqueue_indirect_dma source(%dma_start3A_53 : memref<10112x128xf32, #tpu.memory_space<hbm>>) target(%arg9 : memref<80x128xf32, #tpu.memory_space<vmem>>) offsets(%dma_start3A_50 : memref<80xi32, #tpu.memory_space<vmem>>) semaphore(%arg12 : memref<!tpu.dma_semaphore, #tpu.memory_space<semaphore_mem>>)
      } else {
      }
      %scan3A_45 = arith.constant 0 : i32
      scf.yield %scan3A_45 : i32
    }
    %scan3A_14 = arith.constant 64 : i32
    %barrier3A_15 = arith.constant 0 : index
    tpu.barrier barrier_id(%barrier3A_15)
    %mul3A_16 = arith.constant 632 : i32
    %mul3A_17 = arith.muli %arg1, %mul3A_16 : i32
    %mul3A_18 = arith.constant 632 : i32
    %mul3A_19 = arith.muli %arg1, %mul3A_18 : i32
    "tpu.region"() ({
      %run_scoped3A = tpu.sem_alloc : memref<!tpu.dma_semaphore, #tpu.memory_space<semaphore_mem>>
      %dma_start3A_20 = arith.constant 0 : i32
      %dma_start3A_21 = tpu.memref_slice %arg6[%arg0, %mul3A_19, %dma_start3A_20] : memref<2x10112x128xf32, #tpu.memory_space<hbm>> -> memref<1x632x128xf32, #tpu.memory_space<hbm>>
      %dma_start3A_22 = tpu.memref_squeeze %dma_start3A_21 : memref<1x632x128xf32, #tpu.memory_space<hbm>> -> memref<632x128xf32, #tpu.memory_space<hbm>>
      %dma_start3A_23 = arith.constant 0 : i32
      %dma_start3A_24 = tpu.memref_slice %arg11[%mul3A_17, %dma_start3A_23] : memref<10112x128xf32, #tpu.memory_space<vmem_shared>> -> memref<632x128xf32, #tpu.memory_space<vmem_shared>>
      tpu.enqueue_dma source(%dma_start3A_24 : memref<632x128xf32, #tpu.memory_space<vmem_shared>>) target(%dma_start3A_22 : memref<632x128xf32, #tpu.memory_space<hbm>>) target_semaphore(%run_scoped3A : memref<!tpu.dma_semaphore, #tpu.memory_space<semaphore_mem>>)
      %dma_wait3A = arith.constant 0 : i32
      %dma_wait3A_25 = tpu.memref_slice %arg6[%arg0, %mul3A_19, %dma_wait3A] : memref<2x10112x128xf32, #tpu.memory_space<hbm>> -> memref<1x632x128xf32, #tpu.memory_space<hbm>>
      %dma_wait3A_26 = tpu.memref_squeeze %dma_wait3A_25 : memref<1x632x128xf32, #tpu.memory_space<hbm>> -> memref<632x128xf32, #tpu.memory_space<hbm>>
      %dma_wait3A_27 = arith.constant 0 : i32
      %dma_wait3A_28 = tpu.memref_slice %arg11[%mul3A_17, %dma_wait3A_27] : memref<10112x128xf32, #tpu.memory_space<vmem_shared>> -> memref<632x128xf32, #tpu.memory_space<vmem_shared>>
      tpu.wait_dma2 semaphore(%run_scoped3A : memref<!tpu.dma_semaphore, #tpu.memory_space<semaphore_mem>>) src(%dma_wait3A_28 : memref<632x128xf32, #tpu.memory_space<vmem_shared>>) dst(%dma_wait3A_26 : memref<632x128xf32, #tpu.memory_space<hbm>>)
      tpu.yield
    }) : () -> ()
    return
  }
}

#map = affine_map<(d0, d1) -> (0, 0)>
#map1 = affine_map<(d0, d1) -> (0)>
#map2 = affine_map<(d0, d1) -> (0, 0, 0)>
module attributes {stable_mosaic.version = 14 : i64} {
  func.func @gcn_aggregate(%arg0: i32, %arg1: i32, %arg2: memref<10112x128xf32, #tpu.memory_space<hbm>>, %arg3: memref<327680xi32, #tpu.memory_space<hbm>>, %arg4: memref<327680xi32, #tpu.memory_space<hbm>>, %arg5: memref<632x128xf32, #tpu.memory_space<hbm>>, %arg6: memref<2x10112x128xf32, #tpu.memory_space<hbm>>, %arg7: memref<10240xi32, #tpu.memory_space<vmem>>, %arg8: memref<10240xi32, #tpu.memory_space<vmem>>, %arg9: memref<80x128xf32, #tpu.memory_space<vmem>>, %arg10: memref<80x128xf32, #tpu.memory_space<vmem>>, %arg11: memref<10112x128xf32, #tpu.memory_space<vmem_shared>>, %arg12: memref<!tpu.dma_semaphore, #tpu.memory_space<semaphore_mem>>, %arg13: memref<!tpu.dma_semaphore, #tpu.memory_space<semaphore_mem>>, %arg14: memref<!tpu.dma_semaphore, #tpu.memory_space<semaphore_mem>>, %arg15: memref<!tpu.dma_semaphore, #tpu.memory_space<semaphore_mem>>) attributes {dimension_semantics = [#tpu.dimension_semantics<core_parallel>, #tpu.dimension_semantics<subcore_parallel>], iteration_bounds = array<i64: 2, 16>, scalar_prefetch = 0 : i64, scratch_operands = 9 : i64, tpu.core_type = #tpu.core_type<sc_vector_subcore>, window_params = [{transform_indices = #map}, {transform_indices = #map1}, {transform_indices = #map1}, {transform_indices = #map}, {transform_indices = #map2}]} {
    %mul3A = arith.constant 16 : i32
    %mul3A_0 = arith.muli %arg0, %mul3A : i32
    %add3A = arith.addi %mul3A_0, %arg1 : i32
    %mul3A_1 = arith.constant 10240 : i32
    %mul3A_2 = arith.muli %add3A, %mul3A_1 : i32
    "tpu.region"() ({
      %run_scoped3A = tpu.sem_alloc : memref<!tpu.dma_semaphore, #tpu.memory_space<semaphore_mem>>
      %dma_start3A_20 = tpu.memref_slice %arg3[%mul3A_2] : memref<327680xi32, #tpu.memory_space<hbm>> -> memref<10240xi32, #tpu.memory_space<hbm>>
      %dma_start3A_21 = tpu.memref_slice %arg3[%mul3A_2] : memref<327680xi32, #tpu.memory_space<hbm>> -> memref<10240xi32, #tpu.memory_space<hbm>>
      tpu.enqueue_dma source(%dma_start3A_21 : memref<10240xi32, #tpu.memory_space<hbm>>) target(%arg7 : memref<10240xi32, #tpu.memory_space<vmem>>) target_semaphore(%run_scoped3A : memref<!tpu.dma_semaphore, #tpu.memory_space<semaphore_mem>>)
      %dma_wait3A = tpu.memref_slice %arg3[%mul3A_2] : memref<327680xi32, #tpu.memory_space<hbm>> -> memref<10240xi32, #tpu.memory_space<hbm>>
      %dma_wait3A_22 = tpu.memref_slice %arg3[%mul3A_2] : memref<327680xi32, #tpu.memory_space<hbm>> -> memref<10240xi32, #tpu.memory_space<hbm>>
      tpu.wait_dma2 semaphore(%run_scoped3A : memref<!tpu.dma_semaphore, #tpu.memory_space<semaphore_mem>>) src(%dma_wait3A_22 : memref<10240xi32, #tpu.memory_space<hbm>>) dst(%arg7 : memref<10240xi32, #tpu.memory_space<vmem>>)
      tpu.yield
    }) : () -> ()
    "tpu.region"() ({
      %run_scoped3A = tpu.sem_alloc : memref<!tpu.dma_semaphore, #tpu.memory_space<semaphore_mem>>
      %dma_start3A_20 = tpu.memref_slice %arg4[%mul3A_2] : memref<327680xi32, #tpu.memory_space<hbm>> -> memref<10240xi32, #tpu.memory_space<hbm>>
      %dma_start3A_21 = tpu.memref_slice %arg4[%mul3A_2] : memref<327680xi32, #tpu.memory_space<hbm>> -> memref<10240xi32, #tpu.memory_space<hbm>>
      tpu.enqueue_dma source(%dma_start3A_21 : memref<10240xi32, #tpu.memory_space<hbm>>) target(%arg8 : memref<10240xi32, #tpu.memory_space<vmem>>) target_semaphore(%run_scoped3A : memref<!tpu.dma_semaphore, #tpu.memory_space<semaphore_mem>>)
      %dma_wait3A = tpu.memref_slice %arg4[%mul3A_2] : memref<327680xi32, #tpu.memory_space<hbm>> -> memref<10240xi32, #tpu.memory_space<hbm>>
      %dma_wait3A_22 = tpu.memref_slice %arg4[%mul3A_2] : memref<327680xi32, #tpu.memory_space<hbm>> -> memref<10240xi32, #tpu.memory_space<hbm>>
      tpu.wait_dma2 semaphore(%run_scoped3A : memref<!tpu.dma_semaphore, #tpu.memory_space<semaphore_mem>>) src(%dma_wait3A_22 : memref<10240xi32, #tpu.memory_space<hbm>>) dst(%arg8 : memref<10240xi32, #tpu.memory_space<vmem>>)
      tpu.yield
    }) : () -> ()
    %mul3A_3 = arith.constant 632 : i32
    %mul3A_4 = arith.muli %arg1, %mul3A_3 : i32
    "tpu.region"() ({
      %run_scoped3A = tpu.sem_alloc : memref<!tpu.dma_semaphore, #tpu.memory_space<semaphore_mem>>
      %dma_start3A_20 = arith.constant 0 : i32
      %dma_start3A_21 = tpu.memref_slice %arg11[%mul3A_4, %dma_start3A_20] : memref<10112x128xf32, #tpu.memory_space<vmem_shared>> -> memref<632x128xf32, #tpu.memory_space<vmem_shared>>
      tpu.enqueue_dma source(%arg5 : memref<632x128xf32, #tpu.memory_space<hbm>>) target(%dma_start3A_21 : memref<632x128xf32, #tpu.memory_space<vmem_shared>>) target_semaphore(%run_scoped3A : memref<!tpu.dma_semaphore, #tpu.memory_space<semaphore_mem>>)
      %dma_wait3A = arith.constant 0 : i32
      %dma_wait3A_22 = tpu.memref_slice %arg11[%mul3A_4, %dma_wait3A] : memref<10112x128xf32, #tpu.memory_space<vmem_shared>> -> memref<632x128xf32, #tpu.memory_space<vmem_shared>>
      tpu.wait_dma2 semaphore(%run_scoped3A : memref<!tpu.dma_semaphore, #tpu.memory_space<semaphore_mem>>) src(%arg5 : memref<632x128xf32, #tpu.memory_space<hbm>>) dst(%dma_wait3A_22 : memref<632x128xf32, #tpu.memory_space<vmem_shared>>)
      tpu.yield
    }) : () -> ()
    %barrier3A = arith.constant 0 : index
    tpu.barrier barrier_id(%barrier3A)
    %dma_start3A = arith.constant 0 : i32
    %dma_start3A_5 = tpu.memref_slice %arg7[%dma_start3A] : memref<10240xi32, #tpu.memory_space<vmem>> -> memref<80xi32, #tpu.memory_space<vmem>>
    %dma_start3A_6 = arith.constant 0 : i32
    %dma_start3A_7 = arith.constant 0 : i32
    %dma_start3A_8 = tpu.memref_slice %arg2[%dma_start3A_6, %dma_start3A_7] : memref<10112x128xf32, #tpu.memory_space<hbm>> -> memref<10112x128xf32, #tpu.memory_space<hbm>>
    tpu.enqueue_indirect_dma source(%dma_start3A_8 : memref<10112x128xf32, #tpu.memory_space<hbm>>) target(%arg9 : memref<80x128xf32, #tpu.memory_space<vmem>>) offsets(%dma_start3A_5 : memref<80xi32, #tpu.memory_space<vmem>>) semaphore(%arg12 : memref<!tpu.dma_semaphore, #tpu.memory_space<semaphore_mem>>)
    %scan3A = arith.constant 0 : i32
    %scan3A_9 = arith.constant 0 : i32
    %scan3A_10 = arith.constant 64 : i32
    %scan3A_11 = arith.addi %scan3A_9, %scan3A_10 : i32
    %scan3A_12 = arith.constant 1 : i32
    %scan3A_13 = scf.for %scan3A_20 = %scan3A_9 to %scan3A_11 step %scan3A_12 iter_args(%scan3A_21 = %scan3A) -> (i32)  : i32 {
      %mul3A_22 = arith.constant 2 : i32
      %mul3A_23 = arith.muli %mul3A_22, %scan3A_20 : i32
      %add3A_24 = arith.constant 1 : i32
      %add3A_25 = arith.addi %mul3A_23, %add3A_24 : i32
      %mul3A_26 = arith.constant 80 : i32
      %mul3A_27 = arith.muli %mul3A_23, %mul3A_26 : i32
      %dma_wait3A = tpu.memref_slice %arg7[%mul3A_27] : memref<10240xi32, #tpu.memory_space<vmem>> -> memref<80xi32, #tpu.memory_space<vmem>>
      %dma_wait3A_28 = arith.constant 0 : i32
      %dma_wait3A_29 = arith.constant 0 : i32
      %dma_wait3A_30 = tpu.memref_slice %arg2[%dma_wait3A_28, %dma_wait3A_29] : memref<10112x128xf32, #tpu.memory_space<hbm>> -> memref<10112x128xf32, #tpu.memory_space<hbm>>
      tpu.wait_indirect_dma semaphore(%arg12 : memref<!tpu.dma_semaphore, #tpu.memory_space<semaphore_mem>>) src(%dma_wait3A_30 : memref<10112x128xf32, #tpu.memory_space<hbm>>) dst(%arg9 : memref<80x128xf32, #tpu.memory_space<vmem>>)
      %mul3A_31 = arith.constant 80 : i32
      %mul3A_32 = arith.muli %add3A_25, %mul3A_31 : i32
      %dma_start3A_33 = tpu.memref_slice %arg7[%mul3A_32] : memref<10240xi32, #tpu.memory_space<vmem>> -> memref<80xi32, #tpu.memory_space<vmem>>
      %dma_start3A_34 = arith.constant 0 : i32
      %dma_start3A_35 = arith.constant 0 : i32
      %dma_start3A_36 = tpu.memref_slice %arg2[%dma_start3A_34, %dma_start3A_35] : memref<10112x128xf32, #tpu.memory_space<hbm>> -> memref<10112x128xf32, #tpu.memory_space<hbm>>
      tpu.enqueue_indirect_dma source(%dma_start3A_36 : memref<10112x128xf32, #tpu.memory_space<hbm>>) target(%arg10 : memref<80x128xf32, #tpu.memory_space<vmem>>) offsets(%dma_start3A_33 : memref<80xi32, #tpu.memory_space<vmem>>) semaphore(%arg13 : memref<!tpu.dma_semaphore, #tpu.memory_space<semaphore_mem>>)
      %mul3A_37 = arith.constant 80 : i32
      %mul3A_38 = arith.muli %add3A_25, %mul3A_37 : i32
      %dma_wait3A_39 = tpu.memref_slice %arg7[%mul3A_38] : memref<10240xi32, #tpu.memory_space<vmem>> -> memref<80xi32, #tpu.memory_space<vmem>>
      %dma_wait3A_40 = arith.constant 0 : i32
      %dma_wait3A_41 = arith.constant 0 : i32
      %dma_wait3A_42 = tpu.memref_slice %arg2[%dma_wait3A_40, %dma_wait3A_41] : memref<10112x128xf32, #tpu.memory_space<hbm>> -> memref<10112x128xf32, #tpu.memory_space<hbm>>
      tpu.wait_indirect_dma semaphore(%arg13 : memref<!tpu.dma_semaphore, #tpu.memory_space<semaphore_mem>>) src(%dma_wait3A_42 : memref<10112x128xf32, #tpu.memory_space<hbm>>) dst(%arg10 : memref<80x128xf32, #tpu.memory_space<vmem>>)
      %lt3A = arith.constant 63 : i32
      %lt3A_43 = arith.cmpi slt, %scan3A_20, %lt3A : i32
      %convert_element_type3A = arith.extui %lt3A_43 : i1 to i32
      %cond3A = arith.constant 0 : i32
      %cond3A_44 = arith.cmpi ne, %convert_element_type3A, %cond3A : i32
      scf.if %cond3A_44 {
        %add3A_46 = arith.constant 2 : i32
        %add3A_47 = arith.addi %mul3A_23, %add3A_46 : i32
        %mul3A_48 = arith.constant 80 : i32
        %mul3A_49 = arith.muli %add3A_47, %mul3A_48 : i32
        %dma_start3A_50 = tpu.memref_slice %arg7[%mul3A_49] : memref<10240xi32, #tpu.memory_space<vmem>> -> memref<80xi32, #tpu.memory_space<vmem>>
        %dma_start3A_51 = arith.constant 0 : i32
        %dma_start3A_52 = arith.constant 0 : i32
        %dma_start3A_53 = tpu.memref_slice %arg2[%dma_start3A_51, %dma_start3A_52] : memref<10112x128xf32, #tpu.memory_space<hbm>> -> memref<10112x128xf32, #tpu.memory_space<hbm>>
        tpu.enqueue_indirect_dma source(%dma_start3A_53 : memref<10112x128xf32, #tpu.memory_space<hbm>>) target(%arg9 : memref<80x128xf32, #tpu.memory_space<vmem>>) offsets(%dma_start3A_50 : memref<80xi32, #tpu.memory_space<vmem>>) semaphore(%arg12 : memref<!tpu.dma_semaphore, #tpu.memory_space<semaphore_mem>>)
      } else {
      }
      %scan3A_45 = arith.constant 0 : i32
      scf.yield %scan3A_45 : i32
    }
    %scan3A_14 = arith.constant 64 : i32
    %barrier3A_15 = arith.constant 0 : index
    tpu.barrier barrier_id(%barrier3A_15)
    %mul3A_16 = arith.constant 632 : i32
    %mul3A_17 = arith.muli %arg1, %mul3A_16 : i32
    %mul3A_18 = arith.constant 632 : i32
    %mul3A_19 = arith.muli %arg1, %mul3A_18 : i32
    "tpu.region"() ({
      %run_scoped3A = tpu.sem_alloc : memref<!tpu.dma_semaphore, #tpu.memory_space<semaphore_mem>>
      %dma_start3A_20 = arith.constant 0 : i32
      %dma_start3A_21 = tpu.memref_slice %arg6[%arg0, %mul3A_19, %dma_start3A_20] : memref<2x10112x128xf32, #tpu.memory_space<hbm>> -> memref<1x632x128xf32, #tpu.memory_space<hbm>>
      %dma_start3A_22 = tpu.memref_squeeze %dma_start3A_21 : memref<1x632x128xf32, #tpu.memory_space<hbm>> -> memref<632x128xf32, #tpu.memory_space<hbm>>
      %dma_start3A_23 = arith.constant 0 : i32
      %dma_start3A_24 = tpu.memref_slice %arg11[%mul3A_17, %dma_start3A_23] : memref<10112x128xf32, #tpu.memory_space<vmem_shared>> -> memref<632x128xf32, #tpu.memory_space<vmem_shared>>
      tpu.enqueue_dma source(%dma_start3A_24 : memref<632x128xf32, #tpu.memory_space<vmem_shared>>) target(%dma_start3A_22 : memref<632x128xf32, #tpu.memory_space<hbm>>) target_semaphore(%run_scoped3A : memref<!tpu.dma_semaphore, #tpu.memory_space<semaphore_mem>>)
      %dma_wait3A = arith.constant 0 : i32
      %dma_wait3A_25 = tpu.memref_slice %arg6[%arg0, %mul3A_19, %dma_wait3A] : memref<2x10112x128xf32, #tpu.memory_space<hbm>> -> memref<1x632x128xf32, #tpu.memory_space<hbm>>
      %dma_wait3A_26 = tpu.memref_squeeze %dma_wait3A_25 : memref<1x632x128xf32, #tpu.memory_space<hbm>> -> memref<632x128xf32, #tpu.memory_space<hbm>>
      %dma_wait3A_27 = arith.constant 0 : i32
      %dma_wait3A_28 = tpu.memref_slice %arg11[%mul3A_17, %dma_wait3A_27] : memref<10112x128xf32, #tpu.memory_space<vmem_shared>> -> memref<632x128xf32, #tpu.memory_space<vmem_shared>>
      tpu.wait_dma2 semaphore(%run_scoped3A : memref<!tpu.dma_semaphore, #tpu.memory_space<semaphore_mem>>) src(%dma_wait3A_28 : memref<632x128xf32, #tpu.memory_space<vmem_shared>>) dst(%dma_wait3A_26 : memref<632x128xf32, #tpu.memory_space<hbm>>)
      tpu.yield
    }) : () -> ()
    return
  }
}

#map = affine_map<(d0, d1) -> (0, 0)>
#map1 = affine_map<(d0, d1) -> (0)>
#map2 = affine_map<(d0, d1) -> (0, 0, 0)>
module attributes {stable_mosaic.version = 14 : i64} {
  func.func @gcn_aggregate(%arg0: i32, %arg1: i32, %arg2: memref<10112x128xf32, #tpu.memory_space<hbm>>, %arg3: memref<327680xi32, #tpu.memory_space<hbm>>, %arg4: memref<327680xi32, #tpu.memory_space<hbm>>, %arg5: memref<632x128xf32, #tpu.memory_space<hbm>>, %arg6: memref<2x10112x128xf32, #tpu.memory_space<hbm>>, %arg7: memref<10240xi32, #tpu.memory_space<vmem>>, %arg8: memref<10240xi32, #tpu.memory_space<vmem>>, %arg9: memref<80x128xf32, #tpu.memory_space<vmem>>, %arg10: memref<80x128xf32, #tpu.memory_space<vmem>>, %arg11: memref<10112x128xf32, #tpu.memory_space<vmem_shared>>, %arg12: memref<!tpu.dma_semaphore, #tpu.memory_space<semaphore_mem>>, %arg13: memref<!tpu.dma_semaphore, #tpu.memory_space<semaphore_mem>>, %arg14: memref<!tpu.dma_semaphore, #tpu.memory_space<semaphore_mem>>, %arg15: memref<!tpu.dma_semaphore, #tpu.memory_space<semaphore_mem>>) attributes {dimension_semantics = [#tpu.dimension_semantics<core_parallel>, #tpu.dimension_semantics<subcore_parallel>], iteration_bounds = array<i64: 2, 16>, scalar_prefetch = 0 : i64, scratch_operands = 9 : i64, tpu.core_type = #tpu.core_type<sc_vector_subcore>, window_params = [{transform_indices = #map}, {transform_indices = #map1}, {transform_indices = #map1}, {transform_indices = #map}, {transform_indices = #map2}]} {
    %mul3A = arith.constant 16 : i32
    %mul3A_0 = arith.muli %arg0, %mul3A : i32
    %add3A = arith.addi %mul3A_0, %arg1 : i32
    %mul3A_1 = arith.constant 10240 : i32
    %mul3A_2 = arith.muli %add3A, %mul3A_1 : i32
    "tpu.region"() ({
      %run_scoped3A = tpu.sem_alloc : memref<!tpu.dma_semaphore, #tpu.memory_space<semaphore_mem>>
      %dma_start3A_20 = tpu.memref_slice %arg3[%mul3A_2] : memref<327680xi32, #tpu.memory_space<hbm>> -> memref<10240xi32, #tpu.memory_space<hbm>>
      %dma_start3A_21 = tpu.memref_slice %arg3[%mul3A_2] : memref<327680xi32, #tpu.memory_space<hbm>> -> memref<10240xi32, #tpu.memory_space<hbm>>
      tpu.enqueue_dma source(%dma_start3A_21 : memref<10240xi32, #tpu.memory_space<hbm>>) target(%arg7 : memref<10240xi32, #tpu.memory_space<vmem>>) target_semaphore(%run_scoped3A : memref<!tpu.dma_semaphore, #tpu.memory_space<semaphore_mem>>)
      %dma_wait3A = tpu.memref_slice %arg3[%mul3A_2] : memref<327680xi32, #tpu.memory_space<hbm>> -> memref<10240xi32, #tpu.memory_space<hbm>>
      %dma_wait3A_22 = tpu.memref_slice %arg3[%mul3A_2] : memref<327680xi32, #tpu.memory_space<hbm>> -> memref<10240xi32, #tpu.memory_space<hbm>>
      tpu.wait_dma2 semaphore(%run_scoped3A : memref<!tpu.dma_semaphore, #tpu.memory_space<semaphore_mem>>) src(%dma_wait3A_22 : memref<10240xi32, #tpu.memory_space<hbm>>) dst(%arg7 : memref<10240xi32, #tpu.memory_space<vmem>>)
      tpu.yield
    }) : () -> ()
    "tpu.region"() ({
      %run_scoped3A = tpu.sem_alloc : memref<!tpu.dma_semaphore, #tpu.memory_space<semaphore_mem>>
      %dma_start3A_20 = tpu.memref_slice %arg4[%mul3A_2] : memref<327680xi32, #tpu.memory_space<hbm>> -> memref<10240xi32, #tpu.memory_space<hbm>>
      %dma_start3A_21 = tpu.memref_slice %arg4[%mul3A_2] : memref<327680xi32, #tpu.memory_space<hbm>> -> memref<10240xi32, #tpu.memory_space<hbm>>
      tpu.enqueue_dma source(%dma_start3A_21 : memref<10240xi32, #tpu.memory_space<hbm>>) target(%arg8 : memref<10240xi32, #tpu.memory_space<vmem>>) target_semaphore(%run_scoped3A : memref<!tpu.dma_semaphore, #tpu.memory_space<semaphore_mem>>)
      %dma_wait3A = tpu.memref_slice %arg4[%mul3A_2] : memref<327680xi32, #tpu.memory_space<hbm>> -> memref<10240xi32, #tpu.memory_space<hbm>>
      %dma_wait3A_22 = tpu.memref_slice %arg4[%mul3A_2] : memref<327680xi32, #tpu.memory_space<hbm>> -> memref<10240xi32, #tpu.memory_space<hbm>>
      tpu.wait_dma2 semaphore(%run_scoped3A : memref<!tpu.dma_semaphore, #tpu.memory_space<semaphore_mem>>) src(%dma_wait3A_22 : memref<10240xi32, #tpu.memory_space<hbm>>) dst(%arg8 : memref<10240xi32, #tpu.memory_space<vmem>>)
      tpu.yield
    }) : () -> ()
    %mul3A_3 = arith.constant 632 : i32
    %mul3A_4 = arith.muli %arg1, %mul3A_3 : i32
    "tpu.region"() ({
      %run_scoped3A = tpu.sem_alloc : memref<!tpu.dma_semaphore, #tpu.memory_space<semaphore_mem>>
      %dma_start3A_20 = arith.constant 0 : i32
      %dma_start3A_21 = tpu.memref_slice %arg11[%mul3A_4, %dma_start3A_20] : memref<10112x128xf32, #tpu.memory_space<vmem_shared>> -> memref<632x128xf32, #tpu.memory_space<vmem_shared>>
      tpu.enqueue_dma source(%arg5 : memref<632x128xf32, #tpu.memory_space<hbm>>) target(%dma_start3A_21 : memref<632x128xf32, #tpu.memory_space<vmem_shared>>) target_semaphore(%run_scoped3A : memref<!tpu.dma_semaphore, #tpu.memory_space<semaphore_mem>>)
      %dma_wait3A = arith.constant 0 : i32
      %dma_wait3A_22 = tpu.memref_slice %arg11[%mul3A_4, %dma_wait3A] : memref<10112x128xf32, #tpu.memory_space<vmem_shared>> -> memref<632x128xf32, #tpu.memory_space<vmem_shared>>
      tpu.wait_dma2 semaphore(%run_scoped3A : memref<!tpu.dma_semaphore, #tpu.memory_space<semaphore_mem>>) src(%arg5 : memref<632x128xf32, #tpu.memory_space<hbm>>) dst(%dma_wait3A_22 : memref<632x128xf32, #tpu.memory_space<vmem_shared>>)
      tpu.yield
    }) : () -> ()
    %barrier3A = arith.constant 0 : index
    tpu.barrier barrier_id(%barrier3A)
    %dma_start3A = arith.constant 0 : i32
    %dma_start3A_5 = tpu.memref_slice %arg7[%dma_start3A] : memref<10240xi32, #tpu.memory_space<vmem>> -> memref<80xi32, #tpu.memory_space<vmem>>
    %dma_start3A_6 = arith.constant 0 : i32
    %dma_start3A_7 = arith.constant 0 : i32
    %dma_start3A_8 = tpu.memref_slice %arg2[%dma_start3A_6, %dma_start3A_7] : memref<10112x128xf32, #tpu.memory_space<hbm>> -> memref<10112x128xf32, #tpu.memory_space<hbm>>
    tpu.enqueue_indirect_dma source(%dma_start3A_8 : memref<10112x128xf32, #tpu.memory_space<hbm>>) target(%arg9 : memref<80x128xf32, #tpu.memory_space<vmem>>) offsets(%dma_start3A_5 : memref<80xi32, #tpu.memory_space<vmem>>) semaphore(%arg12 : memref<!tpu.dma_semaphore, #tpu.memory_space<semaphore_mem>>)
    %scan3A = arith.constant 0 : i32
    %scan3A_9 = arith.constant 0 : i32
    %scan3A_10 = arith.constant 64 : i32
    %scan3A_11 = arith.addi %scan3A_9, %scan3A_10 : i32
    %scan3A_12 = arith.constant 1 : i32
    %scan3A_13 = scf.for %scan3A_20 = %scan3A_9 to %scan3A_11 step %scan3A_12 iter_args(%scan3A_21 = %scan3A) -> (i32)  : i32 {
      %mul3A_22 = arith.constant 2 : i32
      %mul3A_23 = arith.muli %mul3A_22, %scan3A_20 : i32
      %add3A_24 = arith.constant 1 : i32
      %add3A_25 = arith.addi %mul3A_23, %add3A_24 : i32
      %mul3A_26 = arith.constant 80 : i32
      %mul3A_27 = arith.muli %mul3A_23, %mul3A_26 : i32
      %dma_wait3A = tpu.memref_slice %arg7[%mul3A_27] : memref<10240xi32, #tpu.memory_space<vmem>> -> memref<80xi32, #tpu.memory_space<vmem>>
      %dma_wait3A_28 = arith.constant 0 : i32
      %dma_wait3A_29 = arith.constant 0 : i32
      %dma_wait3A_30 = tpu.memref_slice %arg2[%dma_wait3A_28, %dma_wait3A_29] : memref<10112x128xf32, #tpu.memory_space<hbm>> -> memref<10112x128xf32, #tpu.memory_space<hbm>>
      tpu.wait_indirect_dma semaphore(%arg12 : memref<!tpu.dma_semaphore, #tpu.memory_space<semaphore_mem>>) src(%dma_wait3A_30 : memref<10112x128xf32, #tpu.memory_space<hbm>>) dst(%arg9 : memref<80x128xf32, #tpu.memory_space<vmem>>)
      %mul3A_31 = arith.constant 80 : i32
      %mul3A_32 = arith.muli %add3A_25, %mul3A_31 : i32
      %dma_start3A_33 = tpu.memref_slice %arg7[%mul3A_32] : memref<10240xi32, #tpu.memory_space<vmem>> -> memref<80xi32, #tpu.memory_space<vmem>>
      %dma_start3A_34 = arith.constant 0 : i32
      %dma_start3A_35 = arith.constant 0 : i32
      %dma_start3A_36 = tpu.memref_slice %arg2[%dma_start3A_34, %dma_start3A_35] : memref<10112x128xf32, #tpu.memory_space<hbm>> -> memref<10112x128xf32, #tpu.memory_space<hbm>>
      tpu.enqueue_indirect_dma source(%dma_start3A_36 : memref<10112x128xf32, #tpu.memory_space<hbm>>) target(%arg10 : memref<80x128xf32, #tpu.memory_space<vmem>>) offsets(%dma_start3A_33 : memref<80xi32, #tpu.memory_space<vmem>>) semaphore(%arg13 : memref<!tpu.dma_semaphore, #tpu.memory_space<semaphore_mem>>)
      %mul3A_37 = arith.constant 80 : i32
      %mul3A_38 = arith.muli %add3A_25, %mul3A_37 : i32
      %dma_wait3A_39 = tpu.memref_slice %arg7[%mul3A_38] : memref<10240xi32, #tpu.memory_space<vmem>> -> memref<80xi32, #tpu.memory_space<vmem>>
      %dma_wait3A_40 = arith.constant 0 : i32
      %dma_wait3A_41 = arith.constant 0 : i32
      %dma_wait3A_42 = tpu.memref_slice %arg2[%dma_wait3A_40, %dma_wait3A_41] : memref<10112x128xf32, #tpu.memory_space<hbm>> -> memref<10112x128xf32, #tpu.memory_space<hbm>>
      tpu.wait_indirect_dma semaphore(%arg13 : memref<!tpu.dma_semaphore, #tpu.memory_space<semaphore_mem>>) src(%dma_wait3A_42 : memref<10112x128xf32, #tpu.memory_space<hbm>>) dst(%arg10 : memref<80x128xf32, #tpu.memory_space<vmem>>)
      %lt3A = arith.constant 63 : i32
      %lt3A_43 = arith.cmpi slt, %scan3A_20, %lt3A : i32
      %convert_element_type3A = arith.extui %lt3A_43 : i1 to i32
      %cond3A = arith.constant 0 : i32
      %cond3A_44 = arith.cmpi ne, %convert_element_type3A, %cond3A : i32
      scf.if %cond3A_44 {
        %add3A_46 = arith.constant 2 : i32
        %add3A_47 = arith.addi %mul3A_23, %add3A_46 : i32
        %mul3A_48 = arith.constant 80 : i32
        %mul3A_49 = arith.muli %add3A_47, %mul3A_48 : i32
        %dma_start3A_50 = tpu.memref_slice %arg7[%mul3A_49] : memref<10240xi32, #tpu.memory_space<vmem>> -> memref<80xi32, #tpu.memory_space<vmem>>
        %dma_start3A_51 = arith.constant 0 : i32
        %dma_start3A_52 = arith.constant 0 : i32
        %dma_start3A_53 = tpu.memref_slice %arg2[%dma_start3A_51, %dma_start3A_52] : memref<10112x128xf32, #tpu.memory_space<hbm>> -> memref<10112x128xf32, #tpu.memory_space<hbm>>
        tpu.enqueue_indirect_dma source(%dma_start3A_53 : memref<10112x128xf32, #tpu.memory_space<hbm>>) target(%arg9 : memref<80x128xf32, #tpu.memory_space<vmem>>) offsets(%dma_start3A_50 : memref<80xi32, #tpu.memory_space<vmem>>) semaphore(%arg12 : memref<!tpu.dma_semaphore, #tpu.memory_space<semaphore_mem>>)
      } else {
      }
      %scan3A_45 = arith.constant 0 : i32
      scf.yield %scan3A_45 : i32
    }
    %scan3A_14 = arith.constant 64 : i32
    %barrier3A_15 = arith.constant 0 : index
    tpu.barrier barrier_id(%barrier3A_15)
    %mul3A_16 = arith.constant 632 : i32
    %mul3A_17 = arith.muli %arg1, %mul3A_16 : i32
    %mul3A_18 = arith.constant 632 : i32
    %mul3A_19 = arith.muli %arg1, %mul3A_18 : i32
    "tpu.region"() ({
      %run_scoped3A = tpu.sem_alloc : memref<!tpu.dma_semaphore, #tpu.memory_space<semaphore_mem>>
      %dma_start3A_20 = arith.constant 0 : i32
      %dma_start3A_21 = tpu.memref_slice %arg6[%arg0, %mul3A_19, %dma_start3A_20] : memref<2x10112x128xf32, #tpu.memory_space<hbm>> -> memref<1x632x128xf32, #tpu.memory_space<hbm>>
      %dma_start3A_22 = tpu.memref_squeeze %dma_start3A_21 : memref<1x632x128xf32, #tpu.memory_space<hbm>> -> memref<632x128xf32, #tpu.memory_space<hbm>>
      %dma_start3A_23 = arith.constant 0 : i32
      %dma_start3A_24 = tpu.memref_slice %arg11[%mul3A_17, %dma_start3A_23] : memref<10112x128xf32, #tpu.memory_space<vmem_shared>> -> memref<632x128xf32, #tpu.memory_space<vmem_shared>>
      tpu.enqueue_dma source(%dma_start3A_24 : memref<632x128xf32, #tpu.memory_space<vmem_shared>>) target(%dma_start3A_22 : memref<632x128xf32, #tpu.memory_space<hbm>>) target_semaphore(%run_scoped3A : memref<!tpu.dma_semaphore, #tpu.memory_space<semaphore_mem>>)
      %dma_wait3A = arith.constant 0 : i32
      %dma_wait3A_25 = tpu.memref_slice %arg6[%arg0, %mul3A_19, %dma_wait3A] : memref<2x10112x128xf32, #tpu.memory_space<hbm>> -> memref<1x632x128xf32, #tpu.memory_space<hbm>>
      %dma_wait3A_26 = tpu.memref_squeeze %dma_wait3A_25 : memref<1x632x128xf32, #tpu.memory_space<hbm>> -> memref<632x128xf32, #tpu.memory_space<hbm>>
      %dma_wait3A_27 = arith.constant 0 : i32
      %dma_wait3A_28 = tpu.memref_slice %arg11[%mul3A_17, %dma_wait3A_27] : memref<10112x128xf32, #tpu.memory_space<vmem_shared>> -> memref<632x128xf32, #tpu.memory_space<vmem_shared>>
      tpu.wait_dma2 semaphore(%run_scoped3A : memref<!tpu.dma_semaphore, #tpu.memory_space<semaphore_mem>>) src(%dma_wait3A_28 : memref<632x128xf32, #tpu.memory_space<vmem_shared>>) dst(%dma_wait3A_26 : memref<632x128xf32, #tpu.memory_space<hbm>>)
      tpu.yield
    }) : () -> ()
    return
  }
}

#map = affine_map<(d0, d1) -> (0, 0)>
#map1 = affine_map<(d0, d1) -> (0)>
#map2 = affine_map<(d0, d1) -> (0, 0, 0)>
module attributes {stable_mosaic.version = 14 : i64} {
  func.func @gcn_aggregate(%arg0: i32, %arg1: i32, %arg2: memref<10112x128xf32, #tpu.memory_space<hbm>>, %arg3: memref<327680xi32, #tpu.memory_space<hbm>>, %arg4: memref<327680xi32, #tpu.memory_space<hbm>>, %arg5: memref<632x128xf32, #tpu.memory_space<hbm>>, %arg6: memref<2x10112x128xf32, #tpu.memory_space<hbm>>, %arg7: memref<10240xi32, #tpu.memory_space<vmem>>, %arg8: memref<10240xi32, #tpu.memory_space<vmem>>, %arg9: memref<80x128xf32, #tpu.memory_space<vmem>>, %arg10: memref<80x128xf32, #tpu.memory_space<vmem>>, %arg11: memref<10112x128xf32, #tpu.memory_space<vmem_shared>>, %arg12: memref<!tpu.dma_semaphore, #tpu.memory_space<semaphore_mem>>, %arg13: memref<!tpu.dma_semaphore, #tpu.memory_space<semaphore_mem>>, %arg14: memref<!tpu.dma_semaphore, #tpu.memory_space<semaphore_mem>>, %arg15: memref<!tpu.dma_semaphore, #tpu.memory_space<semaphore_mem>>) attributes {dimension_semantics = [#tpu.dimension_semantics<core_parallel>, #tpu.dimension_semantics<subcore_parallel>], iteration_bounds = array<i64: 2, 16>, scalar_prefetch = 0 : i64, scratch_operands = 9 : i64, tpu.core_type = #tpu.core_type<sc_vector_subcore>, window_params = [{transform_indices = #map}, {transform_indices = #map1}, {transform_indices = #map1}, {transform_indices = #map}, {transform_indices = #map2}]} {
    %mul3A = arith.constant 16 : i32
    %mul3A_0 = arith.muli %arg0, %mul3A : i32
    %add3A = arith.addi %mul3A_0, %arg1 : i32
    %mul3A_1 = arith.constant 10240 : i32
    %mul3A_2 = arith.muli %add3A, %mul3A_1 : i32
    "tpu.region"() ({
      %run_scoped3A = tpu.sem_alloc : memref<!tpu.dma_semaphore, #tpu.memory_space<semaphore_mem>>
      %dma_start3A_20 = tpu.memref_slice %arg3[%mul3A_2] : memref<327680xi32, #tpu.memory_space<hbm>> -> memref<10240xi32, #tpu.memory_space<hbm>>
      %dma_start3A_21 = tpu.memref_slice %arg3[%mul3A_2] : memref<327680xi32, #tpu.memory_space<hbm>> -> memref<10240xi32, #tpu.memory_space<hbm>>
      tpu.enqueue_dma source(%dma_start3A_21 : memref<10240xi32, #tpu.memory_space<hbm>>) target(%arg7 : memref<10240xi32, #tpu.memory_space<vmem>>) target_semaphore(%run_scoped3A : memref<!tpu.dma_semaphore, #tpu.memory_space<semaphore_mem>>)
      %dma_wait3A = tpu.memref_slice %arg3[%mul3A_2] : memref<327680xi32, #tpu.memory_space<hbm>> -> memref<10240xi32, #tpu.memory_space<hbm>>
      %dma_wait3A_22 = tpu.memref_slice %arg3[%mul3A_2] : memref<327680xi32, #tpu.memory_space<hbm>> -> memref<10240xi32, #tpu.memory_space<hbm>>
      tpu.wait_dma2 semaphore(%run_scoped3A : memref<!tpu.dma_semaphore, #tpu.memory_space<semaphore_mem>>) src(%dma_wait3A_22 : memref<10240xi32, #tpu.memory_space<hbm>>) dst(%arg7 : memref<10240xi32, #tpu.memory_space<vmem>>)
      tpu.yield
    }) : () -> ()
    "tpu.region"() ({
      %run_scoped3A = tpu.sem_alloc : memref<!tpu.dma_semaphore, #tpu.memory_space<semaphore_mem>>
      %dma_start3A_20 = tpu.memref_slice %arg4[%mul3A_2] : memref<327680xi32, #tpu.memory_space<hbm>> -> memref<10240xi32, #tpu.memory_space<hbm>>
      %dma_start3A_21 = tpu.memref_slice %arg4[%mul3A_2] : memref<327680xi32, #tpu.memory_space<hbm>> -> memref<10240xi32, #tpu.memory_space<hbm>>
      tpu.enqueue_dma source(%dma_start3A_21 : memref<10240xi32, #tpu.memory_space<hbm>>) target(%arg8 : memref<10240xi32, #tpu.memory_space<vmem>>) target_semaphore(%run_scoped3A : memref<!tpu.dma_semaphore, #tpu.memory_space<semaphore_mem>>)
      %dma_wait3A = tpu.memref_slice %arg4[%mul3A_2] : memref<327680xi32, #tpu.memory_space<hbm>> -> memref<10240xi32, #tpu.memory_space<hbm>>
      %dma_wait3A_22 = tpu.memref_slice %arg4[%mul3A_2] : memref<327680xi32, #tpu.memory_space<hbm>> -> memref<10240xi32, #tpu.memory_space<hbm>>
      tpu.wait_dma2 semaphore(%run_scoped3A : memref<!tpu.dma_semaphore, #tpu.memory_space<semaphore_mem>>) src(%dma_wait3A_22 : memref<10240xi32, #tpu.memory_space<hbm>>) dst(%arg8 : memref<10240xi32, #tpu.memory_space<vmem>>)
      tpu.yield
    }) : () -> ()
    %mul3A_3 = arith.constant 632 : i32
    %mul3A_4 = arith.muli %arg1, %mul3A_3 : i32
    "tpu.region"() ({
      %run_scoped3A = tpu.sem_alloc : memref<!tpu.dma_semaphore, #tpu.memory_space<semaphore_mem>>
      %dma_start3A_20 = arith.constant 0 : i32
      %dma_start3A_21 = tpu.memref_slice %arg11[%mul3A_4, %dma_start3A_20] : memref<10112x128xf32, #tpu.memory_space<vmem_shared>> -> memref<632x128xf32, #tpu.memory_space<vmem_shared>>
      tpu.enqueue_dma source(%arg5 : memref<632x128xf32, #tpu.memory_space<hbm>>) target(%dma_start3A_21 : memref<632x128xf32, #tpu.memory_space<vmem_shared>>) target_semaphore(%run_scoped3A : memref<!tpu.dma_semaphore, #tpu.memory_space<semaphore_mem>>)
      %dma_wait3A = arith.constant 0 : i32
      %dma_wait3A_22 = tpu.memref_slice %arg11[%mul3A_4, %dma_wait3A] : memref<10112x128xf32, #tpu.memory_space<vmem_shared>> -> memref<632x128xf32, #tpu.memory_space<vmem_shared>>
      tpu.wait_dma2 semaphore(%run_scoped3A : memref<!tpu.dma_semaphore, #tpu.memory_space<semaphore_mem>>) src(%arg5 : memref<632x128xf32, #tpu.memory_space<hbm>>) dst(%dma_wait3A_22 : memref<632x128xf32, #tpu.memory_space<vmem_shared>>)
      tpu.yield
    }) : () -> ()
    %barrier3A = arith.constant 0 : index
    tpu.barrier barrier_id(%barrier3A)
    %dma_start3A = arith.constant 0 : i32
    %dma_start3A_5 = tpu.memref_slice %arg7[%dma_start3A] : memref<10240xi32, #tpu.memory_space<vmem>> -> memref<80xi32, #tpu.memory_space<vmem>>
    %dma_start3A_6 = arith.constant 0 : i32
    %dma_start3A_7 = arith.constant 0 : i32
    %dma_start3A_8 = tpu.memref_slice %arg2[%dma_start3A_6, %dma_start3A_7] : memref<10112x128xf32, #tpu.memory_space<hbm>> -> memref<10112x128xf32, #tpu.memory_space<hbm>>
    tpu.enqueue_indirect_dma source(%dma_start3A_8 : memref<10112x128xf32, #tpu.memory_space<hbm>>) target(%arg9 : memref<80x128xf32, #tpu.memory_space<vmem>>) offsets(%dma_start3A_5 : memref<80xi32, #tpu.memory_space<vmem>>) semaphore(%arg12 : memref<!tpu.dma_semaphore, #tpu.memory_space<semaphore_mem>>)
    %scan3A = arith.constant 0 : i32
    %scan3A_9 = arith.constant 0 : i32
    %scan3A_10 = arith.constant 64 : i32
    %scan3A_11 = arith.addi %scan3A_9, %scan3A_10 : i32
    %scan3A_12 = arith.constant 1 : i32
    %scan3A_13 = scf.for %scan3A_20 = %scan3A_9 to %scan3A_11 step %scan3A_12 iter_args(%scan3A_21 = %scan3A) -> (i32)  : i32 {
      %mul3A_22 = arith.constant 2 : i32
      %mul3A_23 = arith.muli %mul3A_22, %scan3A_20 : i32
      %add3A_24 = arith.constant 1 : i32
      %add3A_25 = arith.addi %mul3A_23, %add3A_24 : i32
      %mul3A_26 = arith.constant 80 : i32
      %mul3A_27 = arith.muli %mul3A_23, %mul3A_26 : i32
      %dma_wait3A = tpu.memref_slice %arg7[%mul3A_27] : memref<10240xi32, #tpu.memory_space<vmem>> -> memref<80xi32, #tpu.memory_space<vmem>>
      %dma_wait3A_28 = arith.constant 0 : i32
      %dma_wait3A_29 = arith.constant 0 : i32
      %dma_wait3A_30 = tpu.memref_slice %arg2[%dma_wait3A_28, %dma_wait3A_29] : memref<10112x128xf32, #tpu.memory_space<hbm>> -> memref<10112x128xf32, #tpu.memory_space<hbm>>
      tpu.wait_indirect_dma semaphore(%arg12 : memref<!tpu.dma_semaphore, #tpu.memory_space<semaphore_mem>>) src(%dma_wait3A_30 : memref<10112x128xf32, #tpu.memory_space<hbm>>) dst(%arg9 : memref<80x128xf32, #tpu.memory_space<vmem>>)
      %mul3A_31 = arith.constant 80 : i32
      %mul3A_32 = arith.muli %add3A_25, %mul3A_31 : i32
      %dma_start3A_33 = tpu.memref_slice %arg7[%mul3A_32] : memref<10240xi32, #tpu.memory_space<vmem>> -> memref<80xi32, #tpu.memory_space<vmem>>
      %dma_start3A_34 = arith.constant 0 : i32
      %dma_start3A_35 = arith.constant 0 : i32
      %dma_start3A_36 = tpu.memref_slice %arg2[%dma_start3A_34, %dma_start3A_35] : memref<10112x128xf32, #tpu.memory_space<hbm>> -> memref<10112x128xf32, #tpu.memory_space<hbm>>
      tpu.enqueue_indirect_dma source(%dma_start3A_36 : memref<10112x128xf32, #tpu.memory_space<hbm>>) target(%arg10 : memref<80x128xf32, #tpu.memory_space<vmem>>) offsets(%dma_start3A_33 : memref<80xi32, #tpu.memory_space<vmem>>) semaphore(%arg13 : memref<!tpu.dma_semaphore, #tpu.memory_space<semaphore_mem>>)
      %mul3A_37 = arith.constant 80 : i32
      %mul3A_38 = arith.muli %add3A_25, %mul3A_37 : i32
      %dma_wait3A_39 = tpu.memref_slice %arg7[%mul3A_38] : memref<10240xi32, #tpu.memory_space<vmem>> -> memref<80xi32, #tpu.memory_space<vmem>>
      %dma_wait3A_40 = arith.constant 0 : i32
      %dma_wait3A_41 = arith.constant 0 : i32
      %dma_wait3A_42 = tpu.memref_slice %arg2[%dma_wait3A_40, %dma_wait3A_41] : memref<10112x128xf32, #tpu.memory_space<hbm>> -> memref<10112x128xf32, #tpu.memory_space<hbm>>
      tpu.wait_indirect_dma semaphore(%arg13 : memref<!tpu.dma_semaphore, #tpu.memory_space<semaphore_mem>>) src(%dma_wait3A_42 : memref<10112x128xf32, #tpu.memory_space<hbm>>) dst(%arg10 : memref<80x128xf32, #tpu.memory_space<vmem>>)
      %lt3A = arith.constant 63 : i32
      %lt3A_43 = arith.cmpi slt, %scan3A_20, %lt3A : i32
      %convert_element_type3A = arith.extui %lt3A_43 : i1 to i32
      %cond3A = arith.constant 0 : i32
      %cond3A_44 = arith.cmpi ne, %convert_element_type3A, %cond3A : i32
      scf.if %cond3A_44 {
        %add3A_46 = arith.constant 2 : i32
        %add3A_47 = arith.addi %mul3A_23, %add3A_46 : i32
        %mul3A_48 = arith.constant 80 : i32
        %mul3A_49 = arith.muli %add3A_47, %mul3A_48 : i32
        %dma_start3A_50 = tpu.memref_slice %arg7[%mul3A_49] : memref<10240xi32, #tpu.memory_space<vmem>> -> memref<80xi32, #tpu.memory_space<vmem>>
        %dma_start3A_51 = arith.constant 0 : i32
        %dma_start3A_52 = arith.constant 0 : i32
        %dma_start3A_53 = tpu.memref_slice %arg2[%dma_start3A_51, %dma_start3A_52] : memref<10112x128xf32, #tpu.memory_space<hbm>> -> memref<10112x128xf32, #tpu.memory_space<hbm>>
        tpu.enqueue_indirect_dma source(%dma_start3A_53 : memref<10112x128xf32, #tpu.memory_space<hbm>>) target(%arg9 : memref<80x128xf32, #tpu.memory_space<vmem>>) offsets(%dma_start3A_50 : memref<80xi32, #tpu.memory_space<vmem>>) semaphore(%arg12 : memref<!tpu.dma_semaphore, #tpu.memory_space<semaphore_mem>>)
      } else {
      }
      %scan3A_45 = arith.constant 0 : i32
      scf.yield %scan3A_45 : i32
    }
    %scan3A_14 = arith.constant 64 : i32
    %barrier3A_15 = arith.constant 0 : index
    tpu.barrier barrier_id(%barrier3A_15)
    %mul3A_16 = arith.constant 632 : i32
    %mul3A_17 = arith.muli %arg1, %mul3A_16 : i32
    %mul3A_18 = arith.constant 632 : i32
    %mul3A_19 = arith.muli %arg1, %mul3A_18 : i32
    "tpu.region"() ({
      %run_scoped3A = tpu.sem_alloc : memref<!tpu.dma_semaphore, #tpu.memory_space<semaphore_mem>>
      %dma_start3A_20 = arith.constant 0 : i32
      %dma_start3A_21 = tpu.memref_slice %arg6[%arg0, %mul3A_19, %dma_start3A_20] : memref<2x10112x128xf32, #tpu.memory_space<hbm>> -> memref<1x632x128xf32, #tpu.memory_space<hbm>>
      %dma_start3A_22 = tpu.memref_squeeze %dma_start3A_21 : memref<1x632x128xf32, #tpu.memory_space<hbm>> -> memref<632x128xf32, #tpu.memory_space<hbm>>
      %dma_start3A_23 = arith.constant 0 : i32
      %dma_start3A_24 = tpu.memref_slice %arg11[%mul3A_17, %dma_start3A_23] : memref<10112x128xf32, #tpu.memory_space<vmem_shared>> -> memref<632x128xf32, #tpu.memory_space<vmem_shared>>
      tpu.enqueue_dma source(%dma_start3A_24 : memref<632x128xf32, #tpu.memory_space<vmem_shared>>) target(%dma_start3A_22 : memref<632x128xf32, #tpu.memory_space<hbm>>) target_semaphore(%run_scoped3A : memref<!tpu.dma_semaphore, #tpu.memory_space<semaphore_mem>>)
      %dma_wait3A = arith.constant 0 : i32
      %dma_wait3A_25 = tpu.memref_slice %arg6[%arg0, %mul3A_19, %dma_wait3A] : memref<2x10112x128xf32, #tpu.memory_space<hbm>> -> memref<1x632x128xf32, #tpu.memory_space<hbm>>
      %dma_wait3A_26 = tpu.memref_squeeze %dma_wait3A_25 : memref<1x632x128xf32, #tpu.memory_space<hbm>> -> memref<632x128xf32, #tpu.memory_space<hbm>>
      %dma_wait3A_27 = arith.constant 0 : i32
      %dma_wait3A_28 = tpu.memref_slice %arg11[%mul3A_17, %dma_wait3A_27] : memref<10112x128xf32, #tpu.memory_space<vmem_shared>> -> memref<632x128xf32, #tpu.memory_space<vmem_shared>>
      tpu.wait_dma2 semaphore(%run_scoped3A : memref<!tpu.dma_semaphore, #tpu.memory_space<semaphore_mem>>) src(%dma_wait3A_28 : memref<632x128xf32, #tpu.memory_space<vmem_shared>>) dst(%dma_wait3A_26 : memref<632x128xf32, #tpu.memory_space<hbm>>)
      tpu.yield
    }) : () -> ()
    return
  }
}

module attributes {stable_mosaic.version = 14 : i64} {
  func.func @_prep_body(%arg0: i32, %arg1: memref<32x2x128xf32, #tpu.memory_space<vmem>>, %arg2: memref<128x128xf32, #tpu.memory_space<vmem>>, %arg3: memref<128x128xf32, #tpu.memory_space<vmem>>, %arg4: memref<128x1xf32, #tpu.memory_space<vmem>>, %arg5: memref<128x1xf32, #tpu.memory_space<vmem>>) attributes {dimension_semantics = [#tpu.dimension_semantics<arbitrary>], iteration_bounds = array<i64: 79>, scalar_prefetch = 0 : i64, scratch_operands = 0 : i64, tpu.core_type = #tpu.core_type<tc>, window_params = [{transform_indices = @transform_0, window_bounds = array<i64: 32, 2, 128>}, {transform_indices = @transform_1, window_bounds = array<i64: 128, 128>}, {transform_indices = @transform_2, window_bounds = array<i64: 128, 128>}, {transform_indices = @transform_3, window_bounds = array<i64: 128, 1>}, {transform_indices = @transform_4, window_bounds = array<i64: 128, 1>}]} {
    %get3A = arith.constant 0 : index
    %get3A_0 = arith.constant 0 : index
    %get3A_1 = arith.constant 0 : index
    %get3A_2 = vector.load %arg1[%get3A, %get3A_0, %get3A_1] : memref<32x2x128xf32, #tpu.memory_space<vmem>>, vector<32x2x128xf32>
    %slice3A = vector.extract_strided_slice %get3A_2 {offsets = [0, 0, 0], sizes = [32, 1, 128], strides = [1, 1, 1]} : vector<32x2x128xf32> to vector<32x1x128xf32>
    %squeeze3A = vector.shape_cast %slice3A : vector<32x1x128xf32> to vector<32x128xf32>
    %reduce_sum3A = arith.constant dense<0.000000e+00> : vector<128xf32>
    %reduce_sum3A_3 = vector.multi_reduction <add>, %squeeze3A, %reduce_sum3A [0] : vector<32x128xf32> to vector<128xf32>
    %slice3A_4 = vector.extract_strided_slice %get3A_2 {offsets = [0, 1, 0], sizes = [32, 1, 128], strides = [1, 1, 1]} : vector<32x2x128xf32> to vector<32x1x128xf32>
    %squeeze3A_5 = vector.shape_cast %slice3A_4 : vector<32x1x128xf32> to vector<32x128xf32>
    %reduce_sum3A_6 = arith.constant dense<0.000000e+00> : vector<128xf32>
    %reduce_sum3A_7 = vector.multi_reduction <add>, %squeeze3A_5, %reduce_sum3A_6 [0] : vector<32x128xf32> to vector<128xf32>
    %max3A = arith.constant 1.000000e+00 : f32
    %max3A_8 = vector.broadcast %max3A : f32 to vector<128xf32>
    %max3A_9 = arith.maximumf %reduce_sum3A_3, %max3A_8 : vector<128xf32>
    %rsqrt3A = math.rsqrt %max3A_9 : vector<128xf32>
    %max3A_10 = arith.constant 1.000000e+00 : f32
    %max3A_11 = vector.broadcast %max3A_10 : f32 to vector<128xf32>
    %max3A_12 = arith.maximumf %reduce_sum3A_7, %max3A_11 : vector<128xf32>
    %rsqrt3A_13 = math.rsqrt %max3A_12 : vector<128xf32>
    %get3A_14 = arith.constant 0 : index
    %get3A_15 = arith.constant 0 : index
    %get3A_16 = vector.load %arg2[%get3A_14, %get3A_15] : memref<128x128xf32, #tpu.memory_space<vmem>>, vector<128x128xf32>
    %broadcast_in_dim3A = vector.shape_cast %rsqrt3A : vector<128xf32> to vector<128x1xf32>
    %mul3A = vector.broadcast %broadcast_in_dim3A : vector<128x1xf32> to vector<128x128xf32>
    %mul3A_17 = arith.mulf %get3A_16, %mul3A : vector<128x128xf32>
    %swap3A = arith.constant 0 : index
    %swap3A_18 = arith.constant 0 : index
    %swap3A_19 = vector.load %arg3[%swap3A, %swap3A_18] : memref<128x128xf32, #tpu.memory_space<vmem>>, vector<128x128xf32>
    tpu.vector_store %arg3[%swap3A, %swap3A_18], %mul3A_17 {strides = array<i32>} : memref<128x128xf32, #tpu.memory_space<vmem>>, vector<128x128xf32>,
    %broadcast_in_dim3A_20 = vector.shape_cast %rsqrt3A_13 : vector<128xf32> to vector<128x1xf32>
    %swap3A_21 = arith.constant 0 : index
    %swap3A_22 = arith.constant 0 : index
    %swap3A_23 = vector.load %arg4[%swap3A_21, %swap3A_22] : memref<128x1xf32, #tpu.memory_space<vmem>>, vector<128x1xf32>
    tpu.vector_store %arg4[%swap3A_21, %swap3A_22], %broadcast_in_dim3A_20 {strides = array<i32>} : memref<128x1xf32, #tpu.memory_space<vmem>>, vector<128x1xf32>,
    %broadcast_in_dim3A_24 = vector.shape_cast %rsqrt3A : vector<128xf32> to vector<128x1xf32>
    %swap3A_25 = arith.constant 0 : index
    %swap3A_26 = arith.constant 0 : index
    %swap3A_27 = vector.load %arg5[%swap3A_25, %swap3A_26] : memref<128x1xf32, #tpu.memory_space<vmem>>, vector<128x1xf32>
    tpu.vector_store %arg5[%swap3A_25, %swap3A_26], %broadcast_in_dim3A_24 {strides = array<i32>} : memref<128x1xf32, #tpu.memory_space<vmem>>, vector<128x1xf32>,
    return
  }
  func.func @transform_0(%arg0: i32) -> (i32, i32, i32) {
    %c0_i32 = arith.constant 0 : i32
    %c0_i32_0 = arith.constant 0 : i32
    %c0_i32_1 = arith.constant 0 : i32
    return %c0_i32, %c0_i32_0, %arg0 : i32, i32, i32
  }
  func.func @transform_1(%arg0: i32) -> (i32, i32) {
    %c0_i32 = arith.constant 0 : i32
    %c0_i32_0 = arith.constant 0 : i32
    return %arg0, %c0_i32 : i32, i32
  }
  func.func @transform_2(%arg0: i32) -> (i32, i32) {
    %c0_i32 = arith.constant 0 : i32
    %c0_i32_0 = arith.constant 0 : i32
    return %arg0, %c0_i32 : i32, i32
  }
  func.func @transform_3(%arg0: i32) -> (i32, i32) {
    %c0_i32 = arith.constant 0 : i32
    %c0_i32_0 = arith.constant 0 : i32
    return %arg0, %c0_i32 : i32, i32
  }
  func.func @transform_4(%arg0: i32) -> (i32, i32) {
    %c0_i32 = arith.constant 0 : i32
    %c0_i32_0 = arith.constant 0 : i32
    return %arg0, %c0_i32 : i32, i32
  }
}

module attributes {stable_mosaic.version = 14 : i64} {
  func.func @_layer_body_last(%arg0: i32, %arg1: memref<2x128x128xf32, #tpu.memory_space<vmem>>, %arg2: memref<128x1xf32, #tpu.memory_space<vmem>>, %arg3: memref<128x1xf32, #tpu.memory_space<vmem>>, %arg4: memref<128x128xf32, #tpu.memory_space<vmem>>, %arg5: memref<1x128xf32, #tpu.memory_space<vmem>>, %arg6: memref<128x128xf32, #tpu.memory_space<vmem>>) attributes {dimension_semantics = [#tpu.dimension_semantics<arbitrary>], iteration_bounds = array<i64: 79>, scalar_prefetch = 0 : i64, scratch_operands = 0 : i64, tpu.core_type = #tpu.core_type<tc>, window_params = [{transform_indices = @transform_0, window_bounds = array<i64: 2, 128, 128>}, {transform_indices = @transform_1, window_bounds = array<i64: 128, 1>}, {transform_indices = @transform_2, window_bounds = array<i64: 128, 1>}, {pipeline_mode = #tpu.pipeline_mode<synchronous>, transform_indices = @transform_3, window_bounds = array<i64: 128, 128>}, {pipeline_mode = #tpu.pipeline_mode<synchronous>, transform_indices = @transform_4, window_bounds = array<i64: 1, 128>}, {transform_indices = @transform_5, window_bounds = array<i64: 128, 128>}]} {
    %get3A = arith.constant 0 : index
    %get3A_0 = arith.constant 0 : index
    %get3A_1 = arith.constant 0 : index
    %get3A_2 = vector.load %arg1[%get3A, %get3A_0, %get3A_1] : memref<2x128x128xf32, #tpu.memory_space<vmem>>, vector<1x128x128xf32>
    %get3A_3 = vector.shape_cast %get3A_2 : vector<1x128x128xf32> to vector<128x128xf32>
    %get3A_4 = arith.constant 1 : index
    %get3A_5 = arith.constant 0 : index
    %get3A_6 = arith.constant 0 : index
    %get3A_7 = vector.load %arg1[%get3A_4, %get3A_5, %get3A_6] : memref<2x128x128xf32, #tpu.memory_space<vmem>>, vector<1x128x128xf32>
    %get3A_8 = vector.shape_cast %get3A_7 : vector<1x128x128xf32> to vector<128x128xf32>
    %add3A = arith.addf %get3A_3, %get3A_8 : vector<128x128xf32>
    %get3A_9 = arith.constant 0 : index
    %get3A_10 = arith.constant 0 : index
    %get3A_11 = vector.load %arg2[%get3A_9, %get3A_10] : memref<128x1xf32, #tpu.memory_space<vmem>>, vector<128x1xf32>
    %mul3A = vector.broadcast %get3A_11 : vector<128x1xf32> to vector<128x128xf32>
    %mul3A_12 = arith.mulf %add3A, %mul3A : vector<128x128xf32>
    %get3A_13 = arith.constant 0 : index
    %get3A_14 = arith.constant 0 : index
    %get3A_15 = vector.load %arg4[%get3A_13, %get3A_14] : memref<128x128xf32, #tpu.memory_space<vmem>>, vector<128x128xf32>
    %dot_general3A = arith.constant dense<0.000000e+00> : vector<128x128xf32>
    %dot_general3A_16 = tpu.matmul %mul3A_12, %get3A_15, %dot_general3A {dimension_numbers = #tpu.dot_dimension_numbers<[1], [0], [0], [1], [0, 0, 1, 1], [], []>, transpose_lhs_hint = false} : vector<128x128xf32>, vector<128x128xf32>, vector<128x128xf32> -> vector<128x128xf32>
    %get3A_17 = arith.constant 0 : index
    %get3A_18 = arith.constant 0 : index
    %get3A_19 = vector.load %arg5[%get3A_17, %get3A_18] : memref<1x128xf32, #tpu.memory_space<vmem>>, vector<1x128xf32>
    %add3A_20 = vector.broadcast %get3A_19 : vector<1x128xf32> to vector<128x128xf32>
    %add3A_21 = arith.addf %dot_general3A_16, %add3A_20 : vector<128x128xf32>
    %swap3A = arith.constant 0 : index
    %swap3A_22 = arith.constant 0 : index
    %swap3A_23 = vector.load %arg6[%swap3A, %swap3A_22] : memref<128x128xf32, #tpu.memory_space<vmem>>, vector<128x128xf32>
    tpu.vector_store %arg6[%swap3A, %swap3A_22], %add3A_21 {strides = array<i32>} : memref<128x128xf32, #tpu.memory_space<vmem>>, vector<128x128xf32>,
    return
  }
  func.func @transform_0(%arg0: i32) -> (i32, i32, i32) {
    %c0_i32 = arith.constant 0 : i32
    %c0_i32_0 = arith.constant 0 : i32
    %c0_i32_1 = arith.constant 0 : i32
    return %c0_i32, %arg0, %c0_i32_0 : i32, i32, i32
  }
  func.func @transform_1(%arg0: i32) -> (i32, i32) {
    %c0_i32 = arith.constant 0 : i32
    %c0_i32_0 = arith.constant 0 : i32
    return %arg0, %c0_i32 : i32, i32
  }
  func.func @transform_2(%arg0: i32) -> (i32, i32) {
    %c0_i32 = arith.constant 0 : i32
    %c0_i32_0 = arith.constant 0 : i32
    return %arg0, %c0_i32 : i32, i32
  }
  func.func @transform_3(%arg0: i32) -> (i32, i32) {
    %c0_i32 = arith.constant 0 : i32
    %c0_i32_0 = arith.constant 0 : i32
    %c0_i32_1 = arith.constant 0 : i32
    return %c0_i32, %c0_i32_0 : i32, i32
  }
  func.func @transform_4(%arg0: i32) -> (i32, i32) {
    %c0_i32 = arith.constant 0 : i32
    %c0_i32_0 = arith.constant 0 : i32
    %c0_i32_1 = arith.constant 0 : i32
    return %c0_i32, %c0_i32_0 : i32, i32
  }
  func.func @transform_5(%arg0: i32) -> (i32, i32) {
    %c0_i32 = arith.constant 0 : i32
    %c0_i32_0 = arith.constant 0 : i32
    return %arg0, %c0_i32 : i32, i32
  }
}

module attributes {stable_mosaic.version = 14 : i64} {
  func.func @_layer_body_mid(%arg0: i32, %arg1: memref<2x128x128xf32, #tpu.memory_space<vmem>>, %arg2: memref<128x1xf32, #tpu.memory_space<vmem>>, %arg3: memref<128x1xf32, #tpu.memory_space<vmem>>, %arg4: memref<128x128xf32, #tpu.memory_space<vmem>>, %arg5: memref<1x128xf32, #tpu.memory_space<vmem>>, %arg6: memref<128x128xf32, #tpu.memory_space<vmem>>, %arg7: memref<128x128xf32, #tpu.memory_space<vmem>>) attributes {dimension_semantics = [#tpu.dimension_semantics<arbitrary>], iteration_bounds = array<i64: 79>, scalar_prefetch = 0 : i64, scratch_operands = 0 : i64, tpu.core_type = #tpu.core_type<tc>, window_params = [{transform_indices = @transform_0, window_bounds = array<i64: 2, 128, 128>}, {transform_indices = @transform_1, window_bounds = array<i64: 128, 1>}, {transform_indices = @transform_2, window_bounds = array<i64: 128, 1>}, {pipeline_mode = #tpu.pipeline_mode<synchronous>, transform_indices = @transform_3, window_bounds = array<i64: 128, 128>}, {pipeline_mode = #tpu.pipeline_mode<synchronous>, transform_indices = @transform_4, window_bounds = array<i64: 1, 128>}, {transform_indices = @transform_5, window_bounds = array<i64: 128, 128>}, {transform_indices = @transform_6, window_bounds = array<i64: 128, 128>}]} {
    %get3A = arith.constant 0 : index
    %get3A_0 = arith.constant 0 : index
    %get3A_1 = arith.constant 0 : index
    %get3A_2 = vector.load %arg1[%get3A, %get3A_0, %get3A_1] : memref<2x128x128xf32, #tpu.memory_space<vmem>>, vector<1x128x128xf32>
    %get3A_3 = vector.shape_cast %get3A_2 : vector<1x128x128xf32> to vector<128x128xf32>
    %get3A_4 = arith.constant 1 : index
    %get3A_5 = arith.constant 0 : index
    %get3A_6 = arith.constant 0 : index
    %get3A_7 = vector.load %arg1[%get3A_4, %get3A_5, %get3A_6] : memref<2x128x128xf32, #tpu.memory_space<vmem>>, vector<1x128x128xf32>
    %get3A_8 = vector.shape_cast %get3A_7 : vector<1x128x128xf32> to vector<128x128xf32>
    %add3A = arith.addf %get3A_3, %get3A_8 : vector<128x128xf32>
    %get3A_9 = arith.constant 0 : index
    %get3A_10 = arith.constant 0 : index
    %get3A_11 = vector.load %arg2[%get3A_9, %get3A_10] : memref<128x1xf32, #tpu.memory_space<vmem>>, vector<128x1xf32>
    %mul3A = vector.broadcast %get3A_11 : vector<128x1xf32> to vector<128x128xf32>
    %mul3A_12 = arith.mulf %add3A, %mul3A : vector<128x128xf32>
    %get3A_13 = arith.constant 0 : index
    %get3A_14 = arith.constant 0 : index
    %get3A_15 = vector.load %arg4[%get3A_13, %get3A_14] : memref<128x128xf32, #tpu.memory_space<vmem>>, vector<128x128xf32>
    %dot_general3A = arith.constant dense<0.000000e+00> : vector<128x128xf32>
    %dot_general3A_16 = tpu.matmul %mul3A_12, %get3A_15, %dot_general3A {dimension_numbers = #tpu.dot_dimension_numbers<[1], [0], [0], [1], [0, 0, 1, 1], [], []>, transpose_lhs_hint = false} : vector<128x128xf32>, vector<128x128xf32>, vector<128x128xf32> -> vector<128x128xf32>
    %get3A_17 = arith.constant 0 : index
    %get3A_18 = arith.constant 0 : index
    %get3A_19 = vector.load %arg5[%get3A_17, %get3A_18] : memref<1x128xf32, #tpu.memory_space<vmem>>, vector<1x128xf32>
    %add3A_20 = vector.broadcast %get3A_19 : vector<1x128xf32> to vector<128x128xf32>
    %add3A_21 = arith.addf %dot_general3A_16, %add3A_20 : vector<128x128xf32>
    %max3A = arith.constant 0.000000e+00 : f32
    %max3A_22 = vector.broadcast %max3A : f32 to vector<128x128xf32>
    %max3A_23 = arith.maximumf %add3A_21, %max3A_22 : vector<128x128xf32>
    %swap3A = arith.constant 0 : index
    %swap3A_24 = arith.constant 0 : index
    %swap3A_25 = vector.load %arg6[%swap3A, %swap3A_24] : memref<128x128xf32, #tpu.memory_space<vmem>>, vector<128x128xf32>
    tpu.vector_store %arg6[%swap3A, %swap3A_24], %max3A_23 {strides = array<i32>} : memref<128x128xf32, #tpu.memory_space<vmem>>, vector<128x128xf32>,
    %get3A_26 = arith.constant 0 : index
    %get3A_27 = arith.constant 0 : index
    %get3A_28 = vector.load %arg3[%get3A_26, %get3A_27] : memref<128x1xf32, #tpu.memory_space<vmem>>, vector<128x1xf32>
    %mul3A_29 = vector.broadcast %get3A_28 : vector<128x1xf32> to vector<128x128xf32>
    %mul3A_30 = arith.mulf %max3A_23, %mul3A_29 : vector<128x128xf32>
    %swap3A_31 = arith.constant 0 : index
    %swap3A_32 = arith.constant 0 : index
    %swap3A_33 = vector.load %arg7[%swap3A_31, %swap3A_32] : memref<128x128xf32, #tpu.memory_space<vmem>>, vector<128x128xf32>
    tpu.vector_store %arg7[%swap3A_31, %swap3A_32], %mul3A_30 {strides = array<i32>} : memref<128x128xf32, #tpu.memory_space<vmem>>, vector<128x128xf32>,
    return
  }
  func.func @transform_0(%arg0: i32) -> (i32, i32, i32) {
    %c0_i32 = arith.constant 0 : i32
    %c0_i32_0 = arith.constant 0 : i32
    %c0_i32_1 = arith.constant 0 : i32
    return %c0_i32, %arg0, %c0_i32_0 : i32, i32, i32
  }
  func.func @transform_1(%arg0: i32) -> (i32, i32) {
    %c0_i32 = arith.constant 0 : i32
    %c0_i32_0 = arith.constant 0 : i32
    return %arg0, %c0_i32 : i32, i32
  }
  func.func @transform_2(%arg0: i32) -> (i32, i32) {
    %c0_i32 = arith.constant 0 : i32
    %c0_i32_0 = arith.constant 0 : i32
    return %arg0, %c0_i32 : i32, i32
  }
  func.func @transform_3(%arg0: i32) -> (i32, i32) {
    %c0_i32 = arith.constant 0 : i32
    %c0_i32_0 = arith.constant 0 : i32
    %c0_i32_1 = arith.constant 0 : i32
    return %c0_i32, %c0_i32_0 : i32, i32
  }
  func.func @transform_4(%arg0: i32) -> (i32, i32) {
    %c0_i32 = arith.constant 0 : i32
    %c0_i32_0 = arith.constant 0 : i32
    %c0_i32_1 = arith.constant 0 : i32
    return %c0_i32, %c0_i32_0 : i32, i32
  }
  func.func @transform_5(%arg0: i32) -> (i32, i32) {
    %c0_i32 = arith.constant 0 : i32
    %c0_i32_0 = arith.constant 0 : i32
    return %arg0, %c0_i32 : i32, i32
  }
  func.func @transform_6(%arg0: i32) -> (i32, i32) {
    %c0_i32 = arith.constant 0 : i32
    %c0_i32_0 = arith.constant 0 : i32
    return %arg0, %c0_i32 : i32, i32
  }
}

</mosaic_0001>

<sc_bundles>
// kernel: gcn_aggregate.11.cloned.1.call-start
scs
__scs_entry_jumppad:
0x0: {  	(pc) =	sbr.rel $0x88, $3  }
0x1: {  	(tag) =	ssettag $0x0;
	lr =	simm.s32 $0x1  }
0x2: {  	[smem:$0x3F93] =	sst lr;
	_ =	strace $0xD0000000  }
0x3: {  	_ = 	snop  }
0x4: {  	_ = 	snop  }
0x5: {  	_ = 	snop  }
0x6: {  	_ = 	snop  }
0x7: {  	_ = 	snop  }
__scs_overlays_trampoline_lowered:
0x8: {  	[smem:$0x3FA2] =	sst s0  }
0x9: {  	[smem:$0x3FA3] =	sst s1  }
0xa: {  	[smem:$0x3FA4] =	sst s2  }
0xb: {  	[smem:$0x3FA5] =	sst s3  }
0xc: {  	[smem:$0x3FA6] =	sst s4  }
0xd: {  	[smem:$0x3FA7] =	sst s5  }
0xe: {  	[smem:$0x3FA8] =	sst s6  }
0xf: {  	[smem:$0x3FA9] =	sst s7  }
0x10: {  	[smem:$0x3FAA] =	sst s8  }
0x11: {  	[smem:$0x3FAB] =	sst s9;
	s0 =	simm.s32 @!p0 $0x0  }
0x12: {  	s1 =	sld [smem:$0x3F91];
	s0 =	simm.s32 @p0 $0x1  }
0x13: {  	[smem:$0x3FAC] =	sst s0;
	s0 =	simm.s32 @!p1 $0x0  }
0x14: {  	s2 =	sld [smem:$0x3F90];
	s0 =	simm.s32 @p1 $0x1  }
0x15: {  	[smem:$0x3FAD] =	sst s0;
	s0 =	simm.s32 @!p2 $0x0  }
0x16: {  	s3 =	sld [smem:$0x3FDB];
	s0 =	simm.s32 @p2 $0x1  }
0x17: {  	s4 =	simm.s32 $0x1BF5;
	[smem:$0x3FAF] =	sst s0  }
0x18: {  	s0 =	sld [smem:$0x3F92];
	_ =	swait.ge [sflag:s4], $0x0  }
0x19: {  	s7 =	sld [smem:$0x3F93]  }
0x1a: {  	s8 =	sadd.s32 $0xFFFFE003, lr  }
0x1b: {  	s9 =	sadd.s32 $0xFFFFFEF7, lr;
	s5 =	simm.s32 $0xFFFFFFFF;
	p2 =	slt.u32 s8, $0xFFFFF086  }
0x1c: {  	p1 =	slt.u32 s9, $0xF7A;
	s5 =	simm.s32 @!p2 $0x0  }
0x1d: {  	s5 =	simm.s32 @p1 $0x1;
	p0 =	seq.s32 s7, s2  }
0x1e: {  	s7 =	smul.u32 @!p0 $0xF7A, s2;
	p2 =	seq.s32 @!p0 s5, $0x0  }
0x1f: {  	s9 =	smul.u32 $0xF7A, s1;
	s8 =	simm.s32 @!p0 $0x1BF5;
	p2 =	por !p2, p0  }
0x20: {  	[sflag:s8] =	ssyncset.s32 @!p0 $0xFFFFF086;
	s6 =	sadd.s32 @!p0 s3, s7;
	s7 =	simm.s32 @!p0 $0x108  }
0x21: {  	s3 =	sadd.s32 s3, s9;
	s6 =	sadd.s32 @!p0 $0x88, s6;
	s7 =	simm.s32 @p2 $0x1082  }
0x22: {  	[simem:s7], [sflag:s8] =	dma.local @!p0 [hbm:s6], $0xF7A  }
0x23: {  	s9 =	sor.u32 $0xD0000000, s2;
	s6 =	simm.s32 $0x108;
	_ =	swait.ge @!p0 [sflag:s8], $0x0  }
0x24: {  	s3 =	sadd.s32 $0x88, s3;
	s6 =	simm.s32 @!p1 $0x1082;
	[sflag:s4] =	ssyncset.s32 $0xFFFFF086  }
0x25: {  	[simem:s6], [sflag:s4] =	dma.local [hbm:s3], $0xF7A  }
0x26: {  	[smem:$0x3F93] =	sst s1;
	(tag) =	ssettag s2;
	_ =	strace s9  }
0x27: {  	s1 =	sld [smem:$0x3FA3]  }
0x28: {  	s2 =	sld [smem:$0x3FA4]  }
0x29: {  	s4 =	sld [smem:$0x3FA6]  }
0x2a: {  	p0 =	seq.s32 s5, $0x0;
	s5 =	sld [smem:$0x3FA7]  }
0x2b: {  	s6 =	sld [smem:$0x3FA8]  }
0x2c: {  	s7 =	sld [smem:$0x3FA9]  }
0x2d: {  	s3 =	simm.s32 $0x108;
	s8 =	sld [smem:$0x3FAA]  }
0x2e: {  	s3 =	simm.s32 @!p0 $0x1082;
	s9 =	sld [smem:$0x3FAB]  }
0x2f: {  	lr =	sadd.s32 s0, s3;
	s0 =	sld [smem:$0x3FA2]  }
0x30: {  	s3 =	sld [smem:$0x3FA5]  }
0x31: {  	[smem:$0x3FAE] =	sst s10  }
0x32: {  	s10 =	sld [smem:$0x3FAC];
	_ =	sdelay $0x3  }
0x33: {  	p0 =	seq.s32 s10, $0x1;
	s10 =	sld [smem:$0x3FAE];
	_ =	sdelay $0x3  }
0x34: {  	[smem:$0x3FAE] =	sst s10  }
0x35: {  	s10 =	sld [smem:$0x3FAD];
	_ =	sdelay $0x3  }
0x36: {  	p1 =	seq.s32 s10, $0x1;
	s10 =	sld [smem:$0x3FAE];
	_ =	sdelay $0x3  }
0x37: {  	[smem:$0x3FAE] =	sst s10  }
0x38: {  	s10 =	sld [smem:$0x3FAF]  }
0x39: {  	_ = 	snop;
	(pc) =	sbr.ind lr, $3  }
0x3a: {  	_ = 	snop  }
0x3b: {  	_ = 	snop  }
0x3c: {  	p2 =	seq.s32 s10, $0x1;
	s10 =	sld [smem:$0x3FAE]  }
0x3d: {  	_ =	shalt  }
0x3e: {  	_ =	shalt  }
0x3f: {  	_ =	shalt  }
0x40: {  	_ =	shalt  }
0x41: {  	_ =	shalt  }
0x42: {  	_ =	shalt  }
0x43: {  	_ =	shalt  }
0x44: {  	_ =	shalt  }
0x45: {  	_ =	shalt  }
0x46: {  	_ =	shalt  }
0x47: {  	_ =	shalt  }
0x48: {  	_ =	shalt  }
0x49: {  	_ =	shalt  }
0x4a: {  	_ =	shalt  }
0x4b: {  	_ =	shalt  }
0x4c: {  	_ =	shalt  }
0x4d: {  	_ =	shalt  }
0x4e: {  	_ =	shalt  }
0x4f: {  	_ =	shalt  }
0x50: {  	_ =	shalt  }
0x51: {  	_ =	shalt  }
0x52: {  	_ =	shalt  }
0x53: {  	_ =	shalt  }
0x54: {  	_ =	shalt  }
0x55: {  	_ =	shalt  }
0x56: {  	_ =	shalt  }
0x57: {  	_ =	shalt  }
0x58: {  	_ =	shalt  }
0x59: {  	_ =	shalt  }
0x5a: {  	_ =	shalt  }
0x5b: {  	_ =	shalt  }
0x5c: {  	_ =	shalt  }
0x5d: {  	_ =	shalt  }
0x5e: {  	_ =	shalt  }
0x5f: {  	_ =	shalt  }
0x60: {  	_ =	shalt  }
0x61: {  	_ =	shalt  }
0x62: {  	_ =	shalt  }
0x63: {  	_ =	shalt  }
0x64: {  	_ =	shalt  }
0x65: {  	_ =	shalt  }
0x66: {  	_ =	shalt  }
0x67: {  	_ =	shalt  }
0x68: {  	_ =	shalt  }
0x69: {  	_ =	shalt  }
0x6a: {  	_ =	shalt  }
0x6b: {  	_ =	shalt  }
0x6c: {  	_ =	shalt  }
0x6d: {  	_ =	shalt  }
0x6e: {  	_ =	shalt  }
0x6f: {  	_ =	shalt  }
0x70: {  	_ =	shalt  }
0x71: {  	_ =	shalt  }
0x72: {  	_ =	shalt  }
0x73: {  	_ =	shalt  }
0x74: {  	_ =	shalt  }
0x75: {  	_ =	shalt  }
0x76: {  	_ =	shalt  }
0x77: {  	_ =	shalt  }
0x78: {  	_ =	shalt  }
0x79: {  	_ =	shalt  }
0x7a: {  	_ =	shalt  }
0x7b: {  	_ =	shalt  }
0x7c: {  	_ =	shalt  }
0x7d: {  	_ =	shalt  }
0x7e: {  	_ =	shalt  }
0x7f: {  	_ =	shalt  }
0x80: {  	_ =	shalt  }
0x81: {  	_ =	shalt  }
0x82: {  	_ =	shalt  }
0x83: {  	_ =	shalt  }
0x84: {  	_ =	shalt  }
0x85: {  	_ =	shalt  }
0x86: {  	_ =	shalt  }
0x87: {  	_ =	shalt  }
.Lfunc_end0:
.L_simem_size_0:
called_computation.2_lowered:
.L_overlay_start_0:
0x88: {  	s2 =	sld [smem:$0x3FD9]  }
0x89: {  	s3 =	sld [smem:$0x3FFE];
	_ =	sdelay $0x1  }
0x8a: {  	s1 =	srdreg.scid  }
0x8b: {  	s0 =	sand.u32 $0x1, s1  }
0x8c: {  	s14 =	sshll.u32 s0, $0xA;
	s2 =	sadd.s32 s3, s2  }
0x8d: {  	s2 =	sadd.s32 s2, s14  }
0x8e: {  	[smem:$0x3FBA] =	sst s2  }
0x8f: {  	_ = 	snop  }
0x90: {  	s2 =	sld [smem:$0x3FD0];
	_ =	sdelay $0x2  }
0x91: {  	s15 =	simm.s32 $0xA;
	s4 =	simm.s32 $0x10  }
0x92: {  	[smem:s4], [sflag:s15] =	dma.local [hbm:s2], $0x1  }
0x93: {  	_ =	swait.eq [sflag:s15], $0x1  }
0x94: {  	[sflag:s15] =	ssyncset.done $0x0  }
0x95: {  	[sflag:s15] =	ssyncadd.s32 $0xFFFFFFFF  }
0x96: {  	s16 =	sld [smem:$0x10];
	(tm) =	ssettm $0x1  }
0x97: {  	s17 =	sld [smem:$0x3FFB];
	_ =	sdelay $0x3  }
0x98: {  	_ =	strace s17  }
0x99: {  	s3 =	sld [smem:$0x3FFC];
	_ =	sdelay $0x3  }
0x9a: {  	_ =	strace s3  }
0x9b: {  	s3 =	sld [smem:$0x3FFD];
	_ =	sdelay $0x3  }
0x9c: {  	_ =	strace s3  }
0x9d: {  	_ =	strace $0x8FFFFFFF  }
0x9e: {  	s18 =	sld [smem:$0x3FDB];
	_ =	sdelay $0x1  }
0x9f: {  	s19 =	simm.s32 $_scs_section_size  }
0xa0: {  	s5 =	simm.s32 $_size__tile_overlayer_lowered;
	s6 =	simm.s32 $_tile_overlayer_lowered  }
0xa1: {  	s22 =	simm.s32 $0x1BFF;
	s21 =	sshll.u32 s6, $0x1;
	s3 =	sadd.s32 s19, s18  }
0xa2: {  	s7 =	simm.s32 $0x0;
	s20 =	sshll.u32 s5, $0x1;
	s5 =	sadd.s32 s21, s3  }
0xa3: {  	[timem:s7], [sflag:s22] =	dma.local [hbm:s5], s20  }
0xa4: {  	_ =	swait.ge [sflag:s22], s20  }
0xa5: {  	s4 =	ssub.s32 $0x0, s20;
	[sflag:s22] =	ssyncset.done $0x0  }
0xa6: {  	[sflag:s22] =	ssyncadd.s32 s4;
	_ =	sdelay $0x1  }
0xa7: {  	s23 =	simm.s32 $0x1B8B  }
0xa8: {  	_ =	swait.ge [sflag:s23], $0x1  }
0xa9: {  	[sflag:s23] =	ssyncset.done $0x0  }
0xaa: {  	s25 =	simm.s32 $0x1B8E;
	s24 =	sld [smem:$0x3FFE];
	[sflag:s23] =	ssyncadd.s32 $0xFFFFFFFF  }
0xab: {  	s26 =	simm.s32 $execute0_lowered;
	[smem:$0x3FD2] =	sst s25  }
0xac: {  	s5 =	sshll.u32 s26, $0x1;
	_ =	strace $0x8000004C;
	[dreg:$0x1] =	wrdreg $0xFFFFFFFF  }
0xad: {  	s28 =	simm.s32 $_size_execute0_lowered;
	s3 =	sadd.s32 s3, s5;
	[dreg:$0x0] =	wrdreg $0x0  }
0xae: {  	s5 =	sshll.u32 s28, $0x1;
	[dreg:$0x2] =	wrdreg s3  }
0xaf: {  	[dreg:$0x3] =	wrdreg s5  }
0xb0: {  	[dreg:$0x4] =	wrdreg $0xC0  }
0xb1: {  	_ =	task [dreg:s7], $0x5FFFF  }
0xb2: {  	[dreg:$0x1] =	wrdreg $0xFFFFFFFF  }
0xb3: {  	[dreg:$0x0] =	wrdreg $0x60  }
0xb4: {  	[dreg:$0x2] =	wrdreg s24  }
0xb5: {  	[dreg:$0x3] =	wrdreg s16  }
0xb6: {  	[dreg:$0x4] =	wrdreg $0xA0000  }
0xb7: {  	[dreg:$0x5] =	wrdreg $0x9  }
0xb8: {  	_ =	task.clear_ibuf [dreg:s7], $0x6FFFF;
	_ =	strace $0x9000004C  }
0xb9: {  	s29 =	simm.s32 $0x9;
	_ =	strace $0x8000004E  }
0xba: {  	_ =	swait.ge [sflag:s29], $0x1  }
0xbb: {  	[sflag:s29] =	ssyncadd.s32 $0xFFFFFFFF  }
0xbc: {  	_ =	strace $0x9000004E  }
0xbd: {  	_ =	sfence  }
0xbe: {  	s30 =	sld [smem:$0x0];
	_ =	sdelay $0x2  }
0xbf: {  	s31 =	sshll.u32 s1, $0xD;
	s1 =	sshrl.u32 s1, $0x2  }
0xc0: {  	s3 =	sand.u32 $0x4000, s31;
	s1 =	sadd.s32 s1, s30  }
0xc1: {  	s0 =	sor.u32 s3, s0;
	s1 =	sshll.u32 s1, $0x11  }
0xc2: {  	s0 =	sor.u32 s1, s0  }
0xc3: {  	s0 =	sadd.s32 $0x8F2B, s0  }
0xc4: {  	[sflag:s0] =	ssyncadd.remote.s32 $0x1  }
0xc5: {  	_ =	sfence.sel $0xFFFF  }
0xc6: {  	[dreg:$0x0] =	wrdreg $0xFFFFFFFF;
	(pc) =	sbr.abs _section_cstart, $3  }
0xc7: {  	[dreg:$0x1] =	wrdreg $0xFFFFFFFF  }
0xc8: {  	_ =	task.clear_ibuf [dreg:s7], $0x2FFFF;
	_ =	strace $0x9FFFFFFF  }
0xc9: {  	(tm) =	ssettm $0x7FFFFFFF  }
tec
execute0_lowered:
.L_overlay_start_1:
0x0: {  	(tag) =	ssettag $0x1  }
0x1: {  	s5 =	rddreg [dreg:$0x0]  }
0x2: {  	s1 =	rddreg [dreg:$0x1]  }
0x3: {  	s7 =	rddreg [dreg:$0x2]  }
0x4: {  	s2 =	srdreg.scid;
	s0 =	rddreg [dreg:$0x3];
	s3 =	simm.s32 $0x0  }
0x5: {  	s13 =	simm.s32 $0x50;
	s14 =	simm.s32 $0x5000;
	s15 =	simm.s32 $0x1  }
0x6: {  	s16 =	simm.s32 $0x7800;
	s17 =	simm.s32 $0x2;
	s18 =	simm.s32 $0x27B0  }
0x7: {  	s19 =	simm.s32 $0x0;
	s6 =	sand.u32 $0x1, s2;
	s2 =	stileid.u32  }
0x8: {  	[smem:$0x7FF] =	sst s3;
	s4 =	sadd.s32 $0x19800, s5;
	s8 =	smul.u32 $0x13C000, s6  }
0x9: {  	s9 =	sshll.u32 s6, $0x4;
	s10 =	smul.u32 $0x13C00, s2;
	_ =	strace $0x8000004D  }
0xa: {  	s6 =	ssub.s32 $0x2, s6;
	s11 =	smul.u32 $0x4F000, s2;
	s9 =	sor.u32 s2, s9  }
0xb: {  	s31 =	sshll.u32 s2, $0x6;
	s29 =	sshrl.u32 s6, $0x1;
	s9 =	smul.u32 $0x500, s9  }
0xc: {  	s8 =	sadd.s32 s10, s8;
	s10 =	ssub.s32 s6, s29;
	s30 =	sshrl.u32 s11, $0x2  }
0xd: {  	s11 =	sor.u32 $0x1C03, s31;
	s8 =	sshrl.u32 s8, $0x3;
	s12 =	sadd.s32 s30, s7  }
0xe: {  	s9 =	sadd.s32 s9, s5;
	s8 =	sadd.s32 s8, s5;
	s12 =	sshrl.u32 s12, $0x3  }
0xf: {  	s5 =	sadd.s32 $0xF800, s9;
	s6 =	sadd.s32 $0x5800, s9;
	s7 =	sadd.s32 $0x41000, s8  }
0x10: {  	s8 =	smax.u32 s10, $0x1;
	s9 =	simm.s32 $0x3;
	s10 =	simm.s32 $0x2800  }
.LBB2_1:
0x11: {  	[tilespmem:s3], [sflag:$0x3] =	stream.linear.gather [hbm4b:s5+s3], $0x2800, $0x38;
	[tilespmem:$0x1DC00] =	vst v63  }
0x12: {  	_ =	swait.ge [sflag:s9], $0x2800  }
0x13: {  	[sflag:s9] =	ssyncset.done $0x0  }
0x14: {  	[sflag:s9] =	ssyncadd.s32 $0xFFFFD800  }
0x15: {  	[tilespmem:s10], [sflag:$0x3] =	stream.linear.gather [hbm4b:s6+s3], $0x2800, $0x38;
	[tilespmem:$0x1DC00] =	vst v63  }
0x16: {  	_ =	swait.ge [sflag:s9], $0x2800  }
0x17: {  	[sflag:s9] =	ssyncset.done $0x0  }
0x18: {  	[sflag:s9] =	ssyncadd.s32 $0xFFFFD800  }
0x19: {  	[spmem:s12], [sflag:s11] =	dma.local [hbm:s1], $0x2780  }
0x1a: {  	_ =	swait.ge [sflag:s9], $0x2780  }
0x1b: {  	[sflag:s9] =	ssyncset.done $0x0  }
0x1c: {  	[sflag:s9] =	ssyncadd.s32 $0xFFFFD880  }
0x1d: {  	[bflag:$0x0] =	sbarrier.arrive $0xFFFF  }
0x1e: {  	[tilespmem:s14], [sflag:$0x1] =	stream.indirect.gather [hbm4b:s4+s13], $0x80, s3, s13, $0xb8;
	[tilespmem:$0x1DC00] =	vst v63  }
0x1f: {  	_ =	swait.ge [sflag:s15], $0x2800  }
0x20: {  	[sflag:s15] =	ssyncset.done $0x0  }
0x21: {  	s20 =	simm.s32 $0x50;
	[sflag:s15] =	ssyncadd.s32 $0xFFFFD800  }
0x22: {  	[tilespmem:s16], [sflag:$0x2] =	stream.indirect.gather [hbm4b:s4+s13], $0x80, s20, s13, $0xb8;
	[tilespmem:$0x1DC00] =	vst v63  }
0x23: {  	_ =	swait.ge [sflag:s17], $0x2800  }
0x24: {  	[sflag:s17] =	ssyncset.done $0x0  }
0x25: {  	s21 =	simm.s32 $0xA0;
	s20 =	simm.s32 $0xFFFF6500;
	[sflag:s17] =	ssyncadd.s32 $0xFFFFD800  }
.LBB2_2:
0x26: {  	[tilespmem:s14], [sflag:$0x1] =	stream.indirect.gather [hbm4b:s4+s13], $0x80, s21, s13, $0xb8;
	[tilespmem:$0x1DC00] =	vst v63  }
0x27: {  	s21 =	smov.u32 s20  }
0x28: {  	p0 =	sne.s32 s20, $0xFFFFFD80;
	s20 =	sadd.s32 $0x280, s20;
	_ =	swait.ge [sflag:s15], $0x2800  }
0x29: {  	s21 =	sshra.s32 s21, $0x2;
	[sflag:s15] =	ssyncset.done $0x0  }
.Ltmp0:
0x2a: {  	s22 =	sadd.s32 $0x27B0, s21;
	[sflag:s15] =	ssyncadd.s32 $0xFFFFD800;
	(pc) =	sbr.rel @p0 .LBB2_2-.Ltmp0, $4  }
0x2b: {  	[tilespmem:s16], [sflag:$0x2] =	stream.indirect.gather [hbm4b:s4+s13], $0x80, s22, s13, $0xb8;
	[tilespmem:$0x1DC00] =	vst v63  }
0x2c: {  	_ =	swait.ge [sflag:s17], $0x2800  }
0x2d: {  	[sflag:s17] =	ssyncset.done $0x0  }
0x2e: {  	s21 =	sadd.s32 $0x2800, s21;
	[sflag:s17] =	ssyncadd.s32 $0xFFFFD800  }
0x2f: {  	[tilespmem:s14], [sflag:$0x1] =	stream.indirect.gather [hbm4b:s4+s13], $0x80, s21, s13, $0xb8;
	[tilespmem:$0x1DC00] =	vst v63  }
0x30: {  	_ =	swait.ge [sflag:s15], $0x2800  }
0x31: {  	[sflag:s15] =	ssyncset.done $0x0  }
0x32: {  	[sflag:s15] =	ssyncadd.s32 $0xFFFFD800  }
0x33: {  	[tilespmem:s16], [sflag:$0x2] =	stream.indirect.gather [hbm4b:s4+s13], $0x80, s18, s13, $0xb8;
	[tilespmem:$0x1DC00] =	vst v63  }
0x34: {  	_ =	swait.ge [sflag:s17], $0x2800  }
0x35: {  	s19 =	sadd.s32 $0x1, s19;
	[sflag:s17] =	ssyncset.done $0x0  }
0x36: {  	p0 =	sne.s32 s19, s8;
	[sflag:s17] =	ssyncadd.s32 $0xFFFFD800  }
.Ltmp1:
0x37: {  	[bflag:$0x0] =	sbarrier.arrive $0xFFFF;
	(pc) =	sbr.rel @p0 .LBB2_1-.Ltmp1, $4  }
0x38: {  	[hbm:s7], [sflag:s11] =	dma.local [spmem:s12], $0x2780  }
0x39: {  	_ =	swait.ge [sflag:s9], $0x2780  }
0x3a: {  	[sflag:s9] =	ssyncset.done $0x0  }
0x3b: {  	[sflag:s9] =	ssyncadd.s32 $0xFFFFD880  }
0x3c: {  	_ =	sfence.sel $0x180000  }
0x3d: {  	[bflag:$0x0] =	sbarrier.arrive $0xFFFF  }
0x3e: {  	p0 =	sne.s32 s2, $0x0;
	_ =	strace $0x9000004D  }
0x3f: {  	s0 =	sadd.s32 @!p0 $0x100000, s0;
	[bflag:$0x2] =	sbarrier.arrive $0xFFFF  }
0x40: {  	[sflag:s0] =	ssyncadd.tile.s32 @!p0 $0x1;
	_ =	shalt  }
.Lfunc_end2:
_tile_overlayer_lowered:
.L_overlay_start_2:
0x41: {  	(tag) =	ssettag $0x2  }
0x42: {  	s0 =	rddreg [dreg:$0x0];
	s2 =	stileid.u32  }
0x43: {  	s1 =	rddreg [dreg:$0x1];
	p0 =	sne.s32 s2, $0x0  }
0x44: {  	s3 =	rddreg [dreg:$0x2];
	[bflag:$0x3] =	sbarrier.arrive $0xFFFF;
	s2 =	simm.s32 @!p0 $0x1C03  }
0x45: {  	[timem:s3], [sflag:s2] =	dma.local @!p0 [hbm:s0], s1  }
0x46: {  	s0 =	simm.s32 @!p0 $0x3  }
0x47: {  	_ =	swait.ge @!p0 [sflag:s0], s1  }
0x48: {  	s1 =	ssub.s32 @!p0 $0x0, s1;
	[sflag:s0] =	ssyncset.done @!p0 $0x0  }
0x49: {  	[sflag:s0] =	ssyncadd.s32 @!p0 s1  }
0x4a: {  	[bflag:$0x3] =	sbarrier.arrive $0xFFFF  }
0x4b: {  	_ =	shalt  }

// kernel: gcn_aggregate.14.cloned.1.call-start
scs
__scs_entry_jumppad:
0x0: {  	(pc) =	sbr.rel $0x88, $3  }
0x1: {  	(tag) =	ssettag $0x0;
	lr =	simm.s32 $0x1  }
0x2: {  	[smem:$0x3F93] =	sst lr;
	_ =	strace $0xD0000000  }
0x3: {  	_ = 	snop  }
0x4: {  	_ = 	snop  }
0x5: {  	_ = 	snop  }
0x6: {  	_ = 	snop  }
0x7: {  	_ = 	snop  }
__scs_overlays_trampoline_lowered:
0x8: {  	[smem:$0x3FA2] =	sst s0  }
0x9: {  	[smem:$0x3FA3] =	sst s1  }
0xa: {  	[smem:$0x3FA4] =	sst s2  }
0xb: {  	[smem:$0x3FA5] =	sst s3  }
0xc: {  	[smem:$0x3FA6] =	sst s4  }
0xd: {  	[smem:$0x3FA7] =	sst s5  }
0xe: {  	[smem:$0x3FA8] =	sst s6  }
0xf: {  	[smem:$0x3FA9] =	sst s7  }
0x10: {  	[smem:$0x3FAA] =	sst s8  }
0x11: {  	[smem:$0x3FAB] =	sst s9;
	s0 =	simm.s32 @!p0 $0x0  }
0x12: {  	s1 =	sld [smem:$0x3F91];
	s0 =	simm.s32 @p0 $0x1  }
0x13: {  	[smem:$0x3FAC] =	sst s0;
	s0 =	simm.s32 @!p1 $0x0  }
0x14: {  	s2 =	sld [smem:$0x3F90];
	s0 =	simm.s32 @p1 $0x1  }
0x15: {  	[smem:$0x3FAD] =	sst s0;
	s0 =	simm.s32 @!p2 $0x0  }
0x16: {  	s3 =	sld [smem:$0x3FDB];
	s0 =	simm.s32 @p2 $0x1  }
0x17: {  	s4 =	simm.s32 $0x1BF5;
	[smem:$0x3FAF] =	sst s0  }
0x18: {  	s0 =	sld [smem:$0x3F92];
	_ =	swait.ge [sflag:s4], $0x0  }
0x19: {  	s7 =	sld [smem:$0x3F93]  }
0x1a: {  	s8 =	sadd.s32 $0xFFFFE003, lr  }
0x1b: {  	s9 =	sadd.s32 $0xFFFFFEF7, lr;
	s5 =	simm.s32 $0xFFFFFFFF;
	p2 =	slt.u32 s8, $0xFFFFF086  }
0x1c: {  	p1 =	slt.u32 s9, $0xF7A;
	s5 =	simm.s32 @!p2 $0x0  }
0x1d: {  	s5 =	simm.s32 @p1 $0x1;
	p0 =	seq.s32 s7, s2  }
0x1e: {  	s7 =	smul.u32 @!p0 $0xF7A, s2;
	p2 =	seq.s32 @!p0 s5, $0x0  }
0x1f: {  	s9 =	smul.u32 $0xF7A, s1;
	s8 =	simm.s32 @!p0 $0x1BF5;
	p2 =	por !p2, p0  }
0x20: {  	[sflag:s8] =	ssyncset.s32 @!p0 $0xFFFFF086;
	s6 =	sadd.s32 @!p0 s3, s7;
	s7 =	simm.s32 @!p0 $0x108  }
0x21: {  	s3 =	sadd.s32 s3, s9;
	s6 =	sadd.s32 @!p0 $0x88, s6;
	s7 =	simm.s32 @p2 $0x1082  }
0x22: {  	[simem:s7], [sflag:s8] =	dma.local @!p0 [hbm:s6], $0xF7A  }
0x23: {  	s9 =	sor.u32 $0xD0000000, s2;
	s6 =	simm.s32 $0x108;
	_ =	swait.ge @!p0 [sflag:s8], $0x0  }
0x24: {  	s3 =	sadd.s32 $0x88, s3;
	s6 =	simm.s32 @!p1 $0x1082;
	[sflag:s4] =	ssyncset.s32 $0xFFFFF086  }
0x25: {  	[simem:s6], [sflag:s4] =	dma.local [hbm:s3], $0xF7A  }
0x26: {  	[smem:$0x3F93] =	sst s1;
	(tag) =	ssettag s2;
	_ =	strace s9  }
0x27: {  	s1 =	sld [smem:$0x3FA3]  }
0x28: {  	s2 =	sld [smem:$0x3FA4]  }
0x29: {  	s4 =	sld [smem:$0x3FA6]  }
0x2a: {  	p0 =	seq.s32 s5, $0x0;
	s5 =	sld [smem:$0x3FA7]  }
0x2b: {  	s6 =	sld [smem:$0x3FA8]  }
0x2c: {  	s7 =	sld [smem:$0x3FA9]  }
0x2d: {  	s3 =	simm.s32 $0x108;
	s8 =	sld [smem:$0x3FAA]  }
0x2e: {  	s3 =	simm.s32 @!p0 $0x1082;
	s9 =	sld [smem:$0x3FAB]  }
0x2f: {  	lr =	sadd.s32 s0, s3;
	s0 =	sld [smem:$0x3FA2]  }
0x30: {  	s3 =	sld [smem:$0x3FA5]  }
0x31: {  	[smem:$0x3FAE] =	sst s10  }
0x32: {  	s10 =	sld [smem:$0x3FAC];
	_ =	sdelay $0x3  }
0x33: {  	p0 =	seq.s32 s10, $0x1;
	s10 =	sld [smem:$0x3FAE];
	_ =	sdelay $0x3  }
0x34: {  	[smem:$0x3FAE] =	sst s10  }
0x35: {  	s10 =	sld [smem:$0x3FAD];
	_ =	sdelay $0x3  }
0x36: {  	p1 =	seq.s32 s10, $0x1;
	s10 =	sld [smem:$0x3FAE];
	_ =	sdelay $0x3  }
0x37: {  	[smem:$0x3FAE] =	sst s10  }
0x38: {  	s10 =	sld [smem:$0x3FAF]  }
0x39: {  	_ = 	snop;
	(pc) =	sbr.ind lr, $3  }
0x3a: {  	_ = 	snop  }
0x3b: {  	_ = 	snop  }
0x3c: {  	p2 =	seq.s32 s10, $0x1;
	s10 =	sld [smem:$0x3FAE]  }
0x3d: {  	_ =	shalt  }
0x3e: {  	_ =	shalt  }
0x3f: {  	_ =	shalt  }
0x40: {  	_ =	shalt  }
0x41: {  	_ =	shalt  }
0x42: {  	_ =	shalt  }
0x43: {  	_ =	shalt  }
0x44: {  	_ =	shalt  }
0x45: {  	_ =	shalt  }
0x46: {  	_ =	shalt  }
0x47: {  	_ =	shalt  }
0x48: {  	_ =	shalt  }
0x49: {  	_ =	shalt  }
0x4a: {  	_ =	shalt  }
0x4b: {  	_ =	shalt  }
0x4c: {  	_ =	shalt  }
0x4d: {  	_ =	shalt  }
0x4e: {  	_ =	shalt  }
0x4f: {  	_ =	shalt  }
0x50: {  	_ =	shalt  }
0x51: {  	_ =	shalt  }
0x52: {  	_ =	shalt  }
0x53: {  	_ =	shalt  }
0x54: {  	_ =	shalt  }
0x55: {  	_ =	shalt  }
0x56: {  	_ =	shalt  }
0x57: {  	_ =	shalt  }
0x58: {  	_ =	shalt  }
0x59: {  	_ =	shalt  }
0x5a: {  	_ =	shalt  }
0x5b: {  	_ =	shalt  }
0x5c: {  	_ =	shalt  }
0x5d: {  	_ =	shalt  }
0x5e: {  	_ =	shalt  }
0x5f: {  	_ =	shalt  }
0x60: {  	_ =	shalt  }
0x61: {  	_ =	shalt  }
0x62: {  	_ =	shalt  }
0x63: {  	_ =	shalt  }
0x64: {  	_ =	shalt  }
0x65: {  	_ =	shalt  }
0x66: {  	_ =	shalt  }
0x67: {  	_ =	shalt  }
0x68: {  	_ =	shalt  }
0x69: {  	_ =	shalt  }
0x6a: {  	_ =	shalt  }
0x6b: {  	_ =	shalt  }
0x6c: {  	_ =	shalt  }
0x6d: {  	_ =	shalt  }
0x6e: {  	_ =	shalt  }
0x6f: {  	_ =	shalt  }
0x70: {  	_ =	shalt  }
0x71: {  	_ =	shalt  }
0x72: {  	_ =	shalt  }
0x73: {  	_ =	shalt  }
0x74: {  	_ =	shalt  }
0x75: {  	_ =	shalt  }
0x76: {  	_ =	shalt  }
0x77: {  	_ =	shalt  }
0x78: {  	_ =	shalt  }
0x79: {  	_ =	shalt  }
0x7a: {  	_ =	shalt  }
0x7b: {  	_ =	shalt  }
0x7c: {  	_ =	shalt  }
0x7d: {  	_ =	shalt  }
0x7e: {  	_ =	shalt  }
0x7f: {  	_ =	shalt  }
0x80: {  	_ =	shalt  }
0x81: {  	_ =	shalt  }
0x82: {  	_ =	shalt  }
0x83: {  	_ =	shalt  }
0x84: {  	_ =	shalt  }
0x85: {  	_ =	shalt  }
0x86: {  	_ =	shalt  }
0x87: {  	_ =	shalt  }
.Lfunc_end0:
.L_simem_size_0:
called_computation.3_lowered:
.L_overlay_start_0:
0x88: {  	s2 =	sld [smem:$0x3FD9]  }
0x89: {  	s3 =	sld [smem:$0x3FFE];
	_ =	sdelay $0x1  }
0x8a: {  	s1 =	srdreg.scid  }
0x8b: {  	s0 =	sand.u32 $0x1, s1  }
0x8c: {  	s14 =	sshll.u32 s0, $0xA;
	s2 =	sadd.s32 s3, s2  }
0x8d: {  	s2 =	sadd.s32 s2, s14  }
0x8e: {  	[smem:$0x3FBA] =	sst s2  }
0x8f: {  	_ = 	snop  }
0x90: {  	s2 =	sld [smem:$0x3FD0];
	_ =	sdelay $0x2  }
0x91: {  	s15 =	simm.s32 $0xA;
	s4 =	simm.s32 $0x10  }
0x92: {  	[smem:s4], [sflag:s15] =	dma.local [hbm:s2], $0x1  }
0x93: {  	_ =	swait.eq [sflag:s15], $0x1  }
0x94: {  	[sflag:s15] =	ssyncset.done $0x0  }
0x95: {  	[sflag:s15] =	ssyncadd.s32 $0xFFFFFFFF  }
0x96: {  	s16 =	sld [smem:$0x10];
	(tm) =	ssettm $0x1  }
0x97: {  	s17 =	sld [smem:$0x3FFB];
	_ =	sdelay $0x3  }
0x98: {  	_ =	strace s17  }
0x99: {  	s3 =	sld [smem:$0x3FFC];
	_ =	sdelay $0x3  }
0x9a: {  	_ =	strace s3  }
0x9b: {  	s3 =	sld [smem:$0x3FFD];
	_ =	sdelay $0x3  }
0x9c: {  	_ =	strace s3  }
0x9d: {  	_ =	strace $0x8FFFFFFF  }
0x9e: {  	s18 =	sld [smem:$0x3FDB];
	_ =	sdelay $0x1  }
0x9f: {  	s19 =	simm.s32 $_scs_section_size  }
0xa0: {  	s5 =	simm.s32 $_size__tile_overlayer_lowered;
	s6 =	simm.s32 $_tile_overlayer_lowered  }
0xa1: {  	s22 =	simm.s32 $0x1BFF;
	s21 =	sshll.u32 s6, $0x1;
	s3 =	sadd.s32 s19, s18  }
0xa2: {  	s7 =	simm.s32 $0x0;
	s20 =	sshll.u32 s5, $0x1;
	s5 =	sadd.s32 s21, s3  }
0xa3: {  	[timem:s7], [sflag:s22] =	dma.local [hbm:s5], s20  }
0xa4: {  	_ =	swait.ge [sflag:s22], s20  }
0xa5: {  	s4 =	ssub.s32 $0x0, s20;
	[sflag:s22] =	ssyncset.done $0x0  }
0xa6: {  	[sflag:s22] =	ssyncadd.s32 s4;
	_ =	sdelay $0x1  }
0xa7: {  	s23 =	simm.s32 $0x1B8B  }
0xa8: {  	_ =	swait.ge [sflag:s23], $0x1  }
0xa9: {  	[sflag:s23] =	ssyncset.done $0x0  }
0xaa: {  	s25 =	simm.s32 $0x1B8E;
	s24 =	sld [smem:$0x3FFE];
	[sflag:s23] =	ssyncadd.s32 $0xFFFFFFFF  }
0xab: {  	s26 =	simm.s32 $execute0_lowered;
	[smem:$0x3FD2] =	sst s25  }
0xac: {  	s5 =	sshll.u32 s26, $0x1;
	_ =	strace $0x8000004F;
	[dreg:$0x1] =	wrdreg $0xFFFFFFFF  }
0xad: {  	s28 =	simm.s32 $_size_execute0_lowered;
	s3 =	sadd.s32 s3, s5;
	[dreg:$0x0] =	wrdreg $0x0  }
0xae: {  	s5 =	sshll.u32 s28, $0x1;
	[dreg:$0x2] =	wrdreg s3  }
0xaf: {  	[dreg:$0x3] =	wrdreg s5  }
0xb0: {  	[dreg:$0x4] =	wrdreg $0xC0  }
0xb1: {  	_ =	task [dreg:s7], $0x5FFFF  }
0xb2: {  	[dreg:$0x1] =	wrdreg $0xFFFFFFFF  }
0xb3: {  	[dreg:$0x0] =	wrdreg $0x60  }
0xb4: {  	[dreg:$0x2] =	wrdreg s24  }
0xb5: {  	[dreg:$0x3] =	wrdreg s16  }
0xb6: {  	[dreg:$0x4] =	wrdreg $0xA0000  }
0xb7: {  	[dreg:$0x5] =	wrdreg $0x9  }
0xb8: {  	_ =	task.clear_ibuf [dreg:s7], $0x6FFFF;
	_ =	strace $0x9000004F  }
0xb9: {  	s29 =	simm.s32 $0x9;
	_ =	strace $0x80000051  }
0xba: {  	_ =	swait.ge [sflag:s29], $0x1  }
0xbb: {  	[sflag:s29] =	ssyncadd.s32 $0xFFFFFFFF  }
0xbc: {  	_ =	strace $0x90000051  }
0xbd: {  	_ =	sfence  }
0xbe: {  	s30 =	sld [smem:$0x0];
	_ =	sdelay $0x2  }
0xbf: {  	s31 =	sshll.u32 s1, $0xD;
	s1 =	sshrl.u32 s1, $0x2  }
0xc0: {  	s3 =	sand.u32 $0x4000, s31;
	s1 =	sadd.s32 s1, s30  }
0xc1: {  	s0 =	sor.u32 s3, s0;
	s1 =	sshll.u32 s1, $0x11  }
0xc2: {  	s0 =	sor.u32 s1, s0  }
0xc3: {  	s0 =	sadd.s32 $0x8F2B, s0  }
0xc4: {  	[sflag:s0] =	ssyncadd.remote.s32 $0x1  }
0xc5: {  	_ =	sfence.sel $0xFFFF  }
0xc6: {  	[dreg:$0x0] =	wrdreg $0xFFFFFFFF;
	(pc) =	sbr.abs _section_cstart, $3  }
0xc7: {  	[dreg:$0x1] =	wrdreg $0xFFFFFFFF  }
0xc8: {  	_ =	task.clear_ibuf [dreg:s7], $0x2FFFF;
	_ =	strace $0x9FFFFFFF  }
0xc9: {  	(tm) =	ssettm $0x7FFFFFFF  }
tec
execute0_lowered:
.L_overlay_start_1:
0x0: {  	(tag) =	ssettag $0x1  }
0x1: {  	s5 =	rddreg [dreg:$0x0]  }
0x2: {  	s1 =	rddreg [dreg:$0x1]  }
0x3: {  	s7 =	rddreg [dreg:$0x2]  }
0x4: {  	s2 =	srdreg.scid;
	s0 =	rddreg [dreg:$0x3];
	s3 =	simm.s32 $0x0  }
0x5: {  	s13 =	simm.s32 $0x50;
	s14 =	simm.s32 $0x5000;
	s15 =	simm.s32 $0x1  }
0x6: {  	s16 =	simm.s32 $0x7800;
	s17 =	simm.s32 $0x2;
	s18 =	simm.s32 $0x27B0  }
0x7: {  	s19 =	simm.s32 $0x0;
	s6 =	sand.u32 $0x1, s2;
	s2 =	stileid.u32  }
0x8: {  	[smem:$0x7FF] =	sst s3;
	s4 =	sadd.s32 $0x19800, s5;
	s8 =	smul.u32 $0x13C000, s6  }
0x9: {  	s9 =	sshll.u32 s6, $0x4;
	s10 =	smul.u32 $0x13C00, s2;
	_ =	strace $0x80000050  }
0xa: {  	s6 =	ssub.s32 $0x2, s6;
	s11 =	smul.u32 $0x4F000, s2;
	s9 =	sor.u32 s2, s9  }
0xb: {  	s31 =	sshll.u32 s2, $0x6;
	s29 =	sshrl.u32 s6, $0x1;
	s9 =	smul.u32 $0x500, s9  }
0xc: {  	s8 =	sadd.s32 s10, s8;
	s10 =	ssub.s32 s6, s29;
	s30 =	sshrl.u32 s11, $0x2  }
0xd: {  	s11 =	sor.u32 $0x1C03, s31;
	s8 =	sshrl.u32 s8, $0x3;
	s12 =	sadd.s32 s30, s7  }
0xe: {  	s9 =	sadd.s32 s9, s5;
	s8 =	sadd.s32 s8, s5;
	s12 =	sshrl.u32 s12, $0x3  }
0xf: {  	s5 =	sadd.s32 $0xF800, s9;
	s6 =	sadd.s32 $0x5800, s9;
	s7 =	sadd.s32 $0x41000, s8  }
0x10: {  	s8 =	smax.u32 s10, $0x1;
	s9 =	simm.s32 $0x3;
	s10 =	simm.s32 $0x2800  }
.LBB2_1:
0x11: {  	[tilespmem:s3], [sflag:$0x3] =	stream.linear.gather [hbm4b:s5+s3], $0x2800, $0x38;
	[tilespmem:$0x1DC00] =	vst v63  }
0x12: {  	_ =	swait.ge [sflag:s9], $0x2800  }
0x13: {  	[sflag:s9] =	ssyncset.done $0x0  }
0x14: {  	[sflag:s9] =	ssyncadd.s32 $0xFFFFD800  }
0x15: {  	[tilespmem:s10], [sflag:$0x3] =	stream.linear.gather [hbm4b:s6+s3], $0x2800, $0x38;
	[tilespmem:$0x1DC00] =	vst v63  }
0x16: {  	_ =	swait.ge [sflag:s9], $0x2800  }
0x17: {  	[sflag:s9] =	ssyncset.done $0x0  }
0x18: {  	[sflag:s9] =	ssyncadd.s32 $0xFFFFD800  }
0x19: {  	[spmem:s12], [sflag:s11] =	dma.local [hbm:s1], $0x2780  }
0x1a: {  	_ =	swait.ge [sflag:s9], $0x2780  }
0x1b: {  	[sflag:s9] =	ssyncset.done $0x0  }
0x1c: {  	[sflag:s9] =	ssyncadd.s32 $0xFFFFD880  }
0x1d: {  	[bflag:$0x0] =	sbarrier.arrive $0xFFFF  }
0x1e: {  	[tilespmem:s14], [sflag:$0x1] =	stream.indirect.gather [hbm4b:s4+s13], $0x80, s3, s13, $0xb8;
	[tilespmem:$0x1DC00] =	vst v63  }
0x1f: {  	_ =	swait.ge [sflag:s15], $0x2800  }
0x20: {  	[sflag:s15] =	ssyncset.done $0x0  }
0x21: {  	s20 =	simm.s32 $0x50;
	[sflag:s15] =	ssyncadd.s32 $0xFFFFD800  }
0x22: {  	[tilespmem:s16], [sflag:$0x2] =	stream.indirect.gather [hbm4b:s4+s13], $0x80, s20, s13, $0xb8;
	[tilespmem:$0x1DC00] =	vst v63  }
0x23: {  	_ =	swait.ge [sflag:s17], $0x2800  }
0x24: {  	[sflag:s17] =	ssyncset.done $0x0  }
0x25: {  	s21 =	simm.s32 $0xA0;
	s20 =	simm.s32 $0xFFFF6500;
	[sflag:s17] =	ssyncadd.s32 $0xFFFFD800  }
.LBB2_2:
0x26: {  	[tilespmem:s14], [sflag:$0x1] =	stream.indirect.gather [hbm4b:s4+s13], $0x80, s21, s13, $0xb8;
	[tilespmem:$0x1DC00] =	vst v63  }
0x27: {  	s21 =	smov.u32 s20  }
0x28: {  	p0 =	sne.s32 s20, $0xFFFFFD80;
	s20 =	sadd.s32 $0x280, s20;
	_ =	swait.ge [sflag:s15], $0x2800  }
0x29: {  	s21 =	sshra.s32 s21, $0x2;
	[sflag:s15] =	ssyncset.done $0x0  }
.Ltmp0:
0x2a: {  	s22 =	sadd.s32 $0x27B0, s21;
	[sflag:s15] =	ssyncadd.s32 $0xFFFFD800;
	(pc) =	sbr.rel @p0 .LBB2_2-.Ltmp0, $4  }
0x2b: {  	[tilespmem:s16], [sflag:$0x2] =	stream.indirect.gather [hbm4b:s4+s13], $0x80, s22, s13, $0xb8;
	[tilespmem:$0x1DC00] =	vst v63  }
0x2c: {  	_ =	swait.ge [sflag:s17], $0x2800  }
0x2d: {  	[sflag:s17] =	ssyncset.done $0x0  }
0x2e: {  	s21 =	sadd.s32 $0x2800, s21;
	[sflag:s17] =	ssyncadd.s32 $0xFFFFD800  }
0x2f: {  	[tilespmem:s14], [sflag:$0x1] =	stream.indirect.gather [hbm4b:s4+s13], $0x80, s21, s13, $0xb8;
	[tilespmem:$0x1DC00] =	vst v63  }
0x30: {  	_ =	swait.ge [sflag:s15], $0x2800  }
0x31: {  	[sflag:s15] =	ssyncset.done $0x0  }
0x32: {  	[sflag:s15] =	ssyncadd.s32 $0xFFFFD800  }
0x33: {  	[tilespmem:s16], [sflag:$0x2] =	stream.indirect.gather [hbm4b:s4+s13], $0x80, s18, s13, $0xb8;
	[tilespmem:$0x1DC00] =	vst v63  }
0x34: {  	_ =	swait.ge [sflag:s17], $0x2800  }
0x35: {  	s19 =	sadd.s32 $0x1, s19;
	[sflag:s17] =	ssyncset.done $0x0  }
0x36: {  	p0 =	sne.s32 s19, s8;
	[sflag:s17] =	ssyncadd.s32 $0xFFFFD800  }
.Ltmp1:
0x37: {  	[bflag:$0x0] =	sbarrier.arrive $0xFFFF;
	(pc) =	sbr.rel @p0 .LBB2_1-.Ltmp1, $4  }
0x38: {  	[hbm:s7], [sflag:s11] =	dma.local [spmem:s12], $0x2780  }
0x39: {  	_ =	swait.ge [sflag:s9], $0x2780  }
0x3a: {  	[sflag:s9] =	ssyncset.done $0x0  }
0x3b: {  	[sflag:s9] =	ssyncadd.s32 $0xFFFFD880  }
0x3c: {  	_ =	sfence.sel $0x180000  }
0x3d: {  	[bflag:$0x0] =	sbarrier.arrive $0xFFFF  }
0x3e: {  	p0 =	sne.s32 s2, $0x0;
	_ =	strace $0x90000050  }
0x3f: {  	s0 =	sadd.s32 @!p0 $0x100000, s0;
	[bflag:$0x2] =	sbarrier.arrive $0xFFFF  }
0x40: {  	[sflag:s0] =	ssyncadd.tile.s32 @!p0 $0x1;
	_ =	shalt  }
.Lfunc_end2:
_tile_overlayer_lowered:
.L_overlay_start_2:
0x41: {  	(tag) =	ssettag $0x2  }
0x42: {  	s0 =	rddreg [dreg:$0x0];
	s2 =	stileid.u32  }
0x43: {  	s1 =	rddreg [dreg:$0x1];
	p0 =	sne.s32 s2, $0x0  }
0x44: {  	s3 =	rddreg [dreg:$0x2];
	[bflag:$0x3] =	sbarrier.arrive $0xFFFF;
	s2 =	simm.s32 @!p0 $0x1C03  }
0x45: {  	[timem:s3], [sflag:s2] =	dma.local @!p0 [hbm:s0], s1  }
0x46: {  	s0 =	simm.s32 @!p0 $0x3  }
0x47: {  	_ =	swait.ge @!p0 [sflag:s0], s1  }
0x48: {  	s1 =	ssub.s32 @!p0 $0x0, s1;
	[sflag:s0] =	ssyncset.done @!p0 $0x0  }
0x49: {  	[sflag:s0] =	ssyncadd.s32 @!p0 s1  }
0x4a: {  	[bflag:$0x3] =	sbarrier.arrive $0xFFFF  }
0x4b: {  	_ =	shalt  }

// kernel: gcn_aggregate.17.cloned.1.call-start
scs
__scs_entry_jumppad:
0x0: {  	(pc) =	sbr.rel $0x88, $3  }
0x1: {  	(tag) =	ssettag $0x0;
	lr =	simm.s32 $0x1  }
0x2: {  	[smem:$0x3F93] =	sst lr;
	_ =	strace $0xD0000000  }
0x3: {  	_ = 	snop  }
0x4: {  	_ = 	snop  }
0x5: {  	_ = 	snop  }
0x6: {  	_ = 	snop  }
0x7: {  	_ = 	snop  }
__scs_overlays_trampoline_lowered:
0x8: {  	[smem:$0x3FA2] =	sst s0  }
0x9: {  	[smem:$0x3FA3] =	sst s1  }
0xa: {  	[smem:$0x3FA4] =	sst s2  }
0xb: {  	[smem:$0x3FA5] =	sst s3  }
0xc: {  	[smem:$0x3FA6] =	sst s4  }
0xd: {  	[smem:$0x3FA7] =	sst s5  }
0xe: {  	[smem:$0x3FA8] =	sst s6  }
0xf: {  	[smem:$0x3FA9] =	sst s7  }
0x10: {  	[smem:$0x3FAA] =	sst s8  }
0x11: {  	[smem:$0x3FAB] =	sst s9;
	s0 =	simm.s32 @!p0 $0x0  }
0x12: {  	s1 =	sld [smem:$0x3F91];
	s0 =	simm.s32 @p0 $0x1  }
0x13: {  	[smem:$0x3FAC] =	sst s0;
	s0 =	simm.s32 @!p1 $0x0  }
0x14: {  	s2 =	sld [smem:$0x3F90];
	s0 =	simm.s32 @p1 $0x1  }
0x15: {  	[smem:$0x3FAD] =	sst s0;
	s0 =	simm.s32 @!p2 $0x0  }
0x16: {  	s3 =	sld [smem:$0x3FDB];
	s0 =	simm.s32 @p2 $0x1  }
0x17: {  	s4 =	simm.s32 $0x1BF5;
	[smem:$0x3FAF] =	sst s0  }
0x18: {  	s0 =	sld [smem:$0x3F92];
	_ =	swait.ge [sflag:s4], $0x0  }
0x19: {  	s7 =	sld [smem:$0x3F93]  }
0x1a: {  	s8 =	sadd.s32 $0xFFFFE003, lr  }
0x1b: {  	s9 =	sadd.s32 $0xFFFFFEF7, lr;
	s5 =	simm.s32 $0xFFFFFFFF;
	p2 =	slt.u32 s8, $0xFFFFF086  }
0x1c: {  	p1 =	slt.u32 s9, $0xF7A;
	s5 =	simm.s32 @!p2 $0x0  }
0x1d: {  	s5 =	simm.s32 @p1 $0x1;
	p0 =	seq.s32 s7, s2  }
0x1e: {  	s7 =	smul.u32 @!p0 $0xF7A, s2;
	p2 =	seq.s32 @!p0 s5, $0x0  }
0x1f: {  	s9 =	smul.u32 $0xF7A, s1;
	s8 =	simm.s32 @!p0 $0x1BF5;
	p2 =	por !p2, p0  }
0x20: {  	[sflag:s8] =	ssyncset.s32 @!p0 $0xFFFFF086;
	s6 =	sadd.s32 @!p0 s3, s7;
	s7 =	simm.s32 @!p0 $0x108  }
0x21: {  	s3 =	sadd.s32 s3, s9;
	s6 =	sadd.s32 @!p0 $0x88, s6;
	s7 =	simm.s32 @p2 $0x1082  }
0x22: {  	[simem:s7], [sflag:s8] =	dma.local @!p0 [hbm:s6], $0xF7A  }
0x23: {  	s9 =	sor.u32 $0xD0000000, s2;
	s6 =	simm.s32 $0x108;
	_ =	swait.ge @!p0 [sflag:s8], $0x0  }
0x24: {  	s3 =	sadd.s32 $0x88, s3;
	s6 =	simm.s32 @!p1 $0x1082;
	[sflag:s4] =	ssyncset.s32 $0xFFFFF086  }
0x25: {  	[simem:s6], [sflag:s4] =	dma.local [hbm:s3], $0xF7A  }
0x26: {  	[smem:$0x3F93] =	sst s1;
	(tag) =	ssettag s2;
	_ =	strace s9  }
0x27: {  	s1 =	sld [smem:$0x3FA3]  }
0x28: {  	s2 =	sld [smem:$0x3FA4]  }
0x29: {  	s4 =	sld [smem:$0x3FA6]  }
0x2a: {  	p0 =	seq.s32 s5, $0x0;
	s5 =	sld [smem:$0x3FA7]  }
0x2b: {  	s6 =	sld [smem:$0x3FA8]  }
0x2c: {  	s7 =	sld [smem:$0x3FA9]  }
0x2d: {  	s3 =	simm.s32 $0x108;
	s8 =	sld [smem:$0x3FAA]  }
0x2e: {  	s3 =	simm.s32 @!p0 $0x1082;
	s9 =	sld [smem:$0x3FAB]  }
0x2f: {  	lr =	sadd.s32 s0, s3;
	s0 =	sld [smem:$0x3FA2]  }
0x30: {  	s3 =	sld [smem:$0x3FA5]  }
0x31: {  	[smem:$0x3FAE] =	sst s10  }
0x32: {  	s10 =	sld [smem:$0x3FAC];
	_ =	sdelay $0x3  }
0x33: {  	p0 =	seq.s32 s10, $0x1;
	s10 =	sld [smem:$0x3FAE];
	_ =	sdelay $0x3  }
0x34: {  	[smem:$0x3FAE] =	sst s10  }
0x35: {  	s10 =	sld [smem:$0x3FAD];
	_ =	sdelay $0x3  }
0x36: {  	p1 =	seq.s32 s10, $0x1;
	s10 =	sld [smem:$0x3FAE];
	_ =	sdelay $0x3  }
0x37: {  	[smem:$0x3FAE] =	sst s10  }
0x38: {  	s10 =	sld [smem:$0x3FAF]  }
0x39: {  	_ = 	snop;
	(pc) =	sbr.ind lr, $3  }
0x3a: {  	_ = 	snop  }
0x3b: {  	_ = 	snop  }
0x3c: {  	p2 =	seq.s32 s10, $0x1;
	s10 =	sld [smem:$0x3FAE]  }
0x3d: {  	_ =	shalt  }
0x3e: {  	_ =	shalt  }
0x3f: {  	_ =	shalt  }
0x40: {  	_ =	shalt  }
0x41: {  	_ =	shalt  }
0x42: {  	_ =	shalt  }
0x43: {  	_ =	shalt  }
0x44: {  	_ =	shalt  }
0x45: {  	_ =	shalt  }
0x46: {  	_ =	shalt  }
0x47: {  	_ =	shalt  }
0x48: {  	_ =	shalt  }
0x49: {  	_ =	shalt  }
0x4a: {  	_ =	shalt  }
0x4b: {  	_ =	shalt  }
0x4c: {  	_ =	shalt  }
0x4d: {  	_ =	shalt  }
0x4e: {  	_ =	shalt  }
0x4f: {  	_ =	shalt  }
0x50: {  	_ =	shalt  }
0x51: {  	_ =	shalt  }
0x52: {  	_ =	shalt  }
0x53: {  	_ =	shalt  }
0x54: {  	_ =	shalt  }
0x55: {  	_ =	shalt  }
0x56: {  	_ =	shalt  }
0x57: {  	_ =	shalt  }
0x58: {  	_ =	shalt  }
0x59: {  	_ =	shalt  }
0x5a: {  	_ =	shalt  }
0x5b: {  	_ =	shalt  }
0x5c: {  	_ =	shalt  }
0x5d: {  	_ =	shalt  }
0x5e: {  	_ =	shalt  }
0x5f: {  	_ =	shalt  }
0x60: {  	_ =	shalt  }
0x61: {  	_ =	shalt  }
0x62: {  	_ =	shalt  }
0x63: {  	_ =	shalt  }
0x64: {  	_ =	shalt  }
0x65: {  	_ =	shalt  }
0x66: {  	_ =	shalt  }
0x67: {  	_ =	shalt  }
0x68: {  	_ =	shalt  }
0x69: {  	_ =	shalt  }
0x6a: {  	_ =	shalt  }
0x6b: {  	_ =	shalt  }
0x6c: {  	_ =	shalt  }
0x6d: {  	_ =	shalt  }
0x6e: {  	_ =	shalt  }
0x6f: {  	_ =	shalt  }
0x70: {  	_ =	shalt  }
0x71: {  	_ =	shalt  }
0x72: {  	_ =	shalt  }
0x73: {  	_ =	shalt  }
0x74: {  	_ =	shalt  }
0x75: {  	_ =	shalt  }
0x76: {  	_ =	shalt  }
0x77: {  	_ =	shalt  }
0x78: {  	_ =	shalt  }
0x79: {  	_ =	shalt  }
0x7a: {  	_ =	shalt  }
0x7b: {  	_ =	shalt  }
0x7c: {  	_ =	shalt  }
0x7d: {  	_ =	shalt  }
0x7e: {  	_ =	shalt  }
0x7f: {  	_ =	shalt  }
0x80: {  	_ =	shalt  }
0x81: {  	_ =	shalt  }
0x82: {  	_ =	shalt  }
0x83: {  	_ =	shalt  }
0x84: {  	_ =	shalt  }
0x85: {  	_ =	shalt  }
0x86: {  	_ =	shalt  }
0x87: {  	_ =	shalt  }
.Lfunc_end0:
.L_simem_size_0:
called_computation.4_lowered:
.L_overlay_start_0:
0x88: {  	s2 =	sld [smem:$0x3FD9]  }
0x89: {  	s3 =	sld [smem:$0x3FFE];
	_ =	sdelay $0x1  }
0x8a: {  	s1 =	srdreg.scid  }
0x8b: {  	s0 =	sand.u32 $0x1, s1  }
0x8c: {  	s14 =	sshll.u32 s0, $0xA;
	s2 =	sadd.s32 s3, s2  }
0x8d: {  	s2 =	sadd.s32 s2, s14  }
0x8e: {  	[smem:$0x3FBA] =	sst s2  }
0x8f: {  	_ = 	snop  }
0x90: {  	s2 =	sld [smem:$0x3FD0];
	_ =	sdelay $0x2  }
0x91: {  	s15 =	simm.s32 $0xA;
	s4 =	simm.s32 $0x10  }
0x92: {  	[smem:s4], [sflag:s15] =	dma.local [hbm:s2], $0x1  }
0x93: {  	_ =	swait.eq [sflag:s15], $0x1  }
0x94: {  	[sflag:s15] =	ssyncset.done $0x0  }
0x95: {  	[sflag:s15] =	ssyncadd.s32 $0xFFFFFFFF  }
0x96: {  	s16 =	sld [smem:$0x10];
	(tm) =	ssettm $0x1  }
0x97: {  	s17 =	sld [smem:$0x3FFB];
	_ =	sdelay $0x3  }
0x98: {  	_ =	strace s17  }
0x99: {  	s3 =	sld [smem:$0x3FFC];
	_ =	sdelay $0x3  }
0x9a: {  	_ =	strace s3  }
0x9b: {  	s3 =	sld [smem:$0x3FFD];
	_ =	sdelay $0x3  }
0x9c: {  	_ =	strace s3  }
0x9d: {  	_ =	strace $0x8FFFFFFF  }
0x9e: {  	s18 =	sld [smem:$0x3FDB];
	_ =	sdelay $0x1  }
0x9f: {  	s19 =	simm.s32 $_scs_section_size  }
0xa0: {  	s5 =	simm.s32 $_size__tile_overlayer_lowered;
	s6 =	simm.s32 $_tile_overlayer_lowered  }
0xa1: {  	s22 =	simm.s32 $0x1BFF;
	s21 =	sshll.u32 s6, $0x1;
	s3 =	sadd.s32 s19, s18  }
0xa2: {  	s7 =	simm.s32 $0x0;
	s20 =	sshll.u32 s5, $0x1;
	s5 =	sadd.s32 s21, s3  }
0xa3: {  	[timem:s7], [sflag:s22] =	dma.local [hbm:s5], s20  }
0xa4: {  	_ =	swait.ge [sflag:s22], s20  }
0xa5: {  	s4 =	ssub.s32 $0x0, s20;
	[sflag:s22] =	ssyncset.done $0x0  }
0xa6: {  	[sflag:s22] =	ssyncadd.s32 s4;
	_ =	sdelay $0x1  }
0xa7: {  	s23 =	simm.s32 $0x1B8B  }
0xa8: {  	_ =	swait.ge [sflag:s23], $0x1  }
0xa9: {  	[sflag:s23] =	ssyncset.done $0x0  }
0xaa: {  	s25 =	simm.s32 $0x1B8E;
	s24 =	sld [smem:$0x3FFE];
	[sflag:s23] =	ssyncadd.s32 $0xFFFFFFFF  }
0xab: {  	s26 =	simm.s32 $execute0_lowered;
	[smem:$0x3FD2] =	sst s25  }
0xac: {  	s5 =	sshll.u32 s26, $0x1;
	_ =	strace $0x80000052;
	[dreg:$0x1] =	wrdreg $0xFFFFFFFF  }
0xad: {  	s28 =	simm.s32 $_size_execute0_lowered;
	s3 =	sadd.s32 s3, s5;
	[dreg:$0x0] =	wrdreg $0x0  }
0xae: {  	s5 =	sshll.u32 s28, $0x1;
	[dreg:$0x2] =	wrdreg s3  }
0xaf: {  	[dreg:$0x3] =	wrdreg s5  }
0xb0: {  	[dreg:$0x4] =	wrdreg $0xC0  }
0xb1: {  	_ =	task [dreg:s7], $0x5FFFF  }
0xb2: {  	[dreg:$0x1] =	wrdreg $0xFFFFFFFF  }
0xb3: {  	[dreg:$0x0] =	wrdreg $0x60  }
0xb4: {  	[dreg:$0x2] =	wrdreg s24  }
0xb5: {  	[dreg:$0x3] =	wrdreg s16  }
0xb6: {  	[dreg:$0x4] =	wrdreg $0xA0000  }
0xb7: {  	[dreg:$0x5] =	wrdreg $0x9  }
0xb8: {  	_ =	task.clear_ibuf [dreg:s7], $0x6FFFF;
	_ =	strace $0x90000052  }
0xb9: {  	s29 =	simm.s32 $0x9;
	_ =	strace $0x80000054  }
0xba: {  	_ =	swait.ge [sflag:s29], $0x1  }
0xbb: {  	[sflag:s29] =	ssyncadd.s32 $0xFFFFFFFF  }
0xbc: {  	_ =	strace $0x90000054  }
0xbd: {  	_ =	sfence  }
0xbe: {  	s30 =	sld [smem:$0x0];
	_ =	sdelay $0x2  }
0xbf: {  	s31 =	sshll.u32 s1, $0xD;
	s1 =	sshrl.u32 s1, $0x2  }
0xc0: {  	s3 =	sand.u32 $0x4000, s31;
	s1 =	sadd.s32 s1, s30  }
0xc1: {  	s0 =	sor.u32 s3, s0;
	s1 =	sshll.u32 s1, $0x11  }
0xc2: {  	s0 =	sor.u32 s1, s0  }
0xc3: {  	s0 =	sadd.s32 $0x8F2B, s0  }
0xc4: {  	[sflag:s0] =	ssyncadd.remote.s32 $0x1  }
0xc5: {  	_ =	sfence.sel $0xFFFF  }
0xc6: {  	[dreg:$0x0] =	wrdreg $0xFFFFFFFF;
	(pc) =	sbr.abs _section_cstart, $3  }
0xc7: {  	[dreg:$0x1] =	wrdreg $0xFFFFFFFF  }
0xc8: {  	_ =	task.clear_ibuf [dreg:s7], $0x2FFFF;
	_ =	strace $0x9FFFFFFF  }
0xc9: {  	(tm) =	ssettm $0x7FFFFFFF  }
tec
execute0_lowered:
.L_overlay_start_1:
0x0: {  	(tag) =	ssettag $0x1  }
0x1: {  	s5 =	rddreg [dreg:$0x0]  }
0x2: {  	s1 =	rddreg [dreg:$0x1]  }
0x3: {  	s7 =	rddreg [dreg:$0x2]  }
0x4: {  	s2 =	srdreg.scid;
	s0 =	rddreg [dreg:$0x3];
	s3 =	simm.s32 $0x0  }
0x5: {  	s13 =	simm.s32 $0x50;
	s14 =	simm.s32 $0x5000;
	s15 =	simm.s32 $0x1  }
0x6: {  	s16 =	simm.s32 $0x7800;
	s17 =	simm.s32 $0x2;
	s18 =	simm.s32 $0x27B0  }
0x7: {  	s19 =	simm.s32 $0x0;
	s6 =	sand.u32 $0x1, s2;
	s2 =	stileid.u32  }
0x8: {  	[smem:$0x7FF] =	sst s3;
	s4 =	sadd.s32 $0x19800, s5;
	s8 =	smul.u32 $0x13C000, s6  }
0x9: {  	s9 =	sshll.u32 s6, $0x4;
	s10 =	smul.u32 $0x13C00, s2;
	_ =	strace $0x80000053  }
0xa: {  	s6 =	ssub.s32 $0x2, s6;
	s11 =	smul.u32 $0x4F000, s2;
	s9 =	sor.u32 s2, s9  }
0xb: {  	s31 =	sshll.u32 s2, $0x6;
	s29 =	sshrl.u32 s6, $0x1;
	s9 =	smul.u32 $0x500, s9  }
0xc: {  	s8 =	sadd.s32 s10, s8;
	s10 =	ssub.s32 s6, s29;
	s30 =	sshrl.u32 s11, $0x2  }
0xd: {  	s11 =	sor.u32 $0x1C03, s31;
	s8 =	sshrl.u32 s8, $0x3;
	s12 =	sadd.s32 s30, s7  }
0xe: {  	s9 =	sadd.s32 s9, s5;
	s8 =	sadd.s32 s8, s5;
	s12 =	sshrl.u32 s12, $0x3  }
0xf: {  	s5 =	sadd.s32 $0xF800, s9;
	s6 =	sadd.s32 $0x5800, s9;
	s7 =	sadd.s32 $0x41000, s8  }
0x10: {  	s8 =	smax.u32 s10, $0x1;
	s9 =	simm.s32 $0x3;
	s10 =	simm.s32 $0x2800  }
.LBB2_1:
0x11: {  	[tilespmem:s3], [sflag:$0x3] =	stream.linear.gather [hbm4b:s5+s3], $0x2800, $0x38;
	[tilespmem:$0x1DC00] =	vst v63  }
0x12: {  	_ =	swait.ge [sflag:s9], $0x2800  }
0x13: {  	[sflag:s9] =	ssyncset.done $0x0  }
0x14: {  	[sflag:s9] =	ssyncadd.s32 $0xFFFFD800  }
0x15: {  	[tilespmem:s10], [sflag:$0x3] =	stream.linear.gather [hbm4b:s6+s3], $0x2800, $0x38;
	[tilespmem:$0x1DC00] =	vst v63  }
0x16: {  	_ =	swait.ge [sflag:s9], $0x2800  }
0x17: {  	[sflag:s9] =	ssyncset.done $0x0  }
0x18: {  	[sflag:s9] =	ssyncadd.s32 $0xFFFFD800  }
0x19: {  	[spmem:s12], [sflag:s11] =	dma.local [hbm:s1], $0x2780  }
0x1a: {  	_ =	swait.ge [sflag:s9], $0x2780  }
0x1b: {  	[sflag:s9] =	ssyncset.done $0x0  }
0x1c: {  	[sflag:s9] =	ssyncadd.s32 $0xFFFFD880  }
0x1d: {  	[bflag:$0x0] =	sbarrier.arrive $0xFFFF  }
0x1e: {  	[tilespmem:s14], [sflag:$0x1] =	stream.indirect.gather [hbm4b:s4+s13], $0x80, s3, s13, $0xb8;
	[tilespmem:$0x1DC00] =	vst v63  }
0x1f: {  	_ =	swait.ge [sflag:s15], $0x2800  }
0x20: {  	[sflag:s15] =	ssyncset.done $0x0  }
0x21: {  	s20 =	simm.s32 $0x50;
	[sflag:s15] =	ssyncadd.s32 $0xFFFFD800  }
0x22: {  	[tilespmem:s16], [sflag:$0x2] =	stream.indirect.gather [hbm4b:s4+s13], $0x80, s20, s13, $0xb8;
	[tilespmem:$0x1DC00] =	vst v63  }
0x23: {  	_ =	swait.ge [sflag:s17], $0x2800  }
0x24: {  	[sflag:s17] =	ssyncset.done $0x0  }
0x25: {  	s21 =	simm.s32 $0xA0;
	s20 =	simm.s32 $0xFFFF6500;
	[sflag:s17] =	ssyncadd.s32 $0xFFFFD800  }
.LBB2_2:
0x26: {  	[tilespmem:s14], [sflag:$0x1] =	stream.indirect.gather [hbm4b:s4+s13], $0x80, s21, s13, $0xb8;
	[tilespmem:$0x1DC00] =	vst v63  }
0x27: {  	s21 =	smov.u32 s20  }
0x28: {  	p0 =	sne.s32 s20, $0xFFFFFD80;
	s20 =	sadd.s32 $0x280, s20;
	_ =	swait.ge [sflag:s15], $0x2800  }
0x29: {  	s21 =	sshra.s32 s21, $0x2;
	[sflag:s15] =	ssyncset.done $0x0  }
.Ltmp0:
0x2a: {  	s22 =	sadd.s32 $0x27B0, s21;
	[sflag:s15] =	ssyncadd.s32 $0xFFFFD800;
	(pc) =	sbr.rel @p0 .LBB2_2-.Ltmp0, $4  }
0x2b: {  	[tilespmem:s16], [sflag:$0x2] =	stream.indirect.gather [hbm4b:s4+s13], $0x80, s22, s13, $0xb8;
	[tilespmem:$0x1DC00] =	vst v63  }
0x2c: {  	_ =	swait.ge [sflag:s17], $0x2800  }
0x2d: {  	[sflag:s17] =	ssyncset.done $0x0  }
0x2e: {  	s21 =	sadd.s32 $0x2800, s21;
	[sflag:s17] =	ssyncadd.s32 $0xFFFFD800  }
0x2f: {  	[tilespmem:s14], [sflag:$0x1] =	stream.indirect.gather [hbm4b:s4+s13], $0x80, s21, s13, $0xb8;
	[tilespmem:$0x1DC00] =	vst v63  }
0x30: {  	_ =	swait.ge [sflag:s15], $0x2800  }
0x31: {  	[sflag:s15] =	ssyncset.done $0x0  }
0x32: {  	[sflag:s15] =	ssyncadd.s32 $0xFFFFD800  }
0x33: {  	[tilespmem:s16], [sflag:$0x2] =	stream.indirect.gather [hbm4b:s4+s13], $0x80, s18, s13, $0xb8;
	[tilespmem:$0x1DC00] =	vst v63  }
0x34: {  	_ =	swait.ge [sflag:s17], $0x2800  }
0x35: {  	s19 =	sadd.s32 $0x1, s19;
	[sflag:s17] =	ssyncset.done $0x0  }
0x36: {  	p0 =	sne.s32 s19, s8;
	[sflag:s17] =	ssyncadd.s32 $0xFFFFD800  }
.Ltmp1:
0x37: {  	[bflag:$0x0] =	sbarrier.arrive $0xFFFF;
	(pc) =	sbr.rel @p0 .LBB2_1-.Ltmp1, $4  }
0x38: {  	[hbm:s7], [sflag:s11] =	dma.local [spmem:s12], $0x2780  }
0x39: {  	_ =	swait.ge [sflag:s9], $0x2780  }
0x3a: {  	[sflag:s9] =	ssyncset.done $0x0  }
0x3b: {  	[sflag:s9] =	ssyncadd.s32 $0xFFFFD880  }
0x3c: {  	_ =	sfence.sel $0x180000  }
0x3d: {  	[bflag:$0x0] =	sbarrier.arrive $0xFFFF  }
0x3e: {  	p0 =	sne.s32 s2, $0x0;
	_ =	strace $0x90000053  }
0x3f: {  	s0 =	sadd.s32 @!p0 $0x100000, s0;
	[bflag:$0x2] =	sbarrier.arrive $0xFFFF  }
0x40: {  	[sflag:s0] =	ssyncadd.tile.s32 @!p0 $0x1;
	_ =	shalt  }
.Lfunc_end2:
_tile_overlayer_lowered:
.L_overlay_start_2:
0x41: {  	(tag) =	ssettag $0x2  }
0x42: {  	s0 =	rddreg [dreg:$0x0];
	s2 =	stileid.u32  }
0x43: {  	s1 =	rddreg [dreg:$0x1];
	p0 =	sne.s32 s2, $0x0  }
0x44: {  	s3 =	rddreg [dreg:$0x2];
	[bflag:$0x3] =	sbarrier.arrive $0xFFFF;
	s2 =	simm.s32 @!p0 $0x1C03  }
0x45: {  	[timem:s3], [sflag:s2] =	dma.local @!p0 [hbm:s0], s1  }
0x46: {  	s0 =	simm.s32 @!p0 $0x3  }
0x47: {  	_ =	swait.ge @!p0 [sflag:s0], s1  }
0x48: {  	s1 =	ssub.s32 @!p0 $0x0, s1;
	[sflag:s0] =	ssyncset.done @!p0 $0x0  }
0x49: {  	[sflag:s0] =	ssyncadd.s32 @!p0 s1  }
0x4a: {  	[bflag:$0x3] =	sbarrier.arrive $0xFFFF  }
0x4b: {  	_ =	shalt  }

// kernel: gcn_aggregate.20.cloned.1.call-start
scs
__scs_entry_jumppad:
0x0: {  	(pc) =	sbr.rel $0x88, $3  }
0x1: {  	(tag) =	ssettag $0x0;
	lr =	simm.s32 $0x1  }
0x2: {  	[smem:$0x3F93] =	sst lr;
	_ =	strace $0xD0000000  }
0x3: {  	_ = 	snop  }
0x4: {  	_ = 	snop  }
0x5: {  	_ = 	snop  }
0x6: {  	_ = 	snop  }
0x7: {  	_ = 	snop  }
__scs_overlays_trampoline_lowered:
0x8: {  	[smem:$0x3FA2] =	sst s0  }
0x9: {  	[smem:$0x3FA3] =	sst s1  }
0xa: {  	[smem:$0x3FA4] =	sst s2  }
0xb: {  	[smem:$0x3FA5] =	sst s3  }
0xc: {  	[smem:$0x3FA6] =	sst s4  }
0xd: {  	[smem:$0x3FA7] =	sst s5  }
0xe: {  	[smem:$0x3FA8] =	sst s6  }
0xf: {  	[smem:$0x3FA9] =	sst s7  }
0x10: {  	[smem:$0x3FAA] =	sst s8  }
0x11: {  	[smem:$0x3FAB] =	sst s9;
	s0 =	simm.s32 @!p0 $0x0  }
0x12: {  	s1 =	sld [smem:$0x3F91];
	s0 =	simm.s32 @p0 $0x1  }
0x13: {  	[smem:$0x3FAC] =	sst s0;
	s0 =	simm.s32 @!p1 $0x0  }
0x14: {  	s2 =	sld [smem:$0x3F90];
	s0 =	simm.s32 @p1 $0x1  }
0x15: {  	[smem:$0x3FAD] =	sst s0;
	s0 =	simm.s32 @!p2 $0x0  }
0x16: {  	s3 =	sld [smem:$0x3FDB];
	s0 =	simm.s32 @p2 $0x1  }
0x17: {  	s4 =	simm.s32 $0x1BF5;
	[smem:$0x3FAF] =	sst s0  }
0x18: {  	s0 =	sld [smem:$0x3F92];
	_ =	swait.ge [sflag:s4], $0x0  }
0x19: {  	s7 =	sld [smem:$0x3F93]  }
0x1a: {  	s8 =	sadd.s32 $0xFFFFE003, lr  }
0x1b: {  	s9 =	sadd.s32 $0xFFFFFEF7, lr;
	s5 =	simm.s32 $0xFFFFFFFF;
	p2 =	slt.u32 s8, $0xFFFFF086  }
0x1c: {  	p1 =	slt.u32 s9, $0xF7A;
	s5 =	simm.s32 @!p2 $0x0  }
0x1d: {  	s5 =	simm.s32 @p1 $0x1;
	p0 =	seq.s32 s7, s2  }
0x1e: {  	s7 =	smul.u32 @!p0 $0xF7A, s2;
	p2 =	seq.s32 @!p0 s5, $0x0  }
0x1f: {  	s9 =	smul.u32 $0xF7A, s1;
	s8 =	simm.s32 @!p0 $0x1BF5;
	p2 =	por !p2, p0  }
0x20: {  	[sflag:s8] =	ssyncset.s32 @!p0 $0xFFFFF086;
	s6 =	sadd.s32 @!p0 s3, s7;
	s7 =	simm.s32 @!p0 $0x108  }
0x21: {  	s3 =	sadd.s32 s3, s9;
	s6 =	sadd.s32 @!p0 $0x88, s6;
	s7 =	simm.s32 @p2 $0x1082  }
0x22: {  	[simem:s7], [sflag:s8] =	dma.local @!p0 [hbm:s6], $0xF7A  }
0x23: {  	s9 =	sor.u32 $0xD0000000, s2;
	s6 =	simm.s32 $0x108;
	_ =	swait.ge @!p0 [sflag:s8], $0x0  }
0x24: {  	s3 =	sadd.s32 $0x88, s3;
	s6 =	simm.s32 @!p1 $0x1082;
	[sflag:s4] =	ssyncset.s32 $0xFFFFF086  }
0x25: {  	[simem:s6], [sflag:s4] =	dma.local [hbm:s3], $0xF7A  }
0x26: {  	[smem:$0x3F93] =	sst s1;
	(tag) =	ssettag s2;
	_ =	strace s9  }
0x27: {  	s1 =	sld [smem:$0x3FA3]  }
0x28: {  	s2 =	sld [smem:$0x3FA4]  }
0x29: {  	s4 =	sld [smem:$0x3FA6]  }
0x2a: {  	p0 =	seq.s32 s5, $0x0;
	s5 =	sld [smem:$0x3FA7]  }
0x2b: {  	s6 =	sld [smem:$0x3FA8]  }
0x2c: {  	s7 =	sld [smem:$0x3FA9]  }
0x2d: {  	s3 =	simm.s32 $0x108;
	s8 =	sld [smem:$0x3FAA]  }
0x2e: {  	s3 =	simm.s32 @!p0 $0x1082;
	s9 =	sld [smem:$0x3FAB]  }
0x2f: {  	lr =	sadd.s32 s0, s3;
	s0 =	sld [smem:$0x3FA2]  }
0x30: {  	s3 =	sld [smem:$0x3FA5]  }
0x31: {  	[smem:$0x3FAE] =	sst s10  }
0x32: {  	s10 =	sld [smem:$0x3FAC];
	_ =	sdelay $0x3  }
0x33: {  	p0 =	seq.s32 s10, $0x1;
	s10 =	sld [smem:$0x3FAE];
	_ =	sdelay $0x3  }
0x34: {  	[smem:$0x3FAE] =	sst s10  }
0x35: {  	s10 =	sld [smem:$0x3FAD];
	_ =	sdelay $0x3  }
0x36: {  	p1 =	seq.s32 s10, $0x1;
	s10 =	sld [smem:$0x3FAE];
	_ =	sdelay $0x3  }
0x37: {  	[smem:$0x3FAE] =	sst s10  }
0x38: {  	s10 =	sld [smem:$0x3FAF]  }
0x39: {  	_ = 	snop;
	(pc) =	sbr.ind lr, $3  }
0x3a: {  	_ = 	snop  }
0x3b: {  	_ = 	snop  }
0x3c: {  	p2 =	seq.s32 s10, $0x1;
	s10 =	sld [smem:$0x3FAE]  }
0x3d: {  	_ =	shalt  }
0x3e: {  	_ =	shalt  }
0x3f: {  	_ =	shalt  }
0x40: {  	_ =	shalt  }
0x41: {  	_ =	shalt  }
0x42: {  	_ =	shalt  }
0x43: {  	_ =	shalt  }
0x44: {  	_ =	shalt  }
0x45: {  	_ =	shalt  }
0x46: {  	_ =	shalt  }
0x47: {  	_ =	shalt  }
0x48: {  	_ =	shalt  }
0x49: {  	_ =	shalt  }
0x4a: {  	_ =	shalt  }
0x4b: {  	_ =	shalt  }
0x4c: {  	_ =	shalt  }
0x4d: {  	_ =	shalt  }
0x4e: {  	_ =	shalt  }
0x4f: {  	_ =	shalt  }
0x50: {  	_ =	shalt  }
0x51: {  	_ =	shalt  }
0x52: {  	_ =	shalt  }
0x53: {  	_ =	shalt  }
0x54: {  	_ =	shalt  }
0x55: {  	_ =	shalt  }
0x56: {  	_ =	shalt  }
0x57: {  	_ =	shalt  }
0x58: {  	_ =	shalt  }
0x59: {  	_ =	shalt  }
0x5a: {  	_ =	shalt  }
0x5b: {  	_ =	shalt  }
0x5c: {  	_ =	shalt  }
0x5d: {  	_ =	shalt  }
0x5e: {  	_ =	shalt  }
0x5f: {  	_ =	shalt  }
0x60: {  	_ =	shalt  }
0x61: {  	_ =	shalt  }
0x62: {  	_ =	shalt  }
0x63: {  	_ =	shalt  }
0x64: {  	_ =	shalt  }
0x65: {  	_ =	shalt  }
0x66: {  	_ =	shalt  }
0x67: {  	_ =	shalt  }
0x68: {  	_ =	shalt  }
0x69: {  	_ =	shalt  }
0x6a: {  	_ =	shalt  }
0x6b: {  	_ =	shalt  }
0x6c: {  	_ =	shalt  }
0x6d: {  	_ =	shalt  }
0x6e: {  	_ =	shalt  }
0x6f: {  	_ =	shalt  }
0x70: {  	_ =	shalt  }
0x71: {  	_ =	shalt  }
0x72: {  	_ =	shalt  }
0x73: {  	_ =	shalt  }
0x74: {  	_ =	shalt  }
0x75: {  	_ =	shalt  }
0x76: {  	_ =	shalt  }
0x77: {  	_ =	shalt  }
0x78: {  	_ =	shalt  }
0x79: {  	_ =	shalt  }
0x7a: {  	_ =	shalt  }
0x7b: {  	_ =	shalt  }
0x7c: {  	_ =	shalt  }
0x7d: {  	_ =	shalt  }
0x7e: {  	_ =	shalt  }
0x7f: {  	_ =	shalt  }
0x80: {  	_ =	shalt  }
0x81: {  	_ =	shalt  }
0x82: {  	_ =	shalt  }
0x83: {  	_ =	shalt  }
0x84: {  	_ =	shalt  }
0x85: {  	_ =	shalt  }
0x86: {  	_ =	shalt  }
0x87: {  	_ =	shalt  }
.Lfunc_end0:
.L_simem_size_0:
called_computation.5_lowered:
.L_overlay_start_0:
0x88: {  	s2 =	sld [smem:$0x3FD9]  }
0x89: {  	s3 =	sld [smem:$0x3FFE];
	_ =	sdelay $0x1  }
0x8a: {  	s1 =	srdreg.scid  }
0x8b: {  	s0 =	sand.u32 $0x1, s1  }
0x8c: {  	s14 =	sshll.u32 s0, $0xA;
	s2 =	sadd.s32 s3, s2  }
0x8d: {  	s2 =	sadd.s32 s2, s14  }
0x8e: {  	[smem:$0x3FBA] =	sst s2  }
0x8f: {  	_ = 	snop  }
0x90: {  	s2 =	sld [smem:$0x3FD0];
	_ =	sdelay $0x2  }
0x91: {  	s15 =	simm.s32 $0xA;
	s4 =	simm.s32 $0x10  }
0x92: {  	[smem:s4], [sflag:s15] =	dma.local [hbm:s2], $0x1  }
0x93: {  	_ =	swait.eq [sflag:s15], $0x1  }
0x94: {  	[sflag:s15] =	ssyncset.done $0x0  }
0x95: {  	[sflag:s15] =	ssyncadd.s32 $0xFFFFFFFF  }
0x96: {  	s16 =	sld [smem:$0x10];
	(tm) =	ssettm $0x1  }
0x97: {  	s17 =	sld [smem:$0x3FFB];
	_ =	sdelay $0x3  }
0x98: {  	_ =	strace s17  }
0x99: {  	s3 =	sld [smem:$0x3FFC];
	_ =	sdelay $0x3  }
0x9a: {  	_ =	strace s3  }
0x9b: {  	s3 =	sld [smem:$0x3FFD];
	_ =	sdelay $0x3  }
0x9c: {  	_ =	strace s3  }
0x9d: {  	_ =	strace $0x8FFFFFFF  }
0x9e: {  	s18 =	sld [smem:$0x3FDB];
	_ =	sdelay $0x1  }
0x9f: {  	s19 =	simm.s32 $_scs_section_size  }
0xa0: {  	s5 =	simm.s32 $_size__tile_overlayer_lowered;
	s6 =	simm.s32 $_tile_overlayer_lowered  }
0xa1: {  	s22 =	simm.s32 $0x1BFF;
	s21 =	sshll.u32 s6, $0x1;
	s3 =	sadd.s32 s19, s18  }
0xa2: {  	s7 =	simm.s32 $0x0;
	s20 =	sshll.u32 s5, $0x1;
	s5 =	sadd.s32 s21, s3  }
0xa3: {  	[timem:s7], [sflag:s22] =	dma.local [hbm:s5], s20  }
0xa4: {  	_ =	swait.ge [sflag:s22], s20  }
0xa5: {  	s4 =	ssub.s32 $0x0, s20;
	[sflag:s22] =	ssyncset.done $0x0  }
0xa6: {  	[sflag:s22] =	ssyncadd.s32 s4;
	_ =	sdelay $0x1  }
0xa7: {  	s23 =	simm.s32 $0x1B8B  }
0xa8: {  	_ =	swait.ge [sflag:s23], $0x1  }
0xa9: {  	[sflag:s23] =	ssyncset.done $0x0  }
0xaa: {  	s25 =	simm.s32 $0x1B8E;
	s24 =	sld [smem:$0x3FFE];
	[sflag:s23] =	ssyncadd.s32 $0xFFFFFFFF  }
0xab: {  	s26 =	simm.s32 $execute0_lowered;
	[smem:$0x3FD2] =	sst s25  }
0xac: {  	s5 =	sshll.u32 s26, $0x1;
	_ =	strace $0x80000055;
	[dreg:$0x1] =	wrdreg $0xFFFFFFFF  }
0xad: {  	s28 =	simm.s32 $_size_execute0_lowered;
	s3 =	sadd.s32 s3, s5;
	[dreg:$0x0] =	wrdreg $0x0  }
0xae: {  	s5 =	sshll.u32 s28, $0x1;
	[dreg:$0x2] =	wrdreg s3  }
0xaf: {  	[dreg:$0x3] =	wrdreg s5  }
0xb0: {  	[dreg:$0x4] =	wrdreg $0xC0  }
0xb1: {  	_ =	task [dreg:s7], $0x5FFFF  }
0xb2: {  	[dreg:$0x1] =	wrdreg $0xFFFFFFFF  }
0xb3: {  	[dreg:$0x0] =	wrdreg $0x60  }
0xb4: {  	[dreg:$0x2] =	wrdreg s24  }
0xb5: {  	[dreg:$0x3] =	wrdreg s16  }
0xb6: {  	[dreg:$0x4] =	wrdreg $0xA0000  }
0xb7: {  	[dreg:$0x5] =	wrdreg $0x9  }
0xb8: {  	_ =	task.clear_ibuf [dreg:s7], $0x6FFFF;
	_ =	strace $0x90000055  }
0xb9: {  	s29 =	simm.s32 $0x9;
	_ =	strace $0x80000057  }
0xba: {  	_ =	swait.ge [sflag:s29], $0x1  }
0xbb: {  	[sflag:s29] =	ssyncadd.s32 $0xFFFFFFFF  }
0xbc: {  	_ =	strace $0x90000057  }
0xbd: {  	_ =	sfence  }
0xbe: {  	s30 =	sld [smem:$0x0];
	_ =	sdelay $0x2  }
0xbf: {  	s31 =	sshll.u32 s1, $0xD;
	s1 =	sshrl.u32 s1, $0x2  }
0xc0: {  	s3 =	sand.u32 $0x4000, s31;
	s1 =	sadd.s32 s1, s30  }
0xc1: {  	s0 =	sor.u32 s3, s0;
	s1 =	sshll.u32 s1, $0x11  }
0xc2: {  	s0 =	sor.u32 s1, s0  }
0xc3: {  	s0 =	sadd.s32 $0x8F2B, s0  }
0xc4: {  	[sflag:s0] =	ssyncadd.remote.s32 $0x1  }
0xc5: {  	_ =	sfence.sel $0xFFFF  }
0xc6: {  	[dreg:$0x0] =	wrdreg $0xFFFFFFFF;
	(pc) =	sbr.abs _section_cstart, $3  }
0xc7: {  	[dreg:$0x1] =	wrdreg $0xFFFFFFFF  }
0xc8: {  	_ =	task.clear_ibuf [dreg:s7], $0x2FFFF;
	_ =	strace $0x9FFFFFFF  }
0xc9: {  	(tm) =	ssettm $0x7FFFFFFF  }
tec
execute0_lowered:
.L_overlay_start_1:
0x0: {  	(tag) =	ssettag $0x1  }
0x1: {  	s5 =	rddreg [dreg:$0x0]  }
0x2: {  	s1 =	rddreg [dreg:$0x1]  }
0x3: {  	s7 =	rddreg [dreg:$0x2]  }
0x4: {  	s2 =	srdreg.scid;
	s0 =	rddreg [dreg:$0x3];
	s3 =	simm.s32 $0x0  }
0x5: {  	s13 =	simm.s32 $0x50;
	s14 =	simm.s32 $0x5000;
	s15 =	simm.s32 $0x1  }
0x6: {  	s16 =	simm.s32 $0x7800;
	s17 =	simm.s32 $0x2;
	s18 =	simm.s32 $0x27B0  }
0x7: {  	s19 =	simm.s32 $0x0;
	s6 =	sand.u32 $0x1, s2;
	s2 =	stileid.u32  }
0x8: {  	[smem:$0x7FF] =	sst s3;
	s4 =	sadd.s32 $0x19800, s5;
	s8 =	smul.u32 $0x13C000, s6  }
0x9: {  	s9 =	sshll.u32 s6, $0x4;
	s10 =	smul.u32 $0x13C00, s2;
	_ =	strace $0x80000056  }
0xa: {  	s6 =	ssub.s32 $0x2, s6;
	s11 =	smul.u32 $0x4F000, s2;
	s9 =	sor.u32 s2, s9  }
0xb: {  	s31 =	sshll.u32 s2, $0x6;
	s29 =	sshrl.u32 s6, $0x1;
	s9 =	smul.u32 $0x500, s9  }
0xc: {  	s8 =	sadd.s32 s10, s8;
	s10 =	ssub.s32 s6, s29;
	s30 =	sshrl.u32 s11, $0x2  }
0xd: {  	s11 =	sor.u32 $0x1C03, s31;
	s8 =	sshrl.u32 s8, $0x3;
	s12 =	sadd.s32 s30, s7  }
0xe: {  	s9 =	sadd.s32 s9, s5;
	s8 =	sadd.s32 s8, s5;
	s12 =	sshrl.u32 s12, $0x3  }
0xf: {  	s5 =	sadd.s32 $0xF800, s9;
	s6 =	sadd.s32 $0x5800, s9;
	s7 =	sadd.s32 $0x41000, s8  }
0x10: {  	s8 =	smax.u32 s10, $0x1;
	s9 =	simm.s32 $0x3;
	s10 =	simm.s32 $0x2800  }
.LBB2_1:
0x11: {  	[tilespmem:s3], [sflag:$0x3] =	stream.linear.gather [hbm4b:s5+s3], $0x2800, $0x38;
	[tilespmem:$0x1DC00] =	vst v63  }
0x12: {  	_ =	swait.ge [sflag:s9], $0x2800  }
0x13: {  	[sflag:s9] =	ssyncset.done $0x0  }
0x14: {  	[sflag:s9] =	ssyncadd.s32 $0xFFFFD800  }
0x15: {  	[tilespmem:s10], [sflag:$0x3] =	stream.linear.gather [hbm4b:s6+s3], $0x2800, $0x38;
	[tilespmem:$0x1DC00] =	vst v63  }
0x16: {  	_ =	swait.ge [sflag:s9], $0x2800  }
0x17: {  	[sflag:s9] =	ssyncset.done $0x0  }
0x18: {  	[sflag:s9] =	ssyncadd.s32 $0xFFFFD800  }
0x19: {  	[spmem:s12], [sflag:s11] =	dma.local [hbm:s1], $0x2780  }
0x1a: {  	_ =	swait.ge [sflag:s9], $0x2780  }
0x1b: {  	[sflag:s9] =	ssyncset.done $0x0  }
0x1c: {  	[sflag:s9] =	ssyncadd.s32 $0xFFFFD880  }
0x1d: {  	[bflag:$0x0] =	sbarrier.arrive $0xFFFF  }
0x1e: {  	[tilespmem:s14], [sflag:$0x1] =	stream.indirect.gather [hbm4b:s4+s13], $0x80, s3, s13, $0xb8;
	[tilespmem:$0x1DC00] =	vst v63  }
0x1f: {  	_ =	swait.ge [sflag:s15], $0x2800  }
0x20: {  	[sflag:s15] =	ssyncset.done $0x0  }
0x21: {  	s20 =	simm.s32 $0x50;
	[sflag:s15] =	ssyncadd.s32 $0xFFFFD800  }
0x22: {  	[tilespmem:s16], [sflag:$0x2] =	stream.indirect.gather [hbm4b:s4+s13], $0x80, s20, s13, $0xb8;
	[tilespmem:$0x1DC00] =	vst v63  }
0x23: {  	_ =	swait.ge [sflag:s17], $0x2800  }
0x24: {  	[sflag:s17] =	ssyncset.done $0x0  }
0x25: {  	s21 =	simm.s32 $0xA0;
	s20 =	simm.s32 $0xFFFF6500;
	[sflag:s17] =	ssyncadd.s32 $0xFFFFD800  }
.LBB2_2:
0x26: {  	[tilespmem:s14], [sflag:$0x1] =	stream.indirect.gather [hbm4b:s4+s13], $0x80, s21, s13, $0xb8;
	[tilespmem:$0x1DC00] =	vst v63  }
0x27: {  	s21 =	smov.u32 s20  }
0x28: {  	p0 =	sne.s32 s20, $0xFFFFFD80;
	s20 =	sadd.s32 $0x280, s20;
	_ =	swait.ge [sflag:s15], $0x2800  }
0x29: {  	s21 =	sshra.s32 s21, $0x2;
	[sflag:s15] =	ssyncset.done $0x0  }
.Ltmp0:
0x2a: {  	s22 =	sadd.s32 $0x27B0, s21;
	[sflag:s15] =	ssyncadd.s32 $0xFFFFD800;
	(pc) =	sbr.rel @p0 .LBB2_2-.Ltmp0, $4  }
0x2b: {  	[tilespmem:s16], [sflag:$0x2] =	stream.indirect.gather [hbm4b:s4+s13], $0x80, s22, s13, $0xb8;
	[tilespmem:$0x1DC00] =	vst v63  }
0x2c: {  	_ =	swait.ge [sflag:s17], $0x2800  }
0x2d: {  	[sflag:s17] =	ssyncset.done $0x0  }
0x2e: {  	s21 =	sadd.s32 $0x2800, s21;
	[sflag:s17] =	ssyncadd.s32 $0xFFFFD800  }
0x2f: {  	[tilespmem:s14], [sflag:$0x1] =	stream.indirect.gather [hbm4b:s4+s13], $0x80, s21, s13, $0xb8;
	[tilespmem:$0x1DC00] =	vst v63  }
0x30: {  	_ =	swait.ge [sflag:s15], $0x2800  }
0x31: {  	[sflag:s15] =	ssyncset.done $0x0  }
0x32: {  	[sflag:s15] =	ssyncadd.s32 $0xFFFFD800  }
0x33: {  	[tilespmem:s16], [sflag:$0x2] =	stream.indirect.gather [hbm4b:s4+s13], $0x80, s18, s13, $0xb8;
	[tilespmem:$0x1DC00] =	vst v63  }
0x34: {  	_ =	swait.ge [sflag:s17], $0x2800  }
0x35: {  	s19 =	sadd.s32 $0x1, s19;
	[sflag:s17] =	ssyncset.done $0x0  }
0x36: {  	p0 =	sne.s32 s19, s8;
	[sflag:s17] =	ssyncadd.s32 $0xFFFFD800  }
.Ltmp1:
0x37: {  	[bflag:$0x0] =	sbarrier.arrive $0xFFFF;
	(pc) =	sbr.rel @p0 .LBB2_1-.Ltmp1, $4  }
0x38: {  	[hbm:s7], [sflag:s11] =	dma.local [spmem:s12], $0x2780  }
0x39: {  	_ =	swait.ge [sflag:s9], $0x2780  }
0x3a: {  	[sflag:s9] =	ssyncset.done $0x0  }
0x3b: {  	[sflag:s9] =	ssyncadd.s32 $0xFFFFD880  }
0x3c: {  	_ =	sfence.sel $0x180000  }
0x3d: {  	[bflag:$0x0] =	sbarrier.arrive $0xFFFF  }
0x3e: {  	p0 =	sne.s32 s2, $0x0;
	_ =	strace $0x90000056  }
0x3f: {  	s0 =	sadd.s32 @!p0 $0x100000, s0;
	[bflag:$0x2] =	sbarrier.arrive $0xFFFF  }
0x40: {  	[sflag:s0] =	ssyncadd.tile.s32 @!p0 $0x1;
	_ =	shalt  }
.Lfunc_end2:
_tile_overlayer_lowered:
.L_overlay_start_2:
0x41: {  	(tag) =	ssettag $0x2  }
0x42: {  	s0 =	rddreg [dreg:$0x0];
	s2 =	stileid.u32  }
0x43: {  	s1 =	rddreg [dreg:$0x1];
	p0 =	sne.s32 s2, $0x0  }
0x44: {  	s3 =	rddreg [dreg:$0x2];
	[bflag:$0x3] =	sbarrier.arrive $0xFFFF;
	s2 =	simm.s32 @!p0 $0x1C03  }
0x45: {  	[timem:s3], [sflag:s2] =	dma.local @!p0 [hbm:s0], s1  }
0x46: {  	s0 =	simm.s32 @!p0 $0x3  }
0x47: {  	_ =	swait.ge @!p0 [sflag:s0], s1  }
0x48: {  	s1 =	ssub.s32 @!p0 $0x0, s1;
	[sflag:s0] =	ssyncset.done @!p0 $0x0  }
0x49: {  	[sflag:s0] =	ssyncadd.s32 @!p0 s1  }
0x4a: {  	[bflag:$0x3] =	sbarrier.arrive $0xFFFF  }
0x4b: {  	_ =	shalt  }

// kernel: gcn_aggregate.23.cloned.1.call-start
scs
__scs_entry_jumppad:
0x0: {  	(pc) =	sbr.rel $0x88, $3  }
0x1: {  	(tag) =	ssettag $0x0;
	lr =	simm.s32 $0x1  }
0x2: {  	[smem:$0x3F93] =	sst lr;
	_ =	strace $0xD0000000  }
0x3: {  	_ = 	snop  }
0x4: {  	_ = 	snop  }
0x5: {  	_ = 	snop  }
0x6: {  	_ = 	snop  }
0x7: {  	_ = 	snop  }
__scs_overlays_trampoline_lowered:
0x8: {  	[smem:$0x3FA2] =	sst s0  }
0x9: {  	[smem:$0x3FA3] =	sst s1  }
0xa: {  	[smem:$0x3FA4] =	sst s2  }
0xb: {  	[smem:$0x3FA5] =	sst s3  }
0xc: {  	[smem:$0x3FA6] =	sst s4  }
0xd: {  	[smem:$0x3FA7] =	sst s5  }
0xe: {  	[smem:$0x3FA8] =	sst s6  }
0xf: {  	[smem:$0x3FA9] =	sst s7  }
0x10: {  	[smem:$0x3FAA] =	sst s8  }
0x11: {  	[smem:$0x3FAB] =	sst s9;
	s0 =	simm.s32 @!p0 $0x0  }
0x12: {  	s1 =	sld [smem:$0x3F91];
	s0 =	simm.s32 @p0 $0x1  }
0x13: {  	[smem:$0x3FAC] =	sst s0;
	s0 =	simm.s32 @!p1 $0x0  }
0x14: {  	s2 =	sld [smem:$0x3F90];
	s0 =	simm.s32 @p1 $0x1  }
0x15: {  	[smem:$0x3FAD] =	sst s0;
	s0 =	simm.s32 @!p2 $0x0  }
0x16: {  	s3 =	sld [smem:$0x3FDB];
	s0 =	simm.s32 @p2 $0x1  }
0x17: {  	s4 =	simm.s32 $0x1BF5;
	[smem:$0x3FAF] =	sst s0  }
0x18: {  	s0 =	sld [smem:$0x3F92];
	_ =	swait.ge [sflag:s4], $0x0  }
0x19: {  	s7 =	sld [smem:$0x3F93]  }
0x1a: {  	s8 =	sadd.s32 $0xFFFFE003, lr  }
0x1b: {  	s9 =	sadd.s32 $0xFFFFFEF7, lr;
	s5 =	simm.s32 $0xFFFFFFFF;
	p2 =	slt.u32 s8, $0xFFFFF086  }
0x1c: {  	p1 =	slt.u32 s9, $0xF7A;
	s5 =	simm.s32 @!p2 $0x0  }
0x1d: {  	s5 =	simm.s32 @p1 $0x1;
	p0 =	seq.s32 s7, s2  }
0x1e: {  	s7 =	smul.u32 @!p0 $0xF7A, s2;
	p2 =	seq.s32 @!p0 s5, $0x0  }
0x1f: {  	s9 =	smul.u32 $0xF7A, s1;
	s8 =	simm.s32 @!p0 $0x1BF5;
	p2 =	por !p2, p0  }
0x20: {  	[sflag:s8] =	ssyncset.s32 @!p0 $0xFFFFF086;
	s6 =	sadd.s32 @!p0 s3, s7;
	s7 =	simm.s32 @!p0 $0x108  }
0x21: {  	s3 =	sadd.s32 s3, s9;
	s6 =	sadd.s32 @!p0 $0x88, s6;
	s7 =	simm.s32 @p2 $0x1082  }
0x22: {  	[simem:s7], [sflag:s8] =	dma.local @!p0 [hbm:s6], $0xF7A  }
0x23: {  	s9 =	sor.u32 $0xD0000000, s2;
	s6 =	simm.s32 $0x108;
	_ =	swait.ge @!p0 [sflag:s8], $0x0  }
0x24: {  	s3 =	sadd.s32 $0x88, s3;
	s6 =	simm.s32 @!p1 $0x1082;
	[sflag:s4] =	ssyncset.s32 $0xFFFFF086  }
0x25: {  	[simem:s6], [sflag:s4] =	dma.local [hbm:s3], $0xF7A  }
0x26: {  	[smem:$0x3F93] =	sst s1;
	(tag) =	ssettag s2;
	_ =	strace s9  }
0x27: {  	s1 =	sld [smem:$0x3FA3]  }
0x28: {  	s2 =	sld [smem:$0x3FA4]  }
0x29: {  	s4 =	sld [smem:$0x3FA6]  }
0x2a: {  	p0 =	seq.s32 s5, $0x0;
	s5 =	sld [smem:$0x3FA7]  }
0x2b: {  	s6 =	sld [smem:$0x3FA8]  }
0x2c: {  	s7 =	sld [smem:$0x3FA9]  }
0x2d: {  	s3 =	simm.s32 $0x108;
	s8 =	sld [smem:$0x3FAA]  }
0x2e: {  	s3 =	simm.s32 @!p0 $0x1082;
	s9 =	sld [smem:$0x3FAB]  }
0x2f: {  	lr =	sadd.s32 s0, s3;
	s0 =	sld [smem:$0x3FA2]  }
0x30: {  	s3 =	sld [smem:$0x3FA5]  }
0x31: {  	[smem:$0x3FAE] =	sst s10  }
0x32: {  	s10 =	sld [smem:$0x3FAC];
	_ =	sdelay $0x3  }
0x33: {  	p0 =	seq.s32 s10, $0x1;
	s10 =	sld [smem:$0x3FAE];
	_ =	sdelay $0x3  }
0x34: {  	[smem:$0x3FAE] =	sst s10  }
0x35: {  	s10 =	sld [smem:$0x3FAD];
	_ =	sdelay $0x3  }
0x36: {  	p1 =	seq.s32 s10, $0x1;
	s10 =	sld [smem:$0x3FAE];
	_ =	sdelay $0x3  }
0x37: {  	[smem:$0x3FAE] =	sst s10  }
0x38: {  	s10 =	sld [smem:$0x3FAF]  }
0x39: {  	_ = 	snop;
	(pc) =	sbr.ind lr, $3  }
0x3a: {  	_ = 	snop  }
0x3b: {  	_ = 	snop  }
0x3c: {  	p2 =	seq.s32 s10, $0x1;
	s10 =	sld [smem:$0x3FAE]  }
0x3d: {  	_ =	shalt  }
0x3e: {  	_ =	shalt  }
0x3f: {  	_ =	shalt  }
0x40: {  	_ =	shalt  }
0x41: {  	_ =	shalt  }
0x42: {  	_ =	shalt  }
0x43: {  	_ =	shalt  }
0x44: {  	_ =	shalt  }
0x45: {  	_ =	shalt  }
0x46: {  	_ =	shalt  }
0x47: {  	_ =	shalt  }
0x48: {  	_ =	shalt  }
0x49: {  	_ =	shalt  }
0x4a: {  	_ =	shalt  }
0x4b: {  	_ =	shalt  }
0x4c: {  	_ =	shalt  }
0x4d: {  	_ =	shalt  }
0x4e: {  	_ =	shalt  }
0x4f: {  	_ =	shalt  }
0x50: {  	_ =	shalt  }
0x51: {  	_ =	shalt  }
0x52: {  	_ =	shalt  }
0x53: {  	_ =	shalt  }
0x54: {  	_ =	shalt  }
0x55: {  	_ =	shalt  }
0x56: {  	_ =	shalt  }
0x57: {  	_ =	shalt  }
0x58: {  	_ =	shalt  }
0x59: {  	_ =	shalt  }
0x5a: {  	_ =	shalt  }
0x5b: {  	_ =	shalt  }
0x5c: {  	_ =	shalt  }
0x5d: {  	_ =	shalt  }
0x5e: {  	_ =	shalt  }
0x5f: {  	_ =	shalt  }
0x60: {  	_ =	shalt  }
0x61: {  	_ =	shalt  }
0x62: {  	_ =	shalt  }
0x63: {  	_ =	shalt  }
0x64: {  	_ =	shalt  }
0x65: {  	_ =	shalt  }
0x66: {  	_ =	shalt  }
0x67: {  	_ =	shalt  }
0x68: {  	_ =	shalt  }
0x69: {  	_ =	shalt  }
0x6a: {  	_ =	shalt  }
0x6b: {  	_ =	shalt  }
0x6c: {  	_ =	shalt  }
0x6d: {  	_ =	shalt  }
0x6e: {  	_ =	shalt  }
0x6f: {  	_ =	shalt  }
0x70: {  	_ =	shalt  }
0x71: {  	_ =	shalt  }
0x72: {  	_ =	shalt  }
0x73: {  	_ =	shalt  }
0x74: {  	_ =	shalt  }
0x75: {  	_ =	shalt  }
0x76: {  	_ =	shalt  }
0x77: {  	_ =	shalt  }
0x78: {  	_ =	shalt  }
0x79: {  	_ =	shalt  }
0x7a: {  	_ =	shalt  }
0x7b: {  	_ =	shalt  }
0x7c: {  	_ =	shalt  }
0x7d: {  	_ =	shalt  }
0x7e: {  	_ =	shalt  }
0x7f: {  	_ =	shalt  }
0x80: {  	_ =	shalt  }
0x81: {  	_ =	shalt  }
0x82: {  	_ =	shalt  }
0x83: {  	_ =	shalt  }
0x84: {  	_ =	shalt  }
0x85: {  	_ =	shalt  }
0x86: {  	_ =	shalt  }
0x87: {  	_ =	shalt  }
.Lfunc_end0:
.L_simem_size_0:
called_computation.6_lowered:
.L_overlay_start_0:
0x88: {  	s2 =	sld [smem:$0x3FD9]  }
0x89: {  	s3 =	sld [smem:$0x3FFE];
	_ =	sdelay $0x1  }
0x8a: {  	s1 =	srdreg.scid  }
0x8b: {  	s0 =	sand.u32 $0x1, s1  }
0x8c: {  	s14 =	sshll.u32 s0, $0xA;
	s2 =	sadd.s32 s3, s2  }
0x8d: {  	s2 =	sadd.s32 s2, s14  }
0x8e: {  	[smem:$0x3FBA] =	sst s2  }
0x8f: {  	_ = 	snop  }
0x90: {  	s2 =	sld [smem:$0x3FD0];
	_ =	sdelay $0x2  }
0x91: {  	s15 =	simm.s32 $0xA;
	s4 =	simm.s32 $0x10  }
0x92: {  	[smem:s4], [sflag:s15] =	dma.local [hbm:s2], $0x1  }
0x93: {  	_ =	swait.eq [sflag:s15], $0x1  }
0x94: {  	[sflag:s15] =	ssyncset.done $0x0  }
0x95: {  	[sflag:s15] =	ssyncadd.s32 $0xFFFFFFFF  }
0x96: {  	s16 =	sld [smem:$0x10];
	(tm) =	ssettm $0x1  }
0x97: {  	s17 =	sld [smem:$0x3FFB];
	_ =	sdelay $0x3  }
0x98: {  	_ =	strace s17  }
0x99: {  	s3 =	sld [smem:$0x3FFC];
	_ =	sdelay $0x3  }
0x9a: {  	_ =	strace s3  }
0x9b: {  	s3 =	sld [smem:$0x3FFD];
	_ =	sdelay $0x3  }
0x9c: {  	_ =	strace s3  }
0x9d: {  	_ =	strace $0x8FFFFFFF  }
0x9e: {  	s18 =	sld [smem:$0x3FDB];
	_ =	sdelay $0x1  }
0x9f: {  	s19 =	simm.s32 $_scs_section_size  }
0xa0: {  	s5 =	simm.s32 $_size__tile_overlayer_lowered;
	s6 =	simm.s32 $_tile_overlayer_lowered  }
0xa1: {  	s22 =	simm.s32 $0x1BFF;
	s21 =	sshll.u32 s6, $0x1;
	s3 =	sadd.s32 s19, s18  }
0xa2: {  	s7 =	simm.s32 $0x0;
	s20 =	sshll.u32 s5, $0x1;
	s5 =	sadd.s32 s21, s3  }
0xa3: {  	[timem:s7], [sflag:s22] =	dma.local [hbm:s5], s20  }
0xa4: {  	_ =	swait.ge [sflag:s22], s20  }
0xa5: {  	s4 =	ssub.s32 $0x0, s20;
	[sflag:s22] =	ssyncset.done $0x0  }
0xa6: {  	[sflag:s22] =	ssyncadd.s32 s4;
	_ =	sdelay $0x1  }
0xa7: {  	s23 =	simm.s32 $0x1B8B  }
0xa8: {  	_ =	swait.ge [sflag:s23], $0x1  }
0xa9: {  	[sflag:s23] =	ssyncset.done $0x0  }
0xaa: {  	s25 =	simm.s32 $0x1B8E;
	s24 =	sld [smem:$0x3FFE];
	[sflag:s23] =	ssyncadd.s32 $0xFFFFFFFF  }
0xab: {  	s26 =	simm.s32 $execute0_lowered;
	[smem:$0x3FD2] =	sst s25  }
0xac: {  	s5 =	sshll.u32 s26, $0x1;
	_ =	strace $0x80000058;
	[dreg:$0x1] =	wrdreg $0xFFFFFFFF  }
0xad: {  	s28 =	simm.s32 $_size_execute0_lowered;
	s3 =	sadd.s32 s3, s5;
	[dreg:$0x0] =	wrdreg $0x0  }
0xae: {  	s5 =	sshll.u32 s28, $0x1;
	[dreg:$0x2] =	wrdreg s3  }
0xaf: {  	[dreg:$0x3] =	wrdreg s5  }
0xb0: {  	[dreg:$0x4] =	wrdreg $0xC0  }
0xb1: {  	_ =	task [dreg:s7], $0x5FFFF  }
0xb2: {  	[dreg:$0x1] =	wrdreg $0xFFFFFFFF  }
0xb3: {  	[dreg:$0x0] =	wrdreg $0x60  }
0xb4: {  	[dreg:$0x2] =	wrdreg s24  }
0xb5: {  	[dreg:$0x3] =	wrdreg s16  }
0xb6: {  	[dreg:$0x4] =	wrdreg $0xA0000  }
0xb7: {  	[dreg:$0x5] =	wrdreg $0x9  }
0xb8: {  	_ =	task.clear_ibuf [dreg:s7], $0x6FFFF;
	_ =	strace $0x90000058  }
0xb9: {  	s29 =	simm.s32 $0x9;
	_ =	strace $0x8000005A  }
0xba: {  	_ =	swait.ge [sflag:s29], $0x1  }
0xbb: {  	[sflag:s29] =	ssyncadd.s32 $0xFFFFFFFF  }
0xbc: {  	_ =	strace $0x9000005A  }
0xbd: {  	_ =	sfence  }
0xbe: {  	s30 =	sld [smem:$0x0];
	_ =	sdelay $0x2  }
0xbf: {  	s31 =	sshll.u32 s1, $0xD;
	s1 =	sshrl.u32 s1, $0x2  }
0xc0: {  	s3 =	sand.u32 $0x4000, s31;
	s1 =	sadd.s32 s1, s30  }
0xc1: {  	s0 =	sor.u32 s3, s0;
	s1 =	sshll.u32 s1, $0x11  }
0xc2: {  	s0 =	sor.u32 s1, s0  }
0xc3: {  	s0 =	sadd.s32 $0x8F2B, s0  }
0xc4: {  	[sflag:s0] =	ssyncadd.remote.s32 $0x1  }
0xc5: {  	_ =	sfence.sel $0xFFFF  }
0xc6: {  	[dreg:$0x0] =	wrdreg $0xFFFFFFFF;
	(pc) =	sbr.abs _section_cstart, $3  }
0xc7: {  	[dreg:$0x1] =	wrdreg $0xFFFFFFFF  }
0xc8: {  	_ =	task.clear_ibuf [dreg:s7], $0x2FFFF;
	_ =	strace $0x9FFFFFFF  }
0xc9: {  	(tm) =	ssettm $0x7FFFFFFF  }
tec
execute0_lowered:
.L_overlay_start_1:
0x0: {  	(tag) =	ssettag $0x1  }
0x1: {  	s5 =	rddreg [dreg:$0x0]  }
0x2: {  	s1 =	rddreg [dreg:$0x1]  }
0x3: {  	s7 =	rddreg [dreg:$0x2]  }
0x4: {  	s2 =	srdreg.scid;
	s0 =	rddreg [dreg:$0x3];
	s3 =	simm.s32 $0x0  }
0x5: {  	s13 =	simm.s32 $0x50;
	s14 =	simm.s32 $0x5000;
	s15 =	simm.s32 $0x1  }
0x6: {  	s16 =	simm.s32 $0x7800;
	s17 =	simm.s32 $0x2;
	s18 =	simm.s32 $0x27B0  }
0x7: {  	s19 =	simm.s32 $0x0;
	s6 =	sand.u32 $0x1, s2;
	s2 =	stileid.u32  }
0x8: {  	[smem:$0x7FF] =	sst s3;
	s4 =	sadd.s32 $0x19800, s5;
	s8 =	smul.u32 $0x13C000, s6  }
0x9: {  	s9 =	sshll.u32 s6, $0x4;
	s10 =	smul.u32 $0x13C00, s2;
	_ =	strace $0x80000059  }
0xa: {  	s6 =	ssub.s32 $0x2, s6;
	s11 =	smul.u32 $0x4F000, s2;
	s9 =	sor.u32 s2, s9  }
0xb: {  	s31 =	sshll.u32 s2, $0x6;
	s29 =	sshrl.u32 s6, $0x1;
	s9 =	smul.u32 $0x500, s9  }
0xc: {  	s8 =	sadd.s32 s10, s8;
	s10 =	ssub.s32 s6, s29;
	s30 =	sshrl.u32 s11, $0x2  }
0xd: {  	s11 =	sor.u32 $0x1C03, s31;
	s8 =	sshrl.u32 s8, $0x3;
	s12 =	sadd.s32 s30, s7  }
0xe: {  	s9 =	sadd.s32 s9, s5;
	s8 =	sadd.s32 s8, s5;
	s12 =	sshrl.u32 s12, $0x3  }
0xf: {  	s5 =	sadd.s32 $0xF800, s9;
	s6 =	sadd.s32 $0x5800, s9;
	s7 =	sadd.s32 $0x41000, s8  }
0x10: {  	s8 =	smax.u32 s10, $0x1;
	s9 =	simm.s32 $0x3;
	s10 =	simm.s32 $0x2800  }
.LBB2_1:
0x11: {  	[tilespmem:s3], [sflag:$0x3] =	stream.linear.gather [hbm4b:s5+s3], $0x2800, $0x38;
	[tilespmem:$0x1DC00] =	vst v63  }
0x12: {  	_ =	swait.ge [sflag:s9], $0x2800  }
0x13: {  	[sflag:s9] =	ssyncset.done $0x0  }
0x14: {  	[sflag:s9] =	ssyncadd.s32 $0xFFFFD800  }
0x15: {  	[tilespmem:s10], [sflag:$0x3] =	stream.linear.gather [hbm4b:s6+s3], $0x2800, $0x38;
	[tilespmem:$0x1DC00] =	vst v63  }
0x16: {  	_ =	swait.ge [sflag:s9], $0x2800  }
0x17: {  	[sflag:s9] =	ssyncset.done $0x0  }
0x18: {  	[sflag:s9] =	ssyncadd.s32 $0xFFFFD800  }
0x19: {  	[spmem:s12], [sflag:s11] =	dma.local [hbm:s1], $0x2780  }
0x1a: {  	_ =	swait.ge [sflag:s9], $0x2780  }
0x1b: {  	[sflag:s9] =	ssyncset.done $0x0  }
0x1c: {  	[sflag:s9] =	ssyncadd.s32 $0xFFFFD880  }
0x1d: {  	[bflag:$0x0] =	sbarrier.arrive $0xFFFF  }
0x1e: {  	[tilespmem:s14], [sflag:$0x1] =	stream.indirect.gather [hbm4b:s4+s13], $0x80, s3, s13, $0xb8;
	[tilespmem:$0x1DC00] =	vst v63  }
0x1f: {  	_ =	swait.ge [sflag:s15], $0x2800  }
0x20: {  	[sflag:s15] =	ssyncset.done $0x0  }
0x21: {  	s20 =	simm.s32 $0x50;
	[sflag:s15] =	ssyncadd.s32 $0xFFFFD800  }
0x22: {  	[tilespmem:s16], [sflag:$0x2] =	stream.indirect.gather [hbm4b:s4+s13], $0x80, s20, s13, $0xb8;
	[tilespmem:$0x1DC00] =	vst v63  }
0x23: {  	_ =	swait.ge [sflag:s17], $0x2800  }
0x24: {  	[sflag:s17] =	ssyncset.done $0x0  }
0x25: {  	s21 =	simm.s32 $0xA0;
	s20 =	simm.s32 $0xFFFF6500;
	[sflag:s17] =	ssyncadd.s32 $0xFFFFD800  }
.LBB2_2:
0x26: {  	[tilespmem:s14], [sflag:$0x1] =	stream.indirect.gather [hbm4b:s4+s13], $0x80, s21, s13, $0xb8;
	[tilespmem:$0x1DC00] =	vst v63  }
0x27: {  	s21 =	smov.u32 s20  }
0x28: {  	p0 =	sne.s32 s20, $0xFFFFFD80;
	s20 =	sadd.s32 $0x280, s20;
	_ =	swait.ge [sflag:s15], $0x2800  }
0x29: {  	s21 =	sshra.s32 s21, $0x2;
	[sflag:s15] =	ssyncset.done $0x0  }
.Ltmp0:
0x2a: {  	s22 =	sadd.s32 $0x27B0, s21;
	[sflag:s15] =	ssyncadd.s32 $0xFFFFD800;
	(pc) =	sbr.rel @p0 .LBB2_2-.Ltmp0, $4  }
0x2b: {  	[tilespmem:s16], [sflag:$0x2] =	stream.indirect.gather [hbm4b:s4+s13], $0x80, s22, s13, $0xb8;
	[tilespmem:$0x1DC00] =	vst v63  }
0x2c: {  	_ =	swait.ge [sflag:s17], $0x2800  }
0x2d: {  	[sflag:s17] =	ssyncset.done $0x0  }
0x2e: {  	s21 =	sadd.s32 $0x2800, s21;
	[sflag:s17] =	ssyncadd.s32 $0xFFFFD800  }
0x2f: {  	[tilespmem:s14], [sflag:$0x1] =	stream.indirect.gather [hbm4b:s4+s13], $0x80, s21, s13, $0xb8;
	[tilespmem:$0x1DC00] =	vst v63  }
0x30: {  	_ =	swait.ge [sflag:s15], $0x2800  }
0x31: {  	[sflag:s15] =	ssyncset.done $0x0  }
0x32: {  	[sflag:s15] =	ssyncadd.s32 $0xFFFFD800  }
0x33: {  	[tilespmem:s16], [sflag:$0x2] =	stream.indirect.gather [hbm4b:s4+s13], $0x80, s18, s13, $0xb8;
	[tilespmem:$0x1DC00] =	vst v63  }
0x34: {  	_ =	swait.ge [sflag:s17], $0x2800  }
0x35: {  	s19 =	sadd.s32 $0x1, s19;
	[sflag:s17] =	ssyncset.done $0x0  }
0x36: {  	p0 =	sne.s32 s19, s8;
	[sflag:s17] =	ssyncadd.s32 $0xFFFFD800  }
.Ltmp1:
0x37: {  	[bflag:$0x0] =	sbarrier.arrive $0xFFFF;
	(pc) =	sbr.rel @p0 .LBB2_1-.Ltmp1, $4  }
0x38: {  	[hbm:s7], [sflag:s11] =	dma.local [spmem:s12], $0x2780  }
0x39: {  	_ =	swait.ge [sflag:s9], $0x2780  }
0x3a: {  	[sflag:s9] =	ssyncset.done $0x0  }
0x3b: {  	[sflag:s9] =	ssyncadd.s32 $0xFFFFD880  }
0x3c: {  	_ =	sfence.sel $0x180000  }
0x3d: {  	[bflag:$0x0] =	sbarrier.arrive $0xFFFF  }
0x3e: {  	p0 =	sne.s32 s2, $0x0;
	_ =	strace $0x90000059  }
0x3f: {  	s0 =	sadd.s32 @!p0 $0x100000, s0;
	[bflag:$0x2] =	sbarrier.arrive $0xFFFF  }
0x40: {  	[sflag:s0] =	ssyncadd.tile.s32 @!p0 $0x1;
	_ =	shalt  }
.Lfunc_end2:
_tile_overlayer_lowered:
.L_overlay_start_2:
0x41: {  	(tag) =	ssettag $0x2  }
0x42: {  	s0 =	rddreg [dreg:$0x0];
	s2 =	stileid.u32  }
0x43: {  	s1 =	rddreg [dreg:$0x1];
	p0 =	sne.s32 s2, $0x0  }
0x44: {  	s3 =	rddreg [dreg:$0x2];
	[bflag:$0x3] =	sbarrier.arrive $0xFFFF;
	s2 =	simm.s32 @!p0 $0x1C03  }
0x45: {  	[timem:s3], [sflag:s2] =	dma.local @!p0 [hbm:s0], s1  }
0x46: {  	s0 =	simm.s32 @!p0 $0x3  }
0x47: {  	_ =	swait.ge @!p0 [sflag:s0], s1  }
0x48: {  	s1 =	ssub.s32 @!p0 $0x0, s1;
	[sflag:s0] =	ssyncset.done @!p0 $0x0  }
0x49: {  	[sflag:s0] =	ssyncadd.s32 @!p0 s1  }
0x4a: {  	[bflag:$0x3] =	sbarrier.arrive $0xFFFF  }
0x4b: {  	_ =	shalt  }

// kernel: gcn_aggregate.8.cloned.1.call-start
scs
__scs_entry_jumppad:
0x0: {  	(pc) =	sbr.rel $0x88, $3  }
0x1: {  	(tag) =	ssettag $0x0;
	lr =	simm.s32 $0x1  }
0x2: {  	[smem:$0x3F93] =	sst lr;
	_ =	strace $0xD0000000  }
0x3: {  	_ = 	snop  }
0x4: {  	_ = 	snop  }
0x5: {  	_ = 	snop  }
0x6: {  	_ = 	snop  }
0x7: {  	_ = 	snop  }
__scs_overlays_trampoline_lowered:
0x8: {  	[smem:$0x3FA2] =	sst s0  }
0x9: {  	[smem:$0x3FA3] =	sst s1  }
0xa: {  	[smem:$0x3FA4] =	sst s2  }
0xb: {  	[smem:$0x3FA5] =	sst s3  }
0xc: {  	[smem:$0x3FA6] =	sst s4  }
0xd: {  	[smem:$0x3FA7] =	sst s5  }
0xe: {  	[smem:$0x3FA8] =	sst s6  }
0xf: {  	[smem:$0x3FA9] =	sst s7  }
0x10: {  	[smem:$0x3FAA] =	sst s8  }
0x11: {  	[smem:$0x3FAB] =	sst s9;
	s0 =	simm.s32 @!p0 $0x0  }
0x12: {  	s1 =	sld [smem:$0x3F91];
	s0 =	simm.s32 @p0 $0x1  }
0x13: {  	[smem:$0x3FAC] =	sst s0;
	s0 =	simm.s32 @!p1 $0x0  }
0x14: {  	s2 =	sld [smem:$0x3F90];
	s0 =	simm.s32 @p1 $0x1  }
0x15: {  	[smem:$0x3FAD] =	sst s0;
	s0 =	simm.s32 @!p2 $0x0  }
0x16: {  	s3 =	sld [smem:$0x3FDB];
	s0 =	simm.s32 @p2 $0x1  }
0x17: {  	s4 =	simm.s32 $0x1BF5;
	[smem:$0x3FAF] =	sst s0  }
0x18: {  	s0 =	sld [smem:$0x3F92];
	_ =	swait.ge [sflag:s4], $0x0  }
0x19: {  	s7 =	sld [smem:$0x3F93]  }
0x1a: {  	s8 =	sadd.s32 $0xFFFFE003, lr  }
0x1b: {  	s9 =	sadd.s32 $0xFFFFFEF7, lr;
	s5 =	simm.s32 $0xFFFFFFFF;
	p2 =	slt.u32 s8, $0xFFFFF086  }
0x1c: {  	p1 =	slt.u32 s9, $0xF7A;
	s5 =	simm.s32 @!p2 $0x0  }
0x1d: {  	s5 =	simm.s32 @p1 $0x1;
	p0 =	seq.s32 s7, s2  }
0x1e: {  	s7 =	smul.u32 @!p0 $0xF7A, s2;
	p2 =	seq.s32 @!p0 s5, $0x0  }
0x1f: {  	s9 =	smul.u32 $0xF7A, s1;
	s8 =	simm.s32 @!p0 $0x1BF5;
	p2 =	por !p2, p0  }
0x20: {  	[sflag:s8] =	ssyncset.s32 @!p0 $0xFFFFF086;
	s6 =	sadd.s32 @!p0 s3, s7;
	s7 =	simm.s32 @!p0 $0x108  }
0x21: {  	s3 =	sadd.s32 s3, s9;
	s6 =	sadd.s32 @!p0 $0x88, s6;
	s7 =	simm.s32 @p2 $0x1082  }
0x22: {  	[simem:s7], [sflag:s8] =	dma.local @!p0 [hbm:s6], $0xF7A  }
0x23: {  	s9 =	sor.u32 $0xD0000000, s2;
	s6 =	simm.s32 $0x108;
	_ =	swait.ge @!p0 [sflag:s8], $0x0  }
0x24: {  	s3 =	sadd.s32 $0x88, s3;
	s6 =	simm.s32 @!p1 $0x1082;
	[sflag:s4] =	ssyncset.s32 $0xFFFFF086  }
0x25: {  	[simem:s6], [sflag:s4] =	dma.local [hbm:s3], $0xF7A  }
0x26: {  	[smem:$0x3F93] =	sst s1;
	(tag) =	ssettag s2;
	_ =	strace s9  }
0x27: {  	s1 =	sld [smem:$0x3FA3]  }
0x28: {  	s2 =	sld [smem:$0x3FA4]  }
0x29: {  	s4 =	sld [smem:$0x3FA6]  }
0x2a: {  	p0 =	seq.s32 s5, $0x0;
	s5 =	sld [smem:$0x3FA7]  }
0x2b: {  	s6 =	sld [smem:$0x3FA8]  }
0x2c: {  	s7 =	sld [smem:$0x3FA9]  }
0x2d: {  	s3 =	simm.s32 $0x108;
	s8 =	sld [smem:$0x3FAA]  }
0x2e: {  	s3 =	simm.s32 @!p0 $0x1082;
	s9 =	sld [smem:$0x3FAB]  }
0x2f: {  	lr =	sadd.s32 s0, s3;
	s0 =	sld [smem:$0x3FA2]  }
0x30: {  	s3 =	sld [smem:$0x3FA5]  }
0x31: {  	[smem:$0x3FAE] =	sst s10  }
0x32: {  	s10 =	sld [smem:$0x3FAC];
	_ =	sdelay $0x3  }
0x33: {  	p0 =	seq.s32 s10, $0x1;
	s10 =	sld [smem:$0x3FAE];
	_ =	sdelay $0x3  }
0x34: {  	[smem:$0x3FAE] =	sst s10  }
0x35: {  	s10 =	sld [smem:$0x3FAD];
	_ =	sdelay $0x3  }
0x36: {  	p1 =	seq.s32 s10, $0x1;
	s10 =	sld [smem:$0x3FAE];
	_ =	sdelay $0x3  }
0x37: {  	[smem:$0x3FAE] =	sst s10  }
0x38: {  	s10 =	sld [smem:$0x3FAF]  }
0x39: {  	_ = 	snop;
	(pc) =	sbr.ind lr, $3  }
0x3a: {  	_ = 	snop  }
0x3b: {  	_ = 	snop  }
0x3c: {  	p2 =	seq.s32 s10, $0x1;
	s10 =	sld [smem:$0x3FAE]  }
0x3d: {  	_ =	shalt  }
0x3e: {  	_ =	shalt  }
0x3f: {  	_ =	shalt  }
0x40: {  	_ =	shalt  }
0x41: {  	_ =	shalt  }
0x42: {  	_ =	shalt  }
0x43: {  	_ =	shalt  }
0x44: {  	_ =	shalt  }
0x45: {  	_ =	shalt  }
0x46: {  	_ =	shalt  }
0x47: {  	_ =	shalt  }
0x48: {  	_ =	shalt  }
0x49: {  	_ =	shalt  }
0x4a: {  	_ =	shalt  }
0x4b: {  	_ =	shalt  }
0x4c: {  	_ =	shalt  }
0x4d: {  	_ =	shalt  }
0x4e: {  	_ =	shalt  }
0x4f: {  	_ =	shalt  }
0x50: {  	_ =	shalt  }
0x51: {  	_ =	shalt  }
0x52: {  	_ =	shalt  }
0x53: {  	_ =	shalt  }
0x54: {  	_ =	shalt  }
0x55: {  	_ =	shalt  }
0x56: {  	_ =	shalt  }
0x57: {  	_ =	shalt  }
0x58: {  	_ =	shalt  }
0x59: {  	_ =	shalt  }
0x5a: {  	_ =	shalt  }
0x5b: {  	_ =	shalt  }
0x5c: {  	_ =	shalt  }
0x5d: {  	_ =	shalt  }
0x5e: {  	_ =	shalt  }
0x5f: {  	_ =	shalt  }
0x60: {  	_ =	shalt  }
0x61: {  	_ =	shalt  }
0x62: {  	_ =	shalt  }
0x63: {  	_ =	shalt  }
0x64: {  	_ =	shalt  }
0x65: {  	_ =	shalt  }
0x66: {  	_ =	shalt  }
0x67: {  	_ =	shalt  }
0x68: {  	_ =	shalt  }
0x69: {  	_ =	shalt  }
0x6a: {  	_ =	shalt  }
0x6b: {  	_ =	shalt  }
0x6c: {  	_ =	shalt  }
0x6d: {  	_ =	shalt  }
0x6e: {  	_ =	shalt  }
0x6f: {  	_ =	shalt  }
0x70: {  	_ =	shalt  }
0x71: {  	_ =	shalt  }
0x72: {  	_ =	shalt  }
0x73: {  	_ =	shalt  }
0x74: {  	_ =	shalt  }
0x75: {  	_ =	shalt  }
0x76: {  	_ =	shalt  }
0x77: {  	_ =	shalt  }
0x78: {  	_ =	shalt  }
0x79: {  	_ =	shalt  }
0x7a: {  	_ =	shalt  }
0x7b: {  	_ =	shalt  }
0x7c: {  	_ =	shalt  }
0x7d: {  	_ =	shalt  }
0x7e: {  	_ =	shalt  }
0x7f: {  	_ =	shalt  }
0x80: {  	_ =	shalt  }
0x81: {  	_ =	shalt  }
0x82: {  	_ =	shalt  }
0x83: {  	_ =	shalt  }
0x84: {  	_ =	shalt  }
0x85: {  	_ =	shalt  }
0x86: {  	_ =	shalt  }
0x87: {  	_ =	shalt  }
.Lfunc_end0:
.L_simem_size_0:
called_computation.1_lowered:
.L_overlay_start_0:
0x88: {  	s2 =	sld [smem:$0x3FD9]  }
0x89: {  	s3 =	sld [smem:$0x3FFE];
	_ =	sdelay $0x1  }
0x8a: {  	s1 =	srdreg.scid  }
0x8b: {  	s0 =	sand.u32 $0x1, s1  }
0x8c: {  	s14 =	sshll.u32 s0, $0xA;
	s2 =	sadd.s32 s3, s2  }
0x8d: {  	s2 =	sadd.s32 s2, s14  }
0x8e: {  	[smem:$0x3FBA] =	sst s2  }
0x8f: {  	_ = 	snop  }
0x90: {  	s2 =	sld [smem:$0x3FD0];
	_ =	sdelay $0x2  }
0x91: {  	s15 =	simm.s32 $0xA;
	s4 =	simm.s32 $0x10  }
0x92: {  	[smem:s4], [sflag:s15] =	dma.local [hbm:s2], $0x1  }
0x93: {  	_ =	swait.eq [sflag:s15], $0x1  }
0x94: {  	[sflag:s15] =	ssyncset.done $0x0  }
0x95: {  	[sflag:s15] =	ssyncadd.s32 $0xFFFFFFFF  }
0x96: {  	s16 =	sld [smem:$0x10];
	(tm) =	ssettm $0x1  }
0x97: {  	s17 =	sld [smem:$0x3FFB];
	_ =	sdelay $0x3  }
0x98: {  	_ =	strace s17  }
0x99: {  	s3 =	sld [smem:$0x3FFC];
	_ =	sdelay $0x3  }
0x9a: {  	_ =	strace s3  }
0x9b: {  	s3 =	sld [smem:$0x3FFD];
	_ =	sdelay $0x3  }
0x9c: {  	_ =	strace s3  }
0x9d: {  	_ =	strace $0x8FFFFFFF  }
0x9e: {  	s18 =	sld [smem:$0x3FDB];
	_ =	sdelay $0x1  }
0x9f: {  	s19 =	simm.s32 $_scs_section_size  }
0xa0: {  	s5 =	simm.s32 $_size__tile_overlayer_lowered;
	s6 =	simm.s32 $_tile_overlayer_lowered  }
0xa1: {  	s22 =	simm.s32 $0x1BFF;
	s21 =	sshll.u32 s6, $0x1;
	s3 =	sadd.s32 s19, s18  }
0xa2: {  	s7 =	simm.s32 $0x0;
	s20 =	sshll.u32 s5, $0x1;
	s5 =	sadd.s32 s21, s3  }
0xa3: {  	[timem:s7], [sflag:s22] =	dma.local [hbm:s5], s20  }
0xa4: {  	_ =	swait.ge [sflag:s22], s20  }
0xa5: {  	s4 =	ssub.s32 $0x0, s20;
	[sflag:s22] =	ssyncset.done $0x0  }
0xa6: {  	[sflag:s22] =	ssyncadd.s32 s4;
	_ =	sdelay $0x1  }
0xa7: {  	s23 =	simm.s32 $0x1B8B  }
0xa8: {  	_ =	swait.ge [sflag:s23], $0x1  }
0xa9: {  	[sflag:s23] =	ssyncset.done $0x0  }
0xaa: {  	s25 =	simm.s32 $0x1B8E;
	s24 =	sld [smem:$0x3FFE];
	[sflag:s23] =	ssyncadd.s32 $0xFFFFFFFF  }
0xab: {  	s26 =	simm.s32 $execute0_lowered;
	[smem:$0x3FD2] =	sst s25  }
0xac: {  	s5 =	sshll.u32 s26, $0x1;
	_ =	strace $0x80000049;
	[dreg:$0x1] =	wrdreg $0xFFFFFFFF  }
0xad: {  	s28 =	simm.s32 $_size_execute0_lowered;
	s3 =	sadd.s32 s3, s5;
	[dreg:$0x0] =	wrdreg $0x0  }
0xae: {  	s5 =	sshll.u32 s28, $0x1;
	[dreg:$0x2] =	wrdreg s3  }
0xaf: {  	[dreg:$0x3] =	wrdreg s5  }
0xb0: {  	[dreg:$0x4] =	wrdreg $0xC0  }
0xb1: {  	_ =	task [dreg:s7], $0x5FFFF  }
0xb2: {  	[dreg:$0x1] =	wrdreg $0xFFFFFFFF  }
0xb3: {  	[dreg:$0x0] =	wrdreg $0x60  }
0xb4: {  	[dreg:$0x2] =	wrdreg s24  }
0xb5: {  	[dreg:$0x3] =	wrdreg s16  }
0xb6: {  	[dreg:$0x4] =	wrdreg $0xA0000  }
0xb7: {  	[dreg:$0x5] =	wrdreg $0x9  }
0xb8: {  	_ =	task.clear_ibuf [dreg:s7], $0x6FFFF;
	_ =	strace $0x90000049  }
0xb9: {  	s29 =	simm.s32 $0x9;
	_ =	strace $0x8000004B  }
0xba: {  	_ =	swait.ge [sflag:s29], $0x1  }
0xbb: {  	[sflag:s29] =	ssyncadd.s32 $0xFFFFFFFF  }
0xbc: {  	_ =	strace $0x9000004B  }
0xbd: {  	_ =	sfence  }
0xbe: {  	s30 =	sld [smem:$0x0];
	_ =	sdelay $0x2  }
0xbf: {  	s31 =	sshll.u32 s1, $0xD;
	s1 =	sshrl.u32 s1, $0x2  }
0xc0: {  	s3 =	sand.u32 $0x4000, s31;
	s1 =	sadd.s32 s1, s30  }
0xc1: {  	s0 =	sor.u32 s3, s0;
	s1 =	sshll.u32 s1, $0x11  }
0xc2: {  	s0 =	sor.u32 s1, s0  }
0xc3: {  	s0 =	sadd.s32 $0x8F2B, s0  }
0xc4: {  	[sflag:s0] =	ssyncadd.remote.s32 $0x1  }
0xc5: {  	_ =	sfence.sel $0xFFFF  }
0xc6: {  	[dreg:$0x0] =	wrdreg $0xFFFFFFFF;
	(pc) =	sbr.abs _section_cstart, $3  }
0xc7: {  	[dreg:$0x1] =	wrdreg $0xFFFFFFFF  }
0xc8: {  	_ =	task.clear_ibuf [dreg:s7], $0x2FFFF;
	_ =	strace $0x9FFFFFFF  }
0xc9: {  	(tm) =	ssettm $0x7FFFFFFF  }
tec
execute0_lowered:
.L_overlay_start_1:
0x0: {  	(tag) =	ssettag $0x1  }
0x1: {  	s5 =	rddreg [dreg:$0x0]  }
0x2: {  	s1 =	rddreg [dreg:$0x1]  }
0x3: {  	s7 =	rddreg [dreg:$0x2]  }
0x4: {  	s2 =	srdreg.scid;
	s0 =	rddreg [dreg:$0x3];
	s3 =	simm.s32 $0x0  }
0x5: {  	s13 =	simm.s32 $0x50;
	s14 =	simm.s32 $0x5000;
	s15 =	simm.s32 $0x1  }
0x6: {  	s16 =	simm.s32 $0x7800;
	s17 =	simm.s32 $0x2;
	s18 =	simm.s32 $0x27B0  }
0x7: {  	s19 =	simm.s32 $0x0;
	s6 =	sand.u32 $0x1, s2;
	s2 =	stileid.u32  }
0x8: {  	[smem:$0x7FF] =	sst s3;
	s4 =	sadd.s32 $0x19800, s5;
	s8 =	smul.u32 $0x13C000, s6  }
0x9: {  	s9 =	sshll.u32 s6, $0x4;
	s10 =	smul.u32 $0x13C00, s2;
	_ =	strace $0x8000004A  }
0xa: {  	s6 =	ssub.s32 $0x2, s6;
	s11 =	smul.u32 $0x4F000, s2;
	s9 =	sor.u32 s2, s9  }
0xb: {  	s31 =	sshll.u32 s2, $0x6;
	s29 =	sshrl.u32 s6, $0x1;
	s9 =	smul.u32 $0x500, s9  }
0xc: {  	s8 =	sadd.s32 s10, s8;
	s10 =	ssub.s32 s6, s29;
	s30 =	sshrl.u32 s11, $0x2  }
0xd: {  	s11 =	sor.u32 $0x1C03, s31;
	s8 =	sshrl.u32 s8, $0x3;
	s12 =	sadd.s32 s30, s7  }
0xe: {  	s9 =	sadd.s32 s9, s5;
	s8 =	sadd.s32 s8, s5;
	s12 =	sshrl.u32 s12, $0x3  }
0xf: {  	s5 =	sadd.s32 $0xF800, s9;
	s6 =	sadd.s32 $0x5800, s9;
	s7 =	sadd.s32 $0x41000, s8  }
0x10: {  	s8 =	smax.u32 s10, $0x1;
	s9 =	simm.s32 $0x3;
	s10 =	simm.s32 $0x2800  }
.LBB2_1:
0x11: {  	[tilespmem:s3], [sflag:$0x3] =	stream.linear.gather [hbm4b:s5+s3], $0x2800, $0x38;
	[tilespmem:$0x1DC00] =	vst v63  }
0x12: {  	_ =	swait.ge [sflag:s9], $0x2800  }
0x13: {  	[sflag:s9] =	ssyncset.done $0x0  }
0x14: {  	[sflag:s9] =	ssyncadd.s32 $0xFFFFD800  }
0x15: {  	[tilespmem:s10], [sflag:$0x3] =	stream.linear.gather [hbm4b:s6+s3], $0x2800, $0x38;
	[tilespmem:$0x1DC00] =	vst v63  }
0x16: {  	_ =	swait.ge [sflag:s9], $0x2800  }
0x17: {  	[sflag:s9] =	ssyncset.done $0x0  }
0x18: {  	[sflag:s9] =	ssyncadd.s32 $0xFFFFD800  }
0x19: {  	[spmem:s12], [sflag:s11] =	dma.local [hbm:s1], $0x2780  }
0x1a: {  	_ =	swait.ge [sflag:s9], $0x2780  }
0x1b: {  	[sflag:s9] =	ssyncset.done $0x0  }
0x1c: {  	[sflag:s9] =	ssyncadd.s32 $0xFFFFD880  }
0x1d: {  	[bflag:$0x0] =	sbarrier.arrive $0xFFFF  }
0x1e: {  	[tilespmem:s14], [sflag:$0x1] =	stream.indirect.gather [hbm4b:s4+s13], $0x80, s3, s13, $0xb8;
	[tilespmem:$0x1DC00] =	vst v63  }
0x1f: {  	_ =	swait.ge [sflag:s15], $0x2800  }
0x20: {  	[sflag:s15] =	ssyncset.done $0x0  }
0x21: {  	s20 =	simm.s32 $0x50;
	[sflag:s15] =	ssyncadd.s32 $0xFFFFD800  }
0x22: {  	[tilespmem:s16], [sflag:$0x2] =	stream.indirect.gather [hbm4b:s4+s13], $0x80, s20, s13, $0xb8;
	[tilespmem:$0x1DC00] =	vst v63  }
0x23: {  	_ =	swait.ge [sflag:s17], $0x2800  }
0x24: {  	[sflag:s17] =	ssyncset.done $0x0  }
0x25: {  	s21 =	simm.s32 $0xA0;
	s20 =	simm.s32 $0xFFFF6500;
	[sflag:s17] =	ssyncadd.s32 $0xFFFFD800  }
.LBB2_2:
0x26: {  	[tilespmem:s14], [sflag:$0x1] =	stream.indirect.gather [hbm4b:s4+s13], $0x80, s21, s13, $0xb8;
	[tilespmem:$0x1DC00] =	vst v63  }
0x27: {  	s21 =	smov.u32 s20  }
0x28: {  	p0 =	sne.s32 s20, $0xFFFFFD80;
	s20 =	sadd.s32 $0x280, s20;
	_ =	swait.ge [sflag:s15], $0x2800  }
0x29: {  	s21 =	sshra.s32 s21, $0x2;
	[sflag:s15] =	ssyncset.done $0x0  }
.Ltmp0:
0x2a: {  	s22 =	sadd.s32 $0x27B0, s21;
	[sflag:s15] =	ssyncadd.s32 $0xFFFFD800;
	(pc) =	sbr.rel @p0 .LBB2_2-.Ltmp0, $4  }
0x2b: {  	[tilespmem:s16], [sflag:$0x2] =	stream.indirect.gather [hbm4b:s4+s13], $0x80, s22, s13, $0xb8;
	[tilespmem:$0x1DC00] =	vst v63  }
0x2c: {  	_ =	swait.ge [sflag:s17], $0x2800  }
0x2d: {  	[sflag:s17] =	ssyncset.done $0x0  }
0x2e: {  	s21 =	sadd.s32 $0x2800, s21;
	[sflag:s17] =	ssyncadd.s32 $0xFFFFD800  }
0x2f: {  	[tilespmem:s14], [sflag:$0x1] =	stream.indirect.gather [hbm4b:s4+s13], $0x80, s21, s13, $0xb8;
	[tilespmem:$0x1DC00] =	vst v63  }
0x30: {  	_ =	swait.ge [sflag:s15], $0x2800  }
0x31: {  	[sflag:s15] =	ssyncset.done $0x0  }
0x32: {  	[sflag:s15] =	ssyncadd.s32 $0xFFFFD800  }
0x33: {  	[tilespmem:s16], [sflag:$0x2] =	stream.indirect.gather [hbm4b:s4+s13], $0x80, s18, s13, $0xb8;
	[tilespmem:$0x1DC00] =	vst v63  }
0x34: {  	_ =	swait.ge [sflag:s17], $0x2800  }
0x35: {  	s19 =	sadd.s32 $0x1, s19;
	[sflag:s17] =	ssyncset.done $0x0  }
0x36: {  	p0 =	sne.s32 s19, s8;
	[sflag:s17] =	ssyncadd.s32 $0xFFFFD800  }
.Ltmp1:
0x37: {  	[bflag:$0x0] =	sbarrier.arrive $0xFFFF;
	(pc) =	sbr.rel @p0 .LBB2_1-.Ltmp1, $4  }
0x38: {  	[hbm:s7], [sflag:s11] =	dma.local [spmem:s12], $0x2780  }
0x39: {  	_ =	swait.ge [sflag:s9], $0x2780  }
0x3a: {  	[sflag:s9] =	ssyncset.done $0x0  }
0x3b: {  	[sflag:s9] =	ssyncadd.s32 $0xFFFFD880  }
0x3c: {  	_ =	sfence.sel $0x180000  }
0x3d: {  	[bflag:$0x0] =	sbarrier.arrive $0xFFFF  }
0x3e: {  	p0 =	sne.s32 s2, $0x0;
	_ =	strace $0x9000004A  }
0x3f: {  	s0 =	sadd.s32 @!p0 $0x100000, s0;
	[bflag:$0x2] =	sbarrier.arrive $0xFFFF  }
0x40: {  	[sflag:s0] =	ssyncadd.tile.s32 @!p0 $0x1;
	_ =	shalt  }
.Lfunc_end2:
_tile_overlayer_lowered:
.L_overlay_start_2:
0x41: {  	(tag) =	ssettag $0x2  }
0x42: {  	s0 =	rddreg [dreg:$0x0];
	s2 =	stileid.u32  }
0x43: {  	s1 =	rddreg [dreg:$0x1];
	p0 =	sne.s32 s2, $0x0  }
0x44: {  	s3 =	rddreg [dreg:$0x2];
	[bflag:$0x3] =	sbarrier.arrive $0xFFFF;
	s2 =	simm.s32 @!p0 $0x1C03  }
0x45: {  	[timem:s3], [sflag:s2] =	dma.local @!p0 [hbm:s0], s1  }
0x46: {  	s0 =	simm.s32 @!p0 $0x3  }
0x47: {  	_ =	swait.ge @!p0 [sflag:s0], s1  }
0x48: {  	s1 =	ssub.s32 @!p0 $0x0, s1;
	[sflag:s0] =	ssyncset.done @!p0 $0x0  }
0x49: {  	[sflag:s0] =	ssyncadd.s32 @!p0 s1  }
0x4a: {  	[bflag:$0x3] =	sbarrier.arrive $0xFFFF  }
0x4b: {  	_ =	shalt  }

// kernel: gcn_degrees.3.cloned.1.call-start
scs
__scs_entry_jumppad:
0x0: {  	(pc) =	sbr.rel $0x88, $3  }
0x1: {  	(tag) =	ssettag $0x0;
	lr =	simm.s32 $0x1  }
0x2: {  	[smem:$0x3F93] =	sst lr;
	_ =	strace $0xD0000000  }
0x3: {  	_ = 	snop  }
0x4: {  	_ = 	snop  }
0x5: {  	_ = 	snop  }
0x6: {  	_ = 	snop  }
0x7: {  	_ = 	snop  }
__scs_overlays_trampoline_lowered:
0x8: {  	[smem:$0x3FA2] =	sst s0  }
0x9: {  	[smem:$0x3FA3] =	sst s1  }
0xa: {  	[smem:$0x3FA4] =	sst s2  }
0xb: {  	[smem:$0x3FA5] =	sst s3  }
0xc: {  	[smem:$0x3FA6] =	sst s4  }
0xd: {  	[smem:$0x3FA7] =	sst s5  }
0xe: {  	[smem:$0x3FA8] =	sst s6  }
0xf: {  	[smem:$0x3FA9] =	sst s7  }
0x10: {  	[smem:$0x3FAA] =	sst s8  }
0x11: {  	[smem:$0x3FAB] =	sst s9;
	s0 =	simm.s32 @!p0 $0x0  }
0x12: {  	s1 =	sld [smem:$0x3F91];
	s0 =	simm.s32 @p0 $0x1  }
0x13: {  	[smem:$0x3FAC] =	sst s0;
	s0 =	simm.s32 @!p1 $0x0  }
0x14: {  	s2 =	sld [smem:$0x3F90];
	s0 =	simm.s32 @p1 $0x1  }
0x15: {  	[smem:$0x3FAD] =	sst s0;
	s0 =	simm.s32 @!p2 $0x0  }
0x16: {  	s3 =	sld [smem:$0x3FDB];
	s0 =	simm.s32 @p2 $0x1  }
0x17: {  	s4 =	simm.s32 $0x1BF5;
	[smem:$0x3FAF] =	sst s0  }
0x18: {  	s0 =	sld [smem:$0x3F92];
	_ =	swait.ge [sflag:s4], $0x0  }
0x19: {  	s7 =	sld [smem:$0x3F93]  }
0x1a: {  	s8 =	sadd.s32 $0xFFFFE003, lr  }
0x1b: {  	s9 =	sadd.s32 $0xFFFFFEF7, lr;
	s5 =	simm.s32 $0xFFFFFFFF;
	p2 =	slt.u32 s8, $0xFFFFF086  }
0x1c: {  	p1 =	slt.u32 s9, $0xF7A;
	s5 =	simm.s32 @!p2 $0x0  }
0x1d: {  	s5 =	simm.s32 @p1 $0x1;
	p0 =	seq.s32 s7, s2  }
0x1e: {  	s7 =	smul.u32 @!p0 $0xF7A, s2;
	p2 =	seq.s32 @!p0 s5, $0x0  }
0x1f: {  	s9 =	smul.u32 $0xF7A, s1;
	s8 =	simm.s32 @!p0 $0x1BF5;
	p2 =	por !p2, p0  }
0x20: {  	[sflag:s8] =	ssyncset.s32 @!p0 $0xFFFFF086;
	s6 =	sadd.s32 @!p0 s3, s7;
	s7 =	simm.s32 @!p0 $0x108  }
0x21: {  	s3 =	sadd.s32 s3, s9;
	s6 =	sadd.s32 @!p0 $0x88, s6;
	s7 =	simm.s32 @p2 $0x1082  }
0x22: {  	[simem:s7], [sflag:s8] =	dma.local @!p0 [hbm:s6], $0xF7A  }
0x23: {  	s9 =	sor.u32 $0xD0000000, s2;
	s6 =	simm.s32 $0x108;
	_ =	swait.ge @!p0 [sflag:s8], $0x0  }
0x24: {  	s3 =	sadd.s32 $0x88, s3;
	s6 =	simm.s32 @!p1 $0x1082;
	[sflag:s4] =	ssyncset.s32 $0xFFFFF086  }
0x25: {  	[simem:s6], [sflag:s4] =	dma.local [hbm:s3], $0xF7A  }
0x26: {  	[smem:$0x3F93] =	sst s1;
	(tag) =	ssettag s2;
	_ =	strace s9  }
0x27: {  	s1 =	sld [smem:$0x3FA3]  }
0x28: {  	s2 =	sld [smem:$0x3FA4]  }
0x29: {  	s4 =	sld [smem:$0x3FA6]  }
0x2a: {  	p0 =	seq.s32 s5, $0x0;
	s5 =	sld [smem:$0x3FA7]  }
0x2b: {  	s6 =	sld [smem:$0x3FA8]  }
0x2c: {  	s7 =	sld [smem:$0x3FA9]  }
0x2d: {  	s3 =	simm.s32 $0x108;
	s8 =	sld [smem:$0x3FAA]  }
0x2e: {  	s3 =	simm.s32 @!p0 $0x1082;
	s9 =	sld [smem:$0x3FAB]  }
0x2f: {  	lr =	sadd.s32 s0, s3;
	s0 =	sld [smem:$0x3FA2]  }
0x30: {  	s3 =	sld [smem:$0x3FA5]  }
0x31: {  	[smem:$0x3FAE] =	sst s10  }
0x32: {  	s10 =	sld [smem:$0x3FAC];
	_ =	sdelay $0x3  }
0x33: {  	p0 =	seq.s32 s10, $0x1;
	s10 =	sld [smem:$0x3FAE];
	_ =	sdelay $0x3  }
0x34: {  	[smem:$0x3FAE] =	sst s10  }
0x35: {  	s10 =	sld [smem:$0x3FAD];
	_ =	sdelay $0x3  }
0x36: {  	p1 =	seq.s32 s10, $0x1;
	s10 =	sld [smem:$0x3FAE];
	_ =	sdelay $0x3  }
0x37: {  	[smem:$0x3FAE] =	sst s10  }
0x38: {  	s10 =	sld [smem:$0x3FAF]  }
0x39: {  	_ = 	snop;
	(pc) =	sbr.ind lr, $3  }
0x3a: {  	_ = 	snop  }
0x3b: {  	_ = 	snop  }
0x3c: {  	p2 =	seq.s32 s10, $0x1;
	s10 =	sld [smem:$0x3FAE]  }
0x3d: {  	_ =	shalt  }
0x3e: {  	_ =	shalt  }
0x3f: {  	_ =	shalt  }
0x40: {  	_ =	shalt  }
0x41: {  	_ =	shalt  }
0x42: {  	_ =	shalt  }
0x43: {  	_ =	shalt  }
0x44: {  	_ =	shalt  }
0x45: {  	_ =	shalt  }
0x46: {  	_ =	shalt  }
0x47: {  	_ =	shalt  }
0x48: {  	_ =	shalt  }
0x49: {  	_ =	shalt  }
0x4a: {  	_ =	shalt  }
0x4b: {  	_ =	shalt  }
0x4c: {  	_ =	shalt  }
0x4d: {  	_ =	shalt  }
0x4e: {  	_ =	shalt  }
0x4f: {  	_ =	shalt  }
0x50: {  	_ =	shalt  }
0x51: {  	_ =	shalt  }
0x52: {  	_ =	shalt  }
0x53: {  	_ =	shalt  }
0x54: {  	_ =	shalt  }
0x55: {  	_ =	shalt  }
0x56: {  	_ =	shalt  }
0x57: {  	_ =	shalt  }
0x58: {  	_ =	shalt  }
0x59: {  	_ =	shalt  }
0x5a: {  	_ =	shalt  }
0x5b: {  	_ =	shalt  }
0x5c: {  	_ =	shalt  }
0x5d: {  	_ =	shalt  }
0x5e: {  	_ =	shalt  }
0x5f: {  	_ =	shalt  }
0x60: {  	_ =	shalt  }
0x61: {  	_ =	shalt  }
0x62: {  	_ =	shalt  }
0x63: {  	_ =	shalt  }
0x64: {  	_ =	shalt  }
0x65: {  	_ =	shalt  }
0x66: {  	_ =	shalt  }
0x67: {  	_ =	shalt  }
0x68: {  	_ =	shalt  }
0x69: {  	_ =	shalt  }
0x6a: {  	_ =	shalt  }
0x6b: {  	_ =	shalt  }
0x6c: {  	_ =	shalt  }
0x6d: {  	_ =	shalt  }
0x6e: {  	_ =	shalt  }
0x6f: {  	_ =	shalt  }
0x70: {  	_ =	shalt  }
0x71: {  	_ =	shalt  }
0x72: {  	_ =	shalt  }
0x73: {  	_ =	shalt  }
0x74: {  	_ =	shalt  }
0x75: {  	_ =	shalt  }
0x76: {  	_ =	shalt  }
0x77: {  	_ =	shalt  }
0x78: {  	_ =	shalt  }
0x79: {  	_ =	shalt  }
0x7a: {  	_ =	shalt  }
0x7b: {  	_ =	shalt  }
0x7c: {  	_ =	shalt  }
0x7d: {  	_ =	shalt  }
0x7e: {  	_ =	shalt  }
0x7f: {  	_ =	shalt  }
0x80: {  	_ =	shalt  }
0x81: {  	_ =	shalt  }
0x82: {  	_ =	shalt  }
0x83: {  	_ =	shalt  }
0x84: {  	_ =	shalt  }
0x85: {  	_ =	shalt  }
0x86: {  	_ =	shalt  }
0x87: {  	_ =	shalt  }
.Lfunc_end0:
.L_simem_size_0:
called_computation_lowered:
.L_overlay_start_0:
0x88: {  	s2 =	sld [smem:$0x3FD9]  }
0x89: {  	s3 =	sld [smem:$0x3FFE];
	_ =	sdelay $0x1  }
0x8a: {  	s1 =	srdreg.scid  }
0x8b: {  	s0 =	sand.u32 $0x1, s1  }
0x8c: {  	s14 =	sshll.u32 s0, $0xA;
	s2 =	sadd.s32 s3, s2  }
0x8d: {  	s2 =	sadd.s32 s2, s14  }
0x8e: {  	[smem:$0x3FBA] =	sst s2  }
0x8f: {  	_ = 	snop  }
0x90: {  	s2 =	sld [smem:$0x3FD0];
	_ =	sdelay $0x2  }
0x91: {  	s15 =	simm.s32 $0xA;
	s4 =	simm.s32 $0x10  }
0x92: {  	[smem:s4], [sflag:s15] =	dma.local [hbm:s2], $0x1  }
0x93: {  	_ =	swait.eq [sflag:s15], $0x1  }
0x94: {  	[sflag:s15] =	ssyncset.done $0x0  }
0x95: {  	[sflag:s15] =	ssyncadd.s32 $0xFFFFFFFF  }
0x96: {  	s16 =	sld [smem:$0x10];
	(tm) =	ssettm $0x1  }
0x97: {  	s17 =	sld [smem:$0x3FFB];
	_ =	sdelay $0x3  }
0x98: {  	_ =	strace s17  }
0x99: {  	s3 =	sld [smem:$0x3FFC];
	_ =	sdelay $0x3  }
0x9a: {  	_ =	strace s3  }
0x9b: {  	s3 =	sld [smem:$0x3FFD];
	_ =	sdelay $0x3  }
0x9c: {  	_ =	strace s3  }
0x9d: {  	_ =	strace $0x8FFFFFFF  }
0x9e: {  	s18 =	sld [smem:$0x3FDB];
	_ =	sdelay $0x1  }
0x9f: {  	s19 =	simm.s32 $_scs_section_size  }
0xa0: {  	s5 =	simm.s32 $_size__tile_overlayer_lowered;
	s6 =	simm.s32 $_tile_overlayer_lowered  }
0xa1: {  	s22 =	simm.s32 $0x1BFF;
	s21 =	sshll.u32 s6, $0x1;
	s3 =	sadd.s32 s19, s18  }
0xa2: {  	s7 =	simm.s32 $0x0;
	s20 =	sshll.u32 s5, $0x1;
	s5 =	sadd.s32 s21, s3  }
0xa3: {  	[timem:s7], [sflag:s22] =	dma.local [hbm:s5], s20  }
0xa4: {  	_ =	swait.ge [sflag:s22], s20  }
0xa5: {  	s4 =	ssub.s32 $0x0, s20;
	[sflag:s22] =	ssyncset.done $0x0  }
0xa6: {  	[sflag:s22] =	ssyncadd.s32 s4;
	_ =	sdelay $0x1  }
0xa7: {  	s23 =	simm.s32 $0x1B8B  }
0xa8: {  	_ =	swait.ge [sflag:s23], $0x1  }
0xa9: {  	[sflag:s23] =	ssyncset.done $0x0  }
0xaa: {  	s25 =	simm.s32 $0x1B8E;
	s24 =	sld [smem:$0x3FFE];
	[sflag:s23] =	ssyncadd.s32 $0xFFFFFFFF  }
0xab: {  	s26 =	simm.s32 $execute0_lowered;
	[smem:$0x3FD2] =	sst s25  }
0xac: {  	s5 =	sshll.u32 s26, $0x1;
	_ =	strace $0x80000046;
	[dreg:$0x1] =	wrdreg $0xFFFFFFFF  }
0xad: {  	s28 =	simm.s32 $_size_execute0_lowered;
	s3 =	sadd.s32 s3, s5;
	[dreg:$0x0] =	wrdreg $0x0  }
0xae: {  	s5 =	sshll.u32 s28, $0x1;
	[dreg:$0x2] =	wrdreg s3  }
0xaf: {  	[dreg:$0x3] =	wrdreg s5  }
0xb0: {  	[dreg:$0x4] =	wrdreg $0xC0  }
0xb1: {  	_ =	task [dreg:s7], $0x5FFFF  }
0xb2: {  	[dreg:$0x1] =	wrdreg $0xFFFFFFFF  }
0xb3: {  	[dreg:$0x0] =	wrdreg $0x60  }
0xb4: {  	[dreg:$0x2] =	wrdreg s24  }
0xb5: {  	[dreg:$0x3] =	wrdreg s16  }
0xb6: {  	[dreg:$0x4] =	wrdreg $0x9  }
0xb7: {  	_ =	task.clear_ibuf [dreg:s7], $0x5FFFF;
	_ =	strace $0x90000046  }
0xb8: {  	s29 =	simm.s32 $0x9;
	_ =	strace $0x80000048  }
0xb9: {  	_ =	swait.ge [sflag:s29], $0x1  }
0xba: {  	[sflag:s29] =	ssyncadd.s32 $0xFFFFFFFF  }
0xbb: {  	_ =	strace $0x90000048  }
0xbc: {  	_ =	sfence  }
0xbd: {  	s30 =	sld [smem:$0x0];
	_ =	sdelay $0x2  }
0xbe: {  	s31 =	sshll.u32 s1, $0xD;
	s1 =	sshrl.u32 s1, $0x2  }
0xbf: {  	s3 =	sand.u32 $0x4000, s31;
	s1 =	sadd.s32 s1, s30  }
0xc0: {  	s0 =	sor.u32 s3, s0;
	s1 =	sshll.u32 s1, $0x11  }
0xc1: {  	s0 =	sor.u32 s1, s0  }
0xc2: {  	s0 =	sadd.s32 $0x8F2B, s0  }
0xc3: {  	[sflag:s0] =	ssyncadd.remote.s32 $0x1  }
0xc4: {  	_ =	sfence.sel $0xFFFF  }
0xc5: {  	[dreg:$0x0] =	wrdreg $0xFFFFFFFF;
	(pc) =	sbr.abs _section_cstart, $3  }
0xc6: {  	[dreg:$0x1] =	wrdreg $0xFFFFFFFF  }
0xc7: {  	_ =	task.clear_ibuf [dreg:s7], $0x2FFFF;
	_ =	strace $0x9FFFFFFF  }
0xc8: {  	(tm) =	ssettm $0x7FFFFFFF  }
0xc9: {  	_ =	shalt  }
tec
execute0_lowered:
.L_overlay_start_1:
0x0: {  	(tag) =	ssettag $0x1  }
0x1: {  	s0 =	srdreg.scid;
	s3 =	rddreg [dreg:$0x0]  }
0x2: {  	s5 =	rddreg [dreg:$0x1];
	s4 =	sand.u32 $0x1, s0  }
0x3: {  	s1 =	stileid.u32;
	s2 =	simm.s32 $0x0;
	s6 =	sshll.u32 s4, $0x4  }
0x4: {  	s9 =	simm.s32 $0x5000;
	s10 =	simm.s32 $0x0;
	s6 =	sor.u32 s1, s6  }
0x5: {  	s0 =	rddreg [dreg:$0x2];
	s4 =	ssub.s32 $0x2, s4;
	s7 =	smul.u32 $0x500, s6  }
0x6: {  	[smem:$0x7FF] =	sst s2;
	s31 =	sshrl.u32 s4, $0x1;
	s6 =	smul.u32 $0x9E0, s6  }
0x7: {  	_ =	strace $0x80000047;
	s8 =	ssub.s32 s4, s31;
	s7 =	sadd.s32 s7, s3  }
0x8: {  	s5 =	sadd.s32 s5, s6;
	s6 =	smax.u32 s8, $0x1;
	s8 =	simm.s32 $0x2800  }
0x9: {  	v0 =	vimm.f32 $0.0e+00;
	v1 =	vimm.f32 $1.000000000e+00;
	s3 =	sadd.s32 $0xF800, s7;
	s4 =	sadd.s32 $0x5800, s7;
	s7 =	simm.s32 $0x1  }
.LBB2_1:
0xa: {  	[tilespmem:s2], [sflag:$0x1] =	stream.linear.gather [hbm4b:s3+s2], $0x2800, $0x38;
	[tilespmem:$0x9F00] =	vst v63  }
0xb: {  	_ =	swait.ge [sflag:s7], $0x2800  }
0xc: {  	[sflag:s7] =	ssyncset.done $0x0  }
0xd: {  	[sflag:s7] =	ssyncadd.s32 $0xFFFFD800  }
0xe: {  	[tilespmem:s8], [sflag:$0x1] =	stream.linear.gather [hbm4b:s4+s2], $0x2800, $0x38;
	[tilespmem:$0x9F00] =	vst v63  }
0xf: {  	_ =	swait.ge [sflag:s7], $0x2800  }
0x10: {  	[sflag:s7] =	ssyncset.done $0x0  }
0x11: {  	s11 =	simm.s32 $0x0;
	s12 =	simm.s32 $0x0;
	[sflag:s7] =	ssyncadd.s32 $0xFFFFD800  }
.LBB2_2:
0x12: {  	p0 =	sne.s32 s12, $0x2700  }
.Ltmp0:
0x13: {  	_ = 	snop;
	(pc) =	sbr.rel @p0 .LBB2_2-.Ltmp0, $4  }
0x14: {  	s13 =	sand.u32 $0x70, s12;
	s14 =	sand.u32 $0x7F00, s11  }
0x15: {  	s13 =	sor.u32 s13, s14  }
0x16: {  	[tilespmem:s13+$0x5000] =	vst v0  }
0x17: {  	s11 =	sadd.s32 $0x20, s11;
	s12 =	sadd.s32 $0x10, s12;
	[tilespmem:s13+$0x5080] =	vst v0  }
0x18: {  	s12 =	simm.s32 $0x0  }
0x19: {  	s11 =	simm.s32 $0x40;
	v2 =	vld [tilespmem:s12+$0x0]  }
.LBB2_4:
0x1a: {  	p0 =	sne.s32 s11, $0x9C00;
	v3 =	vld [tilespmem:s12+$0x2800];
	_ =	sdelay $0x4  }
0x1b: {  	v4 =	vand.u32 $0x7F, v2;
	v2 =	vshll.u32 v2, $0x1;
	v5 =	vshll.u32 v3, $0x1  }
0x1c: {  	v2 =	vand.u32 $0xFFFFFF00, v2;
	v3 =	vand.u32 $0x7F, v3;
	v5 =	vand.u32 $0xFFFFFF00, v5  }
0x1d: {  	v2 =	vor.u32 v4, v2;
	v3 =	vor.u32 v5, v3  }
0x1e: {  	v3 =	vor.u32 $0x80, v3;
	_ =	sdelay $0x1  }
.Ltmp1:
0x1f: {  	(pc) =	sbr.rel @p0 .LBB2_4-.Ltmp1, $4  }
0x20: {  	_ = 	snop  }
0x21: {  	[tilespmem:v2+s9+$0x0] =	vst.idx.add.f32.msk $0xffff, v1  }
0x22: {  	s12 =	sshra.s32 s11, $0x2;
	[tilespmem:v3+s9+$0x0] =	vst.idx.add.f32.msk $0xffff, v1  }
0x23: {  	s11 =	sadd.s32 $0x40, s11;
	v2 =	vld [tilespmem:s12+$0x0]  }
0x24: {  	v3 =	vld [tilespmem:s12+$0x2800];
	_ =	sdelay $0x4  }
0x25: {  	v4 =	vand.u32 $0x7F, v2;
	v2 =	vshll.u32 v2, $0x1;
	v5 =	vshll.u32 v3, $0x1  }
0x26: {  	v2 =	vand.u32 $0xFFFFFF00, v2;
	v3 =	vand.u32 $0x7F, v3;
	v5 =	vand.u32 $0xFFFFFF00, v5  }
0x27: {  	v2 =	vor.u32 v4, v2;
	v3 =	vor.u32 v5, v3  }
0x28: {  	v3 =	vor.u32 $0x80, v3;
	_ =	sdelay $0x2  }
0x29: {  	s10 =	sadd.s32 $0x1, s10  }
0x2a: {  	p0 =	sne.s32 s10, s6;
	[tilespmem:v2+s9+$0x0] =	vst.idx.add.f32.msk $0xffff, v1  }
.Ltmp2:
0x2b: {  	[tilespmem:v3+s9+$0x0] =	vst.idx.add.f32.msk $0xffff, v1;
	(pc) =	sbr.rel @p0 .LBB2_1-.Ltmp2, $4  }
0x2c: {  	[hbm4b:s5+s2] =	stream.linear.scatter [tilespmem:s9], [sflag:$0x1], $0x4F00, $0x38;
	[tilespmem:$0x9F00] =	vst v63  }
0x2d: {  	_ =	swait.ge [sflag:s7], $0x4F00  }
0x2e: {  	[sflag:s7] =	ssyncset.done $0x0  }
0x2f: {  	[sflag:s7] =	ssyncadd.s32 $0xFFFFB100  }
0x30: {  	_ =	sfence.sel $0x180000  }
0x31: {  	[bflag:$0x0] =	sbarrier.arrive $0xFFFF  }
0x32: {  	p0 =	sne.s32 s1, $0x0;
	_ =	strace $0x90000047  }
0x33: {  	s0 =	sadd.s32 @!p0 $0x100000, s0;
	[bflag:$0x2] =	sbarrier.arrive $0xFFFF  }
0x34: {  	[sflag:s0] =	ssyncadd.tile.s32 @!p0 $0x1;
	_ =	shalt  }
.Lfunc_end2:
_tile_overlayer_lowered:
.L_overlay_start_2:
0x35: {  	(tag) =	ssettag $0x2  }
0x36: {  	s0 =	rddreg [dreg:$0x0];
	s2 =	stileid.u32  }
0x37: {  	s1 =	rddreg [dreg:$0x1];
	p0 =	sne.s32 s2, $0x0  }
0x38: {  	s3 =	rddreg [dreg:$0x2];
	[bflag:$0x3] =	sbarrier.arrive $0xFFFF;
	s2 =	simm.s32 @!p0 $0x1C01  }
0x39: {  	[timem:s3], [sflag:s2] =	dma.local @!p0 [hbm:s0], s1  }
0x3a: {  	s0 =	simm.s32 @!p0 $0x1  }
0x3b: {  	_ =	swait.ge @!p0 [sflag:s0], s1  }
0x3c: {  	s1 =	ssub.s32 @!p0 $0x0, s1;
	[sflag:s0] =	ssyncset.done @!p0 $0x0  }
0x3d: {  	[sflag:s0] =	ssyncadd.s32 @!p0 s1  }
0x3e: {  	[bflag:$0x3] =	sbarrier.arrive $0xFFFF  }
0x3f: {  	_ =	shalt  }

</sc_bundles>
